<compile_context>
chip_gen: v7x
topology: tpu7x:2x2x1
jax: 0.10.2.dev20260603
libtpu: 0.0.44.dev20260713+nightly
codegen_flags: <defaults>
</compile_context>

<pallas_src>
import functools

import jax
import jax.numpy as jnp
from jax import lax
from jax.experimental import pallas as pl
from jax.experimental.pallas import tpu as pltpu
from jax.experimental.pallas import tpu_sc as plsc



def _fps_body(S, x_ref, y_ref, z_ref, idx_ref, cx_ref, cy_ref, cz_ref):
    B, R, L = x_ref.shape
    N = R * L
    lin = (lax.broadcasted_iota(jnp.int32, (B, R, L), 1) * L
           + lax.broadcasted_iota(jnp.int32, (B, R, L), 2))
    X = x_ref[...]
    Y = y_ref[...]
    Z = z_ref[...]

    def red2(v, red):
        return red(red(v, axis=2), axis=1)

    def body(t, carry):
        dist, far = carry
        mask = lin == far[:, None, None]
        cx = red2(jnp.where(mask, X, 0.0), jnp.sum)
        cy = red2(jnp.where(mask, Y, 0.0), jnp.sum)
        cz = red2(jnp.where(mask, Z, 0.0), jnp.sum)
        idx_ref[pl.ds(t, 1), :] = far[None, :]
        cx_ref[pl.ds(t, 1), :] = cx[None, :]
        cy_ref[pl.ds(t, 1), :] = cy[None, :]
        cz_ref[pl.ds(t, 1), :] = cz[None, :]
        d = ((X - cx[:, None, None]) ** 2 + (Y - cy[:, None, None]) ** 2
             + (Z - cz[:, None, None]) ** 2)
        dist = jnp.minimum(dist, d)
        m = red2(dist, jnp.max)
        li = red2(jnp.where(dist == m[:, None, None], lin, N), jnp.min)
        return dist, li

    dist0 = jnp.full((B, R, L), 1e10, dtype=jnp.float32)
    far0 = jnp.zeros((B,), dtype=jnp.int32)
    lax.fori_loop(0, S, body, (dist0, far0))


def _fps(xyz, S):
    B, N, _ = xyz.shape
    R = N // 128
    X = xyz[..., 0].reshape(B, R, 128)
    Y = xyz[..., 1].reshape(B, R, 128)
    Z = xyz[..., 2].reshape(B, R, 128)
    outs = pl.pallas_call(
        functools.partial(_fps_body, S),
        out_shape=[
            jax.ShapeDtypeStruct((S, B), jnp.int32),
            jax.ShapeDtypeStruct((S, B), jnp.float32),
            jax.ShapeDtypeStruct((S, B), jnp.float32),
            jax.ShapeDtypeStruct((S, B), jnp.float32),
        ],
    )(X, Y, Z)
    return outs[0].T



def _ballquery_body(r2, K, N, nx_ref, x_ref, out_ref):
    b = pl.program_id(0)
    A = nx_ref[0]
    X = x_ref[0]
    SB = A.shape[0]
    s2 = jnp.sum(A * A, axis=1)
    n2 = jnp.sum(X * X, axis=1)
    dots = lax.dot_general(A, X, (((1,), (1,)), ((), ())))
    d = s2[:, None] + n2[None, :] - 2.0 * dots
    iota = lax.broadcasted_iota(jnp.int32, (SB, N), 1)
    cand0 = jnp.where(d > r2, N, iota)
    lane = lax.broadcasted_iota(jnp.int32, (SB, K), 1)
    BIG = jnp.int32(1 << 30)

    def body(j, carry):
        cand, cols = carry
        mj = jnp.min(cand, axis=1)
        cols = jnp.where(lane == j, mj[:, None], cols)
        cand = jnp.where(cand == mj[:, None], BIG, cand)
        return cand, cols

    _, cols = lax.fori_loop(0, K, body, (cand0, jnp.zeros((SB, K), jnp.int32)))
    col0 = cols[:, 0:1]
    cols = jnp.where(cols >= N, col0, cols)
    cols = jnp.minimum(cols, N - 1)
    out_ref[0] = cols + b * N


def _ballquery(radius, K, xyz, new_xyz, SB):
    B, N, _ = xyz.shape
    S = new_xyz.shape[1]
    r2 = float(radius) ** 2
    return pl.pallas_call(
        functools.partial(_ballquery_body, r2, K, N),
        grid=(B, S // SB),
        in_specs=[
            pl.BlockSpec((1, SB, 3), lambda b, s: (b, s, 0)),
            pl.BlockSpec((1, N, 3), lambda b, s: (b, 0, 0)),
        ],
        out_specs=pl.BlockSpec((1, SB, K), lambda b, s: (b, s, 0)),
        out_shape=jax.ShapeDtypeStruct((B, S, K), jnp.int32),
    )(new_xyz, xyz)



def _sc_gather(table, idx):
    V, Dp = table.shape
    (Bi,) = idx.shape
    NW = 32
    bpw = Bi // NW
    CH = min(128, bpw)
    nch = bpw // CH
    mesh = plsc.VectorSubcoreMesh(core_axis_name="c", subcore_axis_name="s")

    @functools.partial(
        pl.kernel,
        out_type=jax.ShapeDtypeStruct((Bi, Dp), jnp.float32),
        scratch_types=[
            pltpu.VMEM((CH,), jnp.int32),
            pltpu.VMEM((CH, Dp), jnp.float32),
            pltpu.SemaphoreType.DMA,
        ],
        mesh=mesh,
        compiler_params=pltpu.CompilerParams(use_tc_tiling_on_sc=False),
    )
    def k(table_hbm, idx_hbm, out_hbm, idx_v, rows_v, sem):
        wid = lax.axis_index("s") * 2 + lax.axis_index("c")
        base = wid * bpw

        def body(c, carry):
            off = base + c * CH
            pltpu.sync_copy(idx_hbm.at[pl.ds(off, CH)], idx_v)
            pltpu.async_copy(table_hbm.at[idx_v], rows_v, sem).wait()
            pltpu.sync_copy(rows_v, out_hbm.at[pl.ds(off, CH)])
            return carry

        lax.fori_loop(0, nch, body, 0)

    return k(table, idx)



def _sa_mlp_body(nl, G, K, Dp, gath_ref, cen_ref, *args):
    w = [args[3 * i] for i in range(nl)]
    a = [args[3 * i + 1] for i in range(nl)]
    d = [args[3 * i + 2] for i in range(nl)]
    out_ref = args[3 * nl]
    g = gath_ref[...]
    c = cen_ref[...]
    cpad = jnp.concatenate(
        [c[:, :3].reshape(G, 1, 3), jnp.zeros((G, 1, Dp - 3), jnp.float32)],
        axis=2)
    h = (g - cpad).reshape(G * K, Dp)
    for i in range(nl):
        h = jnp.dot(h, w[i][...], preferred_element_type=jnp.float32)
        h = jnp.maximum(h * a[i][...] + d[i][...], 0.0)
    C = h.shape[-1]
    out_ref[...] = jnp.max(h.reshape(G, K, C), axis=1)


def _sa_mlp(gathered, centers, layers, G):
    BS, K, Dp = gathered.shape
    nl = len(layers)
    Cout = layers[-1][0].shape[1]
    in_specs = [
        pl.BlockSpec((G, K, Dp), lambda i: (i, 0, 0)),
        pl.BlockSpec((G, 8), lambda i: (i, 0)),
    ]
    ops = []
    for (wt, av, dv) in layers:
        in_specs.append(pl.BlockSpec(wt.shape, lambda i: (0, 0)))
        in_specs.append(pl.BlockSpec(av.shape, lambda i: (0, 0)))
        in_specs.append(pl.BlockSpec(dv.shape, lambda i: (0, 0)))
        ops.extend([wt, av, dv])
    return pl.pallas_call(
        functools.partial(_sa_mlp_body, nl, G, K, Dp),
        grid=(BS // G,),
        in_specs=in_specs,
        out_specs=pl.BlockSpec((G, Cout), lambda i: (i, 0)),
        out_shape=jax.ShapeDtypeStruct((BS, Cout), jnp.float32),
    )(gathered, centers, *ops)



def _fp_select_body(S2, x1_ref, x2_ref, idx_ref, d_ref):
    A1 = x1_ref[0]
    A2 = x2_ref[0]
    G = A1.shape[0]
    s1 = jnp.sum(A1 * A1, axis=1)
    s2 = jnp.sum(A2 * A2, axis=1)
    dots = lax.dot_general(A1, A2, (((1,), (1,)), ((), ())))
    dist = s1[:, None] + s2[None, :] - 2.0 * dots
    iota = lax.broadcasted_iota(jnp.int32, (G, S2), 1)
    INF = jnp.float32(3e38)
    cur = dist
    mvals, idxs = [], []
    for _ in range(3):
        mv = jnp.min(cur, axis=1)
        ij = jnp.min(jnp.where(cur == mv[:, None], iota, S2), axis=1)
        mvals.append(mv)
        idxs.append(ij)
        cur = jnp.where(iota == ij[:, None], INF, cur)
    idx_ref[0] = jnp.stack(idxs, axis=1)
    d_ref[0] = jnp.stack(mvals, axis=1)


def _fp_select(xyz1, xyz2, G):
    B, S1, _ = xyz1.shape
    S2 = xyz2.shape[1]
    return pl.pallas_call(
        functools.partial(_fp_select_body, S2),
        grid=(B, S1 // G),
        in_specs=[
            pl.BlockSpec((1, G, 3), lambda b, s: (b, s, 0)),
            pl.BlockSpec((1, S2, 3), lambda b, s: (b, 0, 0)),
        ],
        out_specs=[
            pl.BlockSpec((1, G, 3), lambda b, s: (b, s, 0)),
            pl.BlockSpec((1, G, 3), lambda b, s: (b, s, 0)),
        ],
        out_shape=[
            jax.ShapeDtypeStruct((B, S1, 3), jnp.int32),
            jax.ShapeDtypeStruct((B, S1, 3), jnp.float32),
        ],
    )(xyz1, xyz2)


def _fp_mlp_body(nl, relus, S2, idx_ref, w_ref, f1_ref, f2_ref, *args):
    w = [args[3 * i] for i in range(nl)]
    a = [args[3 * i + 1] for i in range(nl)]
    d = [args[3 * i + 2] for i in range(nl)]
    out_ref = args[3 * nl]
    idxs = idx_ref[0]
    ws = w_ref[0]
    G = idxs.shape[0]
    iota = lax.broadcasted_iota(jnp.int32, (G, S2), 1)
    f2 = f2_ref[0]
    P = []
    for j in range(3):
        oh = jnp.where(iota == idxs[:, j][:, None], 1.0, 0.0)
        P.append(jnp.dot(oh, f2, preferred_element_type=jnp.float32,
                         precision=lax.Precision.HIGHEST))
    interp = (P[0] * ws[:, 0][:, None] + P[1] * ws[:, 1][:, None]
              + P[2] * ws[:, 2][:, None])
    h = jnp.concatenate([f1_ref[0], interp], axis=1)
    for i in range(nl):
        h = jnp.dot(h, w[i][...], preferred_element_type=jnp.float32)
        h = h * a[i][...] + d[i][...]
        if relus[i]:
            h = jnp.maximum(h, 0.0)
    out_ref[0] = h


def _fp(xyz1, xyz2, feats1, feats2, layers, relus, G):
    B, S1, _ = xyz1.shape
    S2 = xyz2.shape[1]
    C1 = feats1.shape[2]
    C2 = feats2.shape[2]
    nl = len(layers)
    Cout = layers[-1][0].shape[1]
    dists = (jnp.sum(xyz1 ** 2, -1)[:, :, None] + jnp.sum(xyz2 ** 2, -1)[:, None, :]
             - 2.0 * jnp.einsum('bnc,bmc->bnm', xyz1, xyz2))
    _, idx3 = lax.top_k(-dists, 3)
    d3 = jnp.take_along_axis(dists, idx3, axis=-1)
    dist_recip = 1.0 / (d3 + 1e-8)
    norm = jnp.sum(dist_recip, axis=-1, keepdims=True)
    weight = dist_recip / norm
    in_specs = [
        pl.BlockSpec((1, G, 3), lambda b, s: (b, s, 0)),
        pl.BlockSpec((1, G, 3), lambda b, s: (b, s, 0)),
        pl.BlockSpec((1, G, C1), lambda b, s: (b, s, 0)),
        pl.BlockSpec((1, S2, C2), lambda b, s: (b, 0, 0)),
    ]
    ops = []
    for (wt, av, dv) in layers:
        in_specs.append(pl.BlockSpec(wt.shape, lambda b, s: (0, 0)))
        in_specs.append(pl.BlockSpec(av.shape, lambda b, s: (0, 0)))
        in_specs.append(pl.BlockSpec(dv.shape, lambda b, s: (0, 0)))
        ops.extend([wt, av, dv])
    return pl.pallas_call(
        functools.partial(_fp_mlp_body, nl, tuple(relus), S2),
        grid=(B, S1 // G),
        in_specs=in_specs,
        out_specs=pl.BlockSpec((1, G, Cout), lambda b, s: (b, s, 0)),
        out_shape=jax.ShapeDtypeStruct((B, S1, Cout), jnp.float32),
    )(idx3, weight, feats1, feats2, *ops)



def _prep_layers(raw):
    out = []
    for (W, b, gamma, beta, mean, var) in raw:
        a = gamma / jnp.sqrt(var + 1e-5)
        dv = (b - mean) * a + beta
        out.append((W.T, a[None, :], dv[None, :]))
    return out


def _ceil16(x):
    return (x + 15) // 16 * 16


def _sa_stage(xyz, feats, raw_layers, S, radius, K, SB, G):
    B, N, _ = xyz.shape
    C = feats.shape[2]
    fps_idx = _fps(xyz, S)
    new_xyz = jax.vmap(lambda p, i: p[i])(xyz, fps_idx)
    gidx = _ballquery(radius, K, xyz, new_xyz, SB)
    Dp = _ceil16(3 + C)
    tab = jnp.concatenate([xyz, feats], axis=-1)
    tab = jnp.pad(tab, ((0, 0), (0, 0), (0, Dp - (3 + C))))
    tab = tab.reshape(B * N, Dp)
    gathered = _sc_gather(tab, gidx.reshape(-1)).reshape(B * S, K, Dp)
    centers = jnp.pad(new_xyz, ((0, 0), (0, 0), (0, 5))).reshape(B * S, 8)
    layers = _prep_layers(raw_layers)
    w0, a0, d0 = layers[0]
    layers[0] = (jnp.pad(w0, ((0, Dp - w0.shape[0]), (0, 0))), a0, d0)
    new_feats = _sa_mlp(gathered, centers, layers, G).reshape(B, S, -1)
    return new_xyz, new_feats


def kernel(xyz, points, params):
    B, N, _ = xyz.shape
    feats0 = points

    l1_xyz, l1_f = _sa_stage(
        xyz, feats0, params['sa1'], 1024, 0.1, 32, SB=256, G=128)
    l2_xyz, l2_f = _sa_stage(
        l1_xyz, l1_f, params['sa2'], 256, 0.2, 32, SB=256, G=128)
    l3_xyz, l3_f = _sa_stage(
        l2_xyz, l2_f, params['sa3'], 64, 0.4, 32, SB=64, G=64)

    fp3_layers = _prep_layers(params['fp3'])
    l2_f = _fp(l2_xyz, l3_xyz, l2_f, l3_f, fp3_layers,
               [True, True], G=256)
    fp2_layers = _prep_layers(params['fp2'])
    l1_f = _fp(l1_xyz, l2_xyz, l1_f, l2_f, fp2_layers,
               [True, True], G=256)

    h = params['head']
    a1 = h['bn1_gamma'] / jnp.sqrt(h['bn1_var'] + 1e-5)
    d1 = (h['conv1_b'] - h['bn1_mean']) * a1 + h['bn1_beta']
    head_layers = [
        (h['conv1_W'].T, a1[None, :], d1[None, :]),
        (h['conv2_W'].T, jnp.ones((1, h['conv2_W'].shape[0]), jnp.float32),
         h['conv2_b'][None, :]),
    ]
    fp1_layers = _prep_layers(params['fp1']) + head_layers
    out = _fp(xyz, l1_xyz, feats0, l1_f, fp1_layers,
              [True, True, True, True, False], G=512)
    return jnp.transpose(out, (0, 2, 1))

# --- scband reference (transcript-rebuilt; emitter-appended) ---
"""Pipeline reference for scband-point-net2-87729001988965 (READ-ONLY COPY).

The authoritative reference and input builder live on the scoring server;
editing this copy changes nothing except your own understanding.
"""

import jax, jax.numpy as jnp
import numpy as np


def square_distance(src, dst):
    return jnp.sum(src ** 2, -1)[:, :, None] + jnp.sum(dst ** 2, -1)[:, None, :] - 2.0 * jnp.einsum('bnc,bmc->bnm', src, dst)


def index_points(points, idx):
    return jax.vmap(lambda p, i: p[i])(points, idx)


def farthest_point_sample(xyz, npoint):
    xyz = jax.lax.stop_gradient(xyz)
    B, N, _ = xyz.shape

    def body(carry, _):
        distance, farthest = carry
        centroid = index_points(xyz, farthest[:, None])
        dist = jnp.sum((xyz - centroid) ** 2, -1)
        distance = jnp.minimum(distance, dist)
        new_far = jnp.argmax(distance, -1).astype(jnp.int32)
        return (distance, new_far), farthest

    init = (jnp.full((B, N), 1e10, dtype=xyz.dtype), jnp.zeros((B,), dtype=jnp.int32))
    _, idxs = jax.lax.scan(body, init, None, length=npoint)
    return jnp.transpose(idxs)


def query_ball_point(radius, nsample, xyz, new_xyz):
    B, N, _ = xyz.shape
    S = new_xyz.shape[1]
    sqrdists = square_distance(jax.lax.stop_gradient(new_xyz), jax.lax.stop_gradient(xyz))
    group_idx = jnp.broadcast_to(jnp.arange(N, dtype=jnp.int32), (B, S, N))
    group_idx = jnp.where(sqrdists > radius ** 2, N, group_idx)
    group_idx = jnp.sort(group_idx, axis=-1)[:, :, :nsample]
    group_first = jnp.broadcast_to(group_idx[:, :, :1], group_idx.shape)
    group_idx = jnp.where(group_idx == N, group_first, group_idx)
    return jnp.minimum(group_idx, N - 1)


def mlp_block(x, layers):
    for (W, b, gamma, beta, mean, var) in layers:
        x = jnp.einsum('...i,oi->...o', x, W) + b
        x = (x - mean) / jnp.sqrt(var + 1e-5) * gamma + beta
        x = jax.nn.relu(x)
    return x


def set_abstraction(xyz, points, layers, npoint, radius, nsample):
    pts = jnp.transpose(points, (0, 2, 1))
    fps_idx = farthest_point_sample(xyz, npoint)
    new_xyz = index_points(xyz, fps_idx)
    idx = query_ball_point(radius, nsample, xyz, new_xyz)
    grouped_xyz = index_points(xyz, idx) - new_xyz[:, :, None, :]
    grouped = jnp.concatenate([grouped_xyz, index_points(pts, idx)], axis=-1)
    out = mlp_block(grouped, layers)
    new_points = jnp.max(out, axis=2)
    return new_xyz, jnp.transpose(new_points, (0, 2, 1))


def feature_propagation(xyz1, xyz2, points1, points2, layers):
    pts2 = jnp.transpose(points2, (0, 2, 1))
    dists = square_distance(xyz1, xyz2)
    idx = jnp.argsort(dists, axis=-1)[:, :, :3]
    d = jnp.take_along_axis(dists, idx, axis=-1)
    dist_recip = 1.0 / (d + 1e-8)
    norm = jnp.sum(dist_recip, axis=-1, keepdims=True)
    weight = dist_recip / norm
    interpolated = jnp.sum(index_points(pts2, idx) * weight[..., None], axis=2)
    pts1 = jnp.transpose(points1, (0, 2, 1))
    new_points = jnp.concatenate([pts1, interpolated], axis=-1)
    out = mlp_block(new_points, layers)
    return jnp.transpose(out, (0, 2, 1))


def pointnet2_forward(xyz, points, params):
    points_t = jnp.transpose(points, (0, 2, 1))
    l1_xyz, l1_points = set_abstraction(xyz, points_t, params['sa1'], 1024, 0.1, 32)
    l2_xyz, l2_points = set_abstraction(l1_xyz, l1_points, params['sa2'], 256, 0.2, 32)
    l3_xyz, l3_points = set_abstraction(l2_xyz, l2_points, params['sa3'], 64, 0.4, 32)
    l2_points = feature_propagation(l2_xyz, l3_xyz, l2_points, l3_points, params['fp3'])
    l1_points = feature_propagation(l1_xyz, l2_xyz, l1_points, l2_points, params['fp2'])
    l0_points = feature_propagation(xyz, l1_xyz, points_t, l1_points, params['fp1'])
    h = params['head']
    x = jnp.transpose(l0_points, (0, 2, 1))
    x = jnp.einsum('bni,oi->bno', x, h['conv1_W']) + h['conv1_b']
    x = (x - h['bn1_mean']) / jnp.sqrt(h['bn1_var'] + 1e-5) * h['bn1_gamma'] + h['bn1_beta']
    x = jax.nn.relu(x)
    x = jnp.einsum('bni,oi->bno', x, h['conv2_W']) + h['conv2_b']
    return jnp.transpose(x, (0, 2, 1))


def _mlp_params(key, in_c, channels):
    layers = []
    c = in_c
    for out_c in channels:
        key, k1 = jax.random.split(key)
        W = jax.random.normal(k1, (out_c, c), dtype=jnp.float32) * (1.0 / np.sqrt(c))
        layers.append((W, jnp.zeros((out_c,), jnp.float32), jnp.ones((out_c,), jnp.float32), jnp.zeros((out_c,), jnp.float32), jnp.zeros((out_c,), jnp.float32), jnp.ones((out_c,), jnp.float32)))
        c = out_c
    return layers


def setup_inputs(seed: int = 0):
    key = jax.random.key(seed)
    ks = jax.random.split(key, 10)
    B, N, num_classes = 4, 4096, 8
    xyz = jax.random.uniform(ks[0], (B, N, 3), dtype=jnp.float32)
    points = jax.random.normal(ks[1], (B, N, 3), dtype=jnp.float32)
    params = {
        'sa1': _mlp_params(ks[2], 6, [64, 64, 128]),
        'sa2': _mlp_params(ks[3], 131, [128, 128, 256]),
        'sa3': _mlp_params(ks[4], 259, [256, 256, 512]),
        'fp3': _mlp_params(ks[5], 768, [256, 256]),
        'fp2': _mlp_params(ks[6], 384, [256, 128]),
        'fp1': _mlp_params(ks[7], 131, [128, 128, 128]),
        'head': {
            'conv1_W': jax.random.normal(ks[8], (128, 128), dtype=jnp.float32) * (1.0 / np.sqrt(128)),
            'conv1_b': jnp.zeros((128,), jnp.float32),
            'bn1_gamma': jnp.ones((128,), jnp.float32),
            'bn1_beta': jnp.zeros((128,), jnp.float32),
            'bn1_mean': jnp.zeros((128,), jnp.float32),
            'bn1_var': jnp.ones((128,), jnp.float32),
            'conv2_W': jax.random.normal(ks[9], (num_classes, 128), dtype=jnp.float32) * (1.0 / np.sqrt(128)),
            'conv2_b': jnp.zeros((num_classes,), jnp.float32),
        },
    }
    return {'xyz': xyz, 'points': points, 'params': params}


def reference(xyz, points, params):
    return pointnet2_forward(xyz, points, params)

if __name__ == "__main__":
    import jax
    _d = setup_inputs()
    print(jax.jit(kernel)(*tuple(_d.values())))

</pallas_src>

<mosaic_0001>
#map = affine_map<(d0, d1) -> (0, 0)>
#map1 = affine_map<(d0, d1) -> (0)>
module attributes {stable_mosaic.version = 14 : i64} {
  func.func @k(%arg0: i32, %arg1: i32, %arg2: memref<16384x16xf32, #tpu.memory_space<hbm>>, %arg3: memref<131072xi32, #tpu.memory_space<hbm>>, %arg4: memref<131072x16xf32, #tpu.memory_space<hbm>>, %arg5: memref<128xi32, #tpu.memory_space<vmem>>, %arg6: memref<128x16xf32, #tpu.memory_space<vmem>>, %arg7: memref<!tpu.dma_semaphore, #tpu.memory_space<semaphore_mem>>) attributes {dimension_semantics = [#tpu.dimension_semantics<core_parallel>, #tpu.dimension_semantics<subcore_parallel>], iteration_bounds = array<i64: 2, 16>, scalar_prefetch = 0 : i64, scratch_operands = 3 : i64, tpu.core_type = #tpu.core_type<sc_vector_subcore>, window_params = [{transform_indices = #map}, {transform_indices = #map1}, {transform_indices = #map}]} {
    %mul3A = arith.constant 2 : i32
    %mul3A_0 = arith.muli %arg1, %mul3A : i32
    %add3A = arith.addi %mul3A_0, %arg0 : i32
    %mul3A_1 = arith.constant 4096 : i32
    %mul3A_2 = arith.muli %add3A, %mul3A_1 : i32
    %scan3A = arith.constant 0 : i32
    %scan3A_3 = arith.constant 0 : i32
    %scan3A_4 = arith.constant 32 : i32
    %scan3A_5 = arith.addi %scan3A_3, %scan3A_4 : i32
    %scan3A_6 = arith.constant 1 : i32
    scf.for %scan3A_8 = %scan3A_3 to %scan3A_5 step %scan3A_6  : i32 {
      %mul3A_9 = arith.constant 128 : i32
      %mul3A_10 = arith.muli %scan3A_8, %mul3A_9 : i32
      %add3A_11 = arith.addi %mul3A_2, %mul3A_10 : i32
      "tpu.region"() ({
        %run_scoped3A = tpu.sem_alloc : memref<!tpu.dma_semaphore, #tpu.memory_space<semaphore_mem>>
        %dma_start3A_16 = tpu.memref_slice %arg3[%add3A_11] : memref<131072xi32, #tpu.memory_space<hbm>> -> memref<128xi32, #tpu.memory_space<hbm>>
        %dma_start3A_17 = tpu.memref_slice %arg3[%add3A_11] : memref<131072xi32, #tpu.memory_space<hbm>> -> memref<128xi32, #tpu.memory_space<hbm>>
        tpu.enqueue_dma source(%dma_start3A_17 : memref<128xi32, #tpu.memory_space<hbm>>) target(%arg5 : memref<128xi32, #tpu.memory_space<vmem>>) target_semaphore(%run_scoped3A : memref<!tpu.dma_semaphore, #tpu.memory_space<semaphore_mem>>)
        %dma_wait3A_18 = tpu.memref_slice %arg3[%add3A_11] : memref<131072xi32, #tpu.memory_space<hbm>> -> memref<128xi32, #tpu.memory_space<hbm>>
        %dma_wait3A_19 = tpu.memref_slice %arg3[%add3A_11] : memref<131072xi32, #tpu.memory_space<hbm>> -> memref<128xi32, #tpu.memory_space<hbm>>
        tpu.wait_dma2 semaphore(%run_scoped3A : memref<!tpu.dma_semaphore, #tpu.memory_space<semaphore_mem>>) src(%dma_wait3A_19 : memref<128xi32, #tpu.memory_space<hbm>>) dst(%arg5 : memref<128xi32, #tpu.memory_space<vmem>>)
        tpu.yield
      }) : () -> ()
      %dma_start3A = arith.constant 0 : i32
      %dma_start3A_12 = arith.constant 0 : i32
      %dma_start3A_13 = tpu.memref_slice %arg2[%dma_start3A, %dma_start3A_12] : memref<16384x16xf32, #tpu.memory_space<hbm>> -> memref<16384x16xf32, #tpu.memory_space<hbm>>
      tpu.enqueue_indirect_dma source(%dma_start3A_13 : memref<16384x16xf32, #tpu.memory_space<hbm>>) target(%arg6 : memref<128x16xf32, #tpu.memory_space<vmem>>) offsets(%arg5 : memref<128xi32, #tpu.memory_space<vmem>>) semaphore(%arg7 : memref<!tpu.dma_semaphore, #tpu.memory_space<semaphore_mem>>)
      %dma_wait3A = arith.constant 0 : i32
      %dma_wait3A_14 = arith.constant 0 : i32
      %dma_wait3A_15 = tpu.memref_slice %arg2[%dma_wait3A, %dma_wait3A_14] : memref<16384x16xf32, #tpu.memory_space<hbm>> -> memref<16384x16xf32, #tpu.memory_space<hbm>>
      tpu.wait_indirect_dma semaphore(%arg7 : memref<!tpu.dma_semaphore, #tpu.memory_space<semaphore_mem>>) src(%dma_wait3A_15 : memref<16384x16xf32, #tpu.memory_space<hbm>>) dst(%arg6 : memref<128x16xf32, #tpu.memory_space<vmem>>)
      "tpu.region"() ({
        %run_scoped3A = tpu.sem_alloc : memref<!tpu.dma_semaphore, #tpu.memory_space<semaphore_mem>>
        %dma_start3A_16 = arith.constant 0 : i32
        %dma_start3A_17 = tpu.memref_slice %arg4[%add3A_11, %dma_start3A_16] : memref<131072x16xf32, #tpu.memory_space<hbm>> -> memref<128x16xf32, #tpu.memory_space<hbm>>
        %dma_start3A_18 = arith.constant 0 : i32
        %dma_start3A_19 = tpu.memref_slice %arg4[%add3A_11, %dma_start3A_18] : memref<131072x16xf32, #tpu.memory_space<hbm>> -> memref<128x16xf32, #tpu.memory_space<hbm>>
        tpu.enqueue_dma source(%arg6 : memref<128x16xf32, #tpu.memory_space<vmem>>) target(%dma_start3A_19 : memref<128x16xf32, #tpu.memory_space<hbm>>) target_semaphore(%run_scoped3A : memref<!tpu.dma_semaphore, #tpu.memory_space<semaphore_mem>>)
        %dma_wait3A_20 = arith.constant 0 : i32
        %dma_wait3A_21 = tpu.memref_slice %arg4[%add3A_11, %dma_wait3A_20] : memref<131072x16xf32, #tpu.memory_space<hbm>> -> memref<128x16xf32, #tpu.memory_space<hbm>>
        %dma_wait3A_22 = arith.constant 0 : i32
        %dma_wait3A_23 = tpu.memref_slice %arg4[%add3A_11, %dma_wait3A_22] : memref<131072x16xf32, #tpu.memory_space<hbm>> -> memref<128x16xf32, #tpu.memory_space<hbm>>
        tpu.wait_dma2 semaphore(%run_scoped3A : memref<!tpu.dma_semaphore, #tpu.memory_space<semaphore_mem>>) src(%arg6 : memref<128x16xf32, #tpu.memory_space<vmem>>) dst(%dma_wait3A_23 : memref<128x16xf32, #tpu.memory_space<hbm>>)
        tpu.yield
      }) : () -> ()
    }
    %scan3A_7 = arith.constant 32 : i32
    return
  }
}

#map = affine_map<(d0, d1) -> (0, 0)>
#map1 = affine_map<(d0, d1) -> (0)>
module attributes {stable_mosaic.version = 14 : i64} {
  func.func @k(%arg0: i32, %arg1: i32, %arg2: memref<4096x144xf32, #tpu.memory_space<hbm>>, %arg3: memref<32768xi32, #tpu.memory_space<hbm>>, %arg4: memref<32768x144xf32, #tpu.memory_space<hbm>>, %arg5: memref<128xi32, #tpu.memory_space<vmem>>, %arg6: memref<128x144xf32, #tpu.memory_space<vmem>>, %arg7: memref<!tpu.dma_semaphore, #tpu.memory_space<semaphore_mem>>) attributes {dimension_semantics = [#tpu.dimension_semantics<core_parallel>, #tpu.dimension_semantics<subcore_parallel>], iteration_bounds = array<i64: 2, 16>, scalar_prefetch = 0 : i64, scratch_operands = 3 : i64, tpu.core_type = #tpu.core_type<sc_vector_subcore>, window_params = [{transform_indices = #map}, {transform_indices = #map1}, {transform_indices = #map}]} {
    %mul3A = arith.constant 2 : i32
    %mul3A_0 = arith.muli %arg1, %mul3A : i32
    %add3A = arith.addi %mul3A_0, %arg0 : i32
    %mul3A_1 = arith.constant 1024 : i32
    %mul3A_2 = arith.muli %add3A, %mul3A_1 : i32
    %scan3A = arith.constant 0 : i32
    %scan3A_3 = arith.constant 0 : i32
    %scan3A_4 = arith.constant 8 : i32
    %scan3A_5 = arith.addi %scan3A_3, %scan3A_4 : i32
    %scan3A_6 = arith.constant 1 : i32
    scf.for %scan3A_8 = %scan3A_3 to %scan3A_5 step %scan3A_6  : i32 {
      %mul3A_9 = arith.constant 128 : i32
      %mul3A_10 = arith.muli %scan3A_8, %mul3A_9 : i32
      %add3A_11 = arith.addi %mul3A_2, %mul3A_10 : i32
      "tpu.region"() ({
        %run_scoped3A = tpu.sem_alloc : memref<!tpu.dma_semaphore, #tpu.memory_space<semaphore_mem>>
        %dma_start3A_16 = tpu.memref_slice %arg3[%add3A_11] : memref<32768xi32, #tpu.memory_space<hbm>> -> memref<128xi32, #tpu.memory_space<hbm>>
        %dma_start3A_17 = tpu.memref_slice %arg3[%add3A_11] : memref<32768xi32, #tpu.memory_space<hbm>> -> memref<128xi32, #tpu.memory_space<hbm>>
        tpu.enqueue_dma source(%dma_start3A_17 : memref<128xi32, #tpu.memory_space<hbm>>) target(%arg5 : memref<128xi32, #tpu.memory_space<vmem>>) target_semaphore(%run_scoped3A : memref<!tpu.dma_semaphore, #tpu.memory_space<semaphore_mem>>)
        %dma_wait3A_18 = tpu.memref_slice %arg3[%add3A_11] : memref<32768xi32, #tpu.memory_space<hbm>> -> memref<128xi32, #tpu.memory_space<hbm>>
        %dma_wait3A_19 = tpu.memref_slice %arg3[%add3A_11] : memref<32768xi32, #tpu.memory_space<hbm>> -> memref<128xi32, #tpu.memory_space<hbm>>
        tpu.wait_dma2 semaphore(%run_scoped3A : memref<!tpu.dma_semaphore, #tpu.memory_space<semaphore_mem>>) src(%dma_wait3A_19 : memref<128xi32, #tpu.memory_space<hbm>>) dst(%arg5 : memref<128xi32, #tpu.memory_space<vmem>>)
        tpu.yield
      }) : () -> ()
      %dma_start3A = arith.constant 0 : i32
      %dma_start3A_12 = arith.constant 0 : i32
      %dma_start3A_13 = tpu.memref_slice %arg2[%dma_start3A, %dma_start3A_12] : memref<4096x144xf32, #tpu.memory_space<hbm>> -> memref<4096x144xf32, #tpu.memory_space<hbm>>
      tpu.enqueue_indirect_dma source(%dma_start3A_13 : memref<4096x144xf32, #tpu.memory_space<hbm>>) target(%arg6 : memref<128x144xf32, #tpu.memory_space<vmem>>) offsets(%arg5 : memref<128xi32, #tpu.memory_space<vmem>>) semaphore(%arg7 : memref<!tpu.dma_semaphore, #tpu.memory_space<semaphore_mem>>)
      %dma_wait3A = arith.constant 0 : i32
      %dma_wait3A_14 = arith.constant 0 : i32
      %dma_wait3A_15 = tpu.memref_slice %arg2[%dma_wait3A, %dma_wait3A_14] : memref<4096x144xf32, #tpu.memory_space<hbm>> -> memref<4096x144xf32, #tpu.memory_space<hbm>>
      tpu.wait_indirect_dma semaphore(%arg7 : memref<!tpu.dma_semaphore, #tpu.memory_space<semaphore_mem>>) src(%dma_wait3A_15 : memref<4096x144xf32, #tpu.memory_space<hbm>>) dst(%arg6 : memref<128x144xf32, #tpu.memory_space<vmem>>)
      "tpu.region"() ({
        %run_scoped3A = tpu.sem_alloc : memref<!tpu.dma_semaphore, #tpu.memory_space<semaphore_mem>>
        %dma_start3A_16 = arith.constant 0 : i32
        %dma_start3A_17 = tpu.memref_slice %arg4[%add3A_11, %dma_start3A_16] : memref<32768x144xf32, #tpu.memory_space<hbm>> -> memref<128x144xf32, #tpu.memory_space<hbm>>
        %dma_start3A_18 = arith.constant 0 : i32
        %dma_start3A_19 = tpu.memref_slice %arg4[%add3A_11, %dma_start3A_18] : memref<32768x144xf32, #tpu.memory_space<hbm>> -> memref<128x144xf32, #tpu.memory_space<hbm>>
        tpu.enqueue_dma source(%arg6 : memref<128x144xf32, #tpu.memory_space<vmem>>) target(%dma_start3A_19 : memref<128x144xf32, #tpu.memory_space<hbm>>) target_semaphore(%run_scoped3A : memref<!tpu.dma_semaphore, #tpu.memory_space<semaphore_mem>>)
        %dma_wait3A_20 = arith.constant 0 : i32
        %dma_wait3A_21 = tpu.memref_slice %arg4[%add3A_11, %dma_wait3A_20] : memref<32768x144xf32, #tpu.memory_space<hbm>> -> memref<128x144xf32, #tpu.memory_space<hbm>>
        %dma_wait3A_22 = arith.constant 0 : i32
        %dma_wait3A_23 = tpu.memref_slice %arg4[%add3A_11, %dma_wait3A_22] : memref<32768x144xf32, #tpu.memory_space<hbm>> -> memref<128x144xf32, #tpu.memory_space<hbm>>
        tpu.wait_dma2 semaphore(%run_scoped3A : memref<!tpu.dma_semaphore, #tpu.memory_space<semaphore_mem>>) src(%arg6 : memref<128x144xf32, #tpu.memory_space<vmem>>) dst(%dma_wait3A_23 : memref<128x144xf32, #tpu.memory_space<hbm>>)
        tpu.yield
      }) : () -> ()
    }
    %scan3A_7 = arith.constant 8 : i32
    return
  }
}

#map = affine_map<(d0, d1) -> (0, 0)>
#map1 = affine_map<(d0, d1) -> (0)>
module attributes {stable_mosaic.version = 14 : i64} {
  func.func @k(%arg0: i32, %arg1: i32, %arg2: memref<1024x272xf32, #tpu.memory_space<hbm>>, %arg3: memref<8192xi32, #tpu.memory_space<hbm>>, %arg4: memref<8192x272xf32, #tpu.memory_space<hbm>>, %arg5: memref<128xi32, #tpu.memory_space<vmem>>, %arg6: memref<128x272xf32, #tpu.memory_space<vmem>>, %arg7: memref<!tpu.dma_semaphore, #tpu.memory_space<semaphore_mem>>) attributes {dimension_semantics = [#tpu.dimension_semantics<core_parallel>, #tpu.dimension_semantics<subcore_parallel>], iteration_bounds = array<i64: 2, 16>, scalar_prefetch = 0 : i64, scratch_operands = 3 : i64, tpu.core_type = #tpu.core_type<sc_vector_subcore>, window_params = [{transform_indices = #map}, {transform_indices = #map1}, {transform_indices = #map}]} {
    %mul3A = arith.constant 2 : i32
    %mul3A_0 = arith.muli %arg1, %mul3A : i32
    %add3A = arith.addi %mul3A_0, %arg0 : i32
    %mul3A_1 = arith.constant 256 : i32
    %mul3A_2 = arith.muli %add3A, %mul3A_1 : i32
    %scan3A = arith.constant 0 : i32
    %scan3A_3 = arith.constant 0 : i32
    %scan3A_4 = arith.constant 2 : i32
    %scan3A_5 = arith.addi %scan3A_3, %scan3A_4 : i32
    %scan3A_6 = arith.constant 1 : i32
    scf.for %scan3A_8 = %scan3A_3 to %scan3A_5 step %scan3A_6  : i32 {
      %mul3A_9 = arith.constant 128 : i32
      %mul3A_10 = arith.muli %scan3A_8, %mul3A_9 : i32
      %add3A_11 = arith.addi %mul3A_2, %mul3A_10 : i32
      "tpu.region"() ({
        %run_scoped3A = tpu.sem_alloc : memref<!tpu.dma_semaphore, #tpu.memory_space<semaphore_mem>>
        %dma_start3A_16 = tpu.memref_slice %arg3[%add3A_11] : memref<8192xi32, #tpu.memory_space<hbm>> -> memref<128xi32, #tpu.memory_space<hbm>>
        %dma_start3A_17 = tpu.memref_slice %arg3[%add3A_11] : memref<8192xi32, #tpu.memory_space<hbm>> -> memref<128xi32, #tpu.memory_space<hbm>>
        tpu.enqueue_dma source(%dma_start3A_17 : memref<128xi32, #tpu.memory_space<hbm>>) target(%arg5 : memref<128xi32, #tpu.memory_space<vmem>>) target_semaphore(%run_scoped3A : memref<!tpu.dma_semaphore, #tpu.memory_space<semaphore_mem>>)
        %dma_wait3A_18 = tpu.memref_slice %arg3[%add3A_11] : memref<8192xi32, #tpu.memory_space<hbm>> -> memref<128xi32, #tpu.memory_space<hbm>>
        %dma_wait3A_19 = tpu.memref_slice %arg3[%add3A_11] : memref<8192xi32, #tpu.memory_space<hbm>> -> memref<128xi32, #tpu.memory_space<hbm>>
        tpu.wait_dma2 semaphore(%run_scoped3A : memref<!tpu.dma_semaphore, #tpu.memory_space<semaphore_mem>>) src(%dma_wait3A_19 : memref<128xi32, #tpu.memory_space<hbm>>) dst(%arg5 : memref<128xi32, #tpu.memory_space<vmem>>)
        tpu.yield
      }) : () -> ()
      %dma_start3A = arith.constant 0 : i32
      %dma_start3A_12 = arith.constant 0 : i32
      %dma_start3A_13 = tpu.memref_slice %arg2[%dma_start3A, %dma_start3A_12] : memref<1024x272xf32, #tpu.memory_space<hbm>> -> memref<1024x272xf32, #tpu.memory_space<hbm>>
      tpu.enqueue_indirect_dma source(%dma_start3A_13 : memref<1024x272xf32, #tpu.memory_space<hbm>>) target(%arg6 : memref<128x272xf32, #tpu.memory_space<vmem>>) offsets(%arg5 : memref<128xi32, #tpu.memory_space<vmem>>) semaphore(%arg7 : memref<!tpu.dma_semaphore, #tpu.memory_space<semaphore_mem>>)
      %dma_wait3A = arith.constant 0 : i32
      %dma_wait3A_14 = arith.constant 0 : i32
      %dma_wait3A_15 = tpu.memref_slice %arg2[%dma_wait3A, %dma_wait3A_14] : memref<1024x272xf32, #tpu.memory_space<hbm>> -> memref<1024x272xf32, #tpu.memory_space<hbm>>
      tpu.wait_indirect_dma semaphore(%arg7 : memref<!tpu.dma_semaphore, #tpu.memory_space<semaphore_mem>>) src(%dma_wait3A_15 : memref<1024x272xf32, #tpu.memory_space<hbm>>) dst(%arg6 : memref<128x272xf32, #tpu.memory_space<vmem>>)
      "tpu.region"() ({
        %run_scoped3A = tpu.sem_alloc : memref<!tpu.dma_semaphore, #tpu.memory_space<semaphore_mem>>
        %dma_start3A_16 = arith.constant 0 : i32
        %dma_start3A_17 = tpu.memref_slice %arg4[%add3A_11, %dma_start3A_16] : memref<8192x272xf32, #tpu.memory_space<hbm>> -> memref<128x272xf32, #tpu.memory_space<hbm>>
        %dma_start3A_18 = arith.constant 0 : i32
        %dma_start3A_19 = tpu.memref_slice %arg4[%add3A_11, %dma_start3A_18] : memref<8192x272xf32, #tpu.memory_space<hbm>> -> memref<128x272xf32, #tpu.memory_space<hbm>>
        tpu.enqueue_dma source(%arg6 : memref<128x272xf32, #tpu.memory_space<vmem>>) target(%dma_start3A_19 : memref<128x272xf32, #tpu.memory_space<hbm>>) target_semaphore(%run_scoped3A : memref<!tpu.dma_semaphore, #tpu.memory_space<semaphore_mem>>)
        %dma_wait3A_20 = arith.constant 0 : i32
        %dma_wait3A_21 = tpu.memref_slice %arg4[%add3A_11, %dma_wait3A_20] : memref<8192x272xf32, #tpu.memory_space<hbm>> -> memref<128x272xf32, #tpu.memory_space<hbm>>
        %dma_wait3A_22 = arith.constant 0 : i32
        %dma_wait3A_23 = tpu.memref_slice %arg4[%add3A_11, %dma_wait3A_22] : memref<8192x272xf32, #tpu.memory_space<hbm>> -> memref<128x272xf32, #tpu.memory_space<hbm>>
        tpu.wait_dma2 semaphore(%run_scoped3A : memref<!tpu.dma_semaphore, #tpu.memory_space<semaphore_mem>>) src(%arg6 : memref<128x272xf32, #tpu.memory_space<vmem>>) dst(%dma_wait3A_23 : memref<128x272xf32, #tpu.memory_space<hbm>>)
        tpu.yield
      }) : () -> ()
    }
    %scan3A_7 = arith.constant 2 : i32
    return
  }
}

module attributes {stable_mosaic.version = 14 : i64} {
  func.func @_fps_body(%arg0: memref<4x32x128xf32, #tpu.memory_space<vmem>>, %arg1: memref<4x32x128xf32, #tpu.memory_space<vmem>>, %arg2: memref<4x32x128xf32, #tpu.memory_space<vmem>>, %arg3: memref<1024x4xi32, #tpu.memory_space<vmem>>, %arg4: memref<1024x4xf32, #tpu.memory_space<vmem>>, %arg5: memref<1024x4xf32, #tpu.memory_space<vmem>>, %arg6: memref<1024x4xf32, #tpu.memory_space<vmem>>) attributes {dimension_semantics = [], scalar_prefetch = 0 : i64, scratch_operands = 0 : i64, tpu.core_type = #tpu.core_type<tc>} {
    %iota3A = tpu.iota {dimensions = array<i32: 1>} : vector<4x32x128xi32>
    %mul3A = arith.constant 128 : i32
    %mul3A_0 = vector.broadcast %mul3A : i32 to vector<4x32x128xi32>
    %mul3A_1 = arith.muli %iota3A, %mul3A_0 : vector<4x32x128xi32>
    %iota3A_2 = tpu.iota {dimensions = array<i32: 2>} : vector<4x32x128xi32>
    %add3A = arith.addi %mul3A_1, %iota3A_2 : vector<4x32x128xi32>
    %get3A = arith.constant 0 : index
    %get3A_3 = arith.constant 0 : index
    %get3A_4 = arith.constant 0 : index
    %get3A_5 = vector.load %arg0[%get3A, %get3A_3, %get3A_4] : memref<4x32x128xf32, #tpu.memory_space<vmem>>, vector<4x32x128xf32>
    %get3A_6 = arith.constant 0 : index
    %get3A_7 = arith.constant 0 : index
    %get3A_8 = arith.constant 0 : index
    %get3A_9 = vector.load %arg1[%get3A_6, %get3A_7, %get3A_8] : memref<4x32x128xf32, #tpu.memory_space<vmem>>, vector<4x32x128xf32>
    %get3A_10 = arith.constant 0 : index
    %get3A_11 = arith.constant 0 : index
    %get3A_12 = arith.constant 0 : index
    %get3A_13 = vector.load %arg2[%get3A_10, %get3A_11, %get3A_12] : memref<4x32x128xf32, #tpu.memory_space<vmem>>, vector<4x32x128xf32>
    %broadcast_in_dim3A = arith.constant 1.000000e+10 : f32
    %broadcast_in_dim3A_14 = vector.broadcast %broadcast_in_dim3A : f32 to vector<4x32x128xf32>
    %broadcast_in_dim3A_15 = arith.constant 0 : i32
    %broadcast_in_dim3A_16 = vector.broadcast %broadcast_in_dim3A_15 : i32 to vector<4xi32>
    %scan3A = arith.constant 0 : i32
    %scan3A_17 = arith.constant 1024 : i32
    %scan3A_18 = arith.addi %scan3A, %scan3A_17 : i32
    %scan3A_19 = arith.constant 1 : i32
    %scan3A_20:2 = scf.for %scan3A_22 = %scan3A to %scan3A_18 step %scan3A_19 iter_args(%scan3A_23 = %broadcast_in_dim3A_14, %scan3A_24 = %broadcast_in_dim3A_16) -> (vector<4x32x128xf32>, vector<4xi32>)  : i32 {
      %broadcast_in_dim3A_25 = vector.shape_cast %scan3A_24 : vector<4xi32> to vector<4x1x1xi32>
      %eq3A = vector.broadcast %broadcast_in_dim3A_25 : vector<4x1x1xi32> to vector<4x32x128xi32>
      %eq3A_26 = arith.cmpi eq, %add3A, %eq3A : vector<4x32x128xi32>
      %jit3A = arith.constant 0.000000e+00 : f32
      %broadcast_in_dim3A_27 = vector.broadcast %jit3A : f32 to vector<4x32x128xf32>
      %select_n3A = arith.select %eq3A_26, %get3A_5, %broadcast_in_dim3A_27 : vector<4x32x128xi1>, vector<4x32x128xf32>
      %reduce_sum3A = arith.constant dense<0.000000e+00> : vector<4x32xf32>
      %reduce_sum3A_28 = vector.multi_reduction <add>, %select_n3A, %reduce_sum3A [2] : vector<4x32x128xf32> to vector<4x32xf32>
      %reduce_sum3A_29 = arith.constant dense<0.000000e+00> : vector<4xf32>
      %reduce_sum3A_30 = vector.multi_reduction <add>, %reduce_sum3A_28, %reduce_sum3A_29 [1] : vector<4x32xf32> to vector<4xf32>
      %jit3A_31 = arith.constant 0.000000e+00 : f32
      %broadcast_in_dim3A_32 = vector.broadcast %jit3A_31 : f32 to vector<4x32x128xf32>
      %select_n3A_33 = arith.select %eq3A_26, %get3A_9, %broadcast_in_dim3A_32 : vector<4x32x128xi1>, vector<4x32x128xf32>
      %reduce_sum3A_34 = arith.constant dense<0.000000e+00> : vector<4x32xf32>
      %reduce_sum3A_35 = vector.multi_reduction <add>, %select_n3A_33, %reduce_sum3A_34 [2] : vector<4x32x128xf32> to vector<4x32xf32>
      %reduce_sum3A_36 = arith.constant dense<0.000000e+00> : vector<4xf32>
      %reduce_sum3A_37 = vector.multi_reduction <add>, %reduce_sum3A_35, %reduce_sum3A_36 [1] : vector<4x32xf32> to vector<4xf32>
      %jit3A_38 = arith.constant 0.000000e+00 : f32
      %broadcast_in_dim3A_39 = vector.broadcast %jit3A_38 : f32 to vector<4x32x128xf32>
      %select_n3A_40 = arith.select %eq3A_26, %get3A_13, %broadcast_in_dim3A_39 : vector<4x32x128xi1>, vector<4x32x128xf32>
      %reduce_sum3A_41 = arith.constant dense<0.000000e+00> : vector<4x32xf32>
      %reduce_sum3A_42 = vector.multi_reduction <add>, %select_n3A_40, %reduce_sum3A_41 [2] : vector<4x32x128xf32> to vector<4x32xf32>
      %reduce_sum3A_43 = arith.constant dense<0.000000e+00> : vector<4xf32>
      %reduce_sum3A_44 = vector.multi_reduction <add>, %reduce_sum3A_42, %reduce_sum3A_43 [1] : vector<4x32xf32> to vector<4xf32>
      %broadcast_in_dim3A_45 = vector.shape_cast %scan3A_24 : vector<4xi32> to vector<1x4xi32>
      %swap3A = arith.index_cast %scan3A_22 : i32 to index
      %swap3A_46 = arith.constant 0 : index
      %swap3A_47 = vector.load %arg3[%swap3A, %swap3A_46] : memref<1024x4xi32, #tpu.memory_space<vmem>>, vector<1x4xi32>
      tpu.vector_store %arg3[%swap3A, %swap3A_46], %broadcast_in_dim3A_45 {strides = array<i32>} : memref<1024x4xi32, #tpu.memory_space<vmem>>, vector<1x4xi32>,
      %broadcast_in_dim3A_48 = vector.shape_cast %reduce_sum3A_30 : vector<4xf32> to vector<1x4xf32>
      %swap3A_49 = arith.index_cast %scan3A_22 : i32 to index
      %swap3A_50 = arith.constant 0 : index
      %swap3A_51 = vector.load %arg4[%swap3A_49, %swap3A_50] : memref<1024x4xf32, #tpu.memory_space<vmem>>, vector<1x4xf32>
      tpu.vector_store %arg4[%swap3A_49, %swap3A_50], %broadcast_in_dim3A_48 {strides = array<i32>} : memref<1024x4xf32, #tpu.memory_space<vmem>>, vector<1x4xf32>,
      %broadcast_in_dim3A_52 = vector.shape_cast %reduce_sum3A_37 : vector<4xf32> to vector<1x4xf32>
      %swap3A_53 = arith.index_cast %scan3A_22 : i32 to index
      %swap3A_54 = arith.constant 0 : index
      %swap3A_55 = vector.load %arg5[%swap3A_53, %swap3A_54] : memref<1024x4xf32, #tpu.memory_space<vmem>>, vector<1x4xf32>
      tpu.vector_store %arg5[%swap3A_53, %swap3A_54], %broadcast_in_dim3A_52 {strides = array<i32>} : memref<1024x4xf32, #tpu.memory_space<vmem>>, vector<1x4xf32>,
      %broadcast_in_dim3A_56 = vector.shape_cast %reduce_sum3A_44 : vector<4xf32> to vector<1x4xf32>
      %swap3A_57 = arith.index_cast %scan3A_22 : i32 to index
      %swap3A_58 = arith.constant 0 : index
      %swap3A_59 = vector.load %arg6[%swap3A_57, %swap3A_58] : memref<1024x4xf32, #tpu.memory_space<vmem>>, vector<1x4xf32>
      tpu.vector_store %arg6[%swap3A_57, %swap3A_58], %broadcast_in_dim3A_56 {strides = array<i32>} : memref<1024x4xf32, #tpu.memory_space<vmem>>, vector<1x4xf32>,
      %broadcast_in_dim3A_60 = vector.shape_cast %reduce_sum3A_30 : vector<4xf32> to vector<4x1x1xf32>
      %sub3A = vector.broadcast %broadcast_in_dim3A_60 : vector<4x1x1xf32> to vector<4x32x128xf32>
      %sub3A_61 = arith.subf %get3A_5, %sub3A : vector<4x32x128xf32>
      %integer_pow3A = arith.mulf %sub3A_61, %sub3A_61 : vector<4x32x128xf32>
      %broadcast_in_dim3A_62 = vector.shape_cast %reduce_sum3A_37 : vector<4xf32> to vector<4x1x1xf32>
      %sub3A_63 = vector.broadcast %broadcast_in_dim3A_62 : vector<4x1x1xf32> to vector<4x32x128xf32>
      %sub3A_64 = arith.subf %get3A_9, %sub3A_63 : vector<4x32x128xf32>
      %integer_pow3A_65 = arith.mulf %sub3A_64, %sub3A_64 : vector<4x32x128xf32>
      %add3A_66 = arith.addf %integer_pow3A, %integer_pow3A_65 : vector<4x32x128xf32>
      %broadcast_in_dim3A_67 = vector.shape_cast %reduce_sum3A_44 : vector<4xf32> to vector<4x1x1xf32>
      %sub3A_68 = vector.broadcast %broadcast_in_dim3A_67 : vector<4x1x1xf32> to vector<4x32x128xf32>
      %sub3A_69 = arith.subf %get3A_13, %sub3A_68 : vector<4x32x128xf32>
      %integer_pow3A_70 = arith.mulf %sub3A_69, %sub3A_69 : vector<4x32x128xf32>
      %add3A_71 = arith.addf %add3A_66, %integer_pow3A_70 : vector<4x32x128xf32>
      %min3A = arith.minimumf %scan3A_23, %add3A_71 : vector<4x32x128xf32>
      %reduce_max3A = arith.constant dense<0xFF800000> : vector<4x32xf32>
      %reduce_max3A_72 = vector.multi_reduction <maximumf>, %min3A, %reduce_max3A [2] : vector<4x32x128xf32> to vector<4x32xf32>
      %reduce_max3A_73 = arith.constant dense<0xFF800000> : vector<4xf32>
      %reduce_max3A_74 = vector.multi_reduction <maximumf>, %reduce_max3A_72, %reduce_max3A_73 [1] : vector<4x32xf32> to vector<4xf32>
      %broadcast_in_dim3A_75 = vector.shape_cast %reduce_max3A_74 : vector<4xf32> to vector<4x1x1xf32>
      %eq3A_76 = vector.broadcast %broadcast_in_dim3A_75 : vector<4x1x1xf32> to vector<4x32x128xf32>
      %eq3A_77 = arith.cmpf oeq, %min3A, %eq3A_76 : vector<4x32x128xf32>
      %jit3A_78 = arith.constant 4096 : i32
      %broadcast_in_dim3A_79 = vector.broadcast %jit3A_78 : i32 to vector<4x32x128xi32>
      %select_n3A_80 = arith.select %eq3A_77, %add3A, %broadcast_in_dim3A_79 : vector<4x32x128xi1>, vector<4x32x128xi32>
      %reduce_min3A = arith.constant dense<2147483647> : vector<4x32xi32>
      %reduce_min3A_81 = vector.multi_reduction <minsi>, %select_n3A_80, %reduce_min3A [2] : vector<4x32x128xi32> to vector<4x32xi32>
      %reduce_min3A_82 = arith.constant dense<2147483647> : vector<4xi32>
      %reduce_min3A_83 = vector.multi_reduction <minsi>, %reduce_min3A_81, %reduce_min3A_82 [1] : vector<4x32xi32> to vector<4xi32>
      scf.yield %min3A, %reduce_min3A_83 : vector<4x32x128xf32>, vector<4xi32>
    }
    %scan3A_21 = arith.constant 1024 : i32
    return
  }
}

module attributes {stable_mosaic.version = 14 : i64} {
  func.func @_ballquery_body(%arg0: i32, %arg1: i32, %arg2: memref<1x256x3xf32, #tpu.memory_space<vmem>>, %arg3: memref<1x4096x3xf32, #tpu.memory_space<vmem>>, %arg4: memref<1x256x32xi32, #tpu.memory_space<vmem>>) attributes {dimension_semantics = [#tpu.dimension_semantics<arbitrary>, #tpu.dimension_semantics<arbitrary>], iteration_bounds = array<i64: 4, 4>, scalar_prefetch = 0 : i64, scratch_operands = 0 : i64, tpu.core_type = #tpu.core_type<tc>, window_params = [{transform_indices = @transform_0, window_bounds = array<i64: 1, 256, 3>}, {transform_indices = @transform_1, window_bounds = array<i64: 1, 4096, 3>}, {transform_indices = @transform_2, window_bounds = array<i64: 1, 256, 32>}]} {
    %get3A = arith.constant 0 : index
    %get3A_0 = arith.constant 0 : index
    %get3A_1 = arith.constant 0 : index
    %get3A_2 = vector.load %arg2[%get3A, %get3A_0, %get3A_1] : memref<1x256x3xf32, #tpu.memory_space<vmem>>, vector<1x256x3xf32>
    %get3A_3 = vector.shape_cast %get3A_2 : vector<1x256x3xf32> to vector<256x3xf32>
    %get3A_4 = arith.constant 0 : index
    %get3A_5 = arith.constant 0 : index
    %get3A_6 = arith.constant 0 : index
    %get3A_7 = vector.load %arg3[%get3A_4, %get3A_5, %get3A_6] : memref<1x4096x3xf32, #tpu.memory_space<vmem>>, vector<1x4096x3xf32>
    %get3A_8 = vector.shape_cast %get3A_7 : vector<1x4096x3xf32> to vector<4096x3xf32>
    %mul3A = arith.mulf %get3A_3, %get3A_3 : vector<256x3xf32>
    %reduce_sum3A = arith.constant dense<0.000000e+00> : vector<256xf32>
    %reduce_sum3A_9 = vector.multi_reduction <add>, %mul3A, %reduce_sum3A [1] : vector<256x3xf32> to vector<256xf32>
    %mul3A_10 = arith.mulf %get3A_8, %get3A_8 : vector<4096x3xf32>
    %reduce_sum3A_11 = arith.constant dense<0.000000e+00> : vector<4096xf32>
    %reduce_sum3A_12 = vector.multi_reduction <add>, %mul3A_10, %reduce_sum3A_11 [1] : vector<4096x3xf32> to vector<4096xf32>
    %dot_general3A = arith.constant dense<0.000000e+00> : vector<256x4096xf32>
    %dot_general3A_13 = tpu.matmul %get3A_3, %get3A_8, %dot_general3A {dimension_numbers = #tpu.dot_dimension_numbers<[1], [1], [0], [0], [0, 0, 1, 0], [], []>, transpose_lhs_hint = false} : vector<256x3xf32>, vector<4096x3xf32>, vector<256x4096xf32> -> vector<256x4096xf32>
    %broadcast_in_dim3A = vector.shape_cast %reduce_sum3A_9 : vector<256xf32> to vector<256x1xf32>
    %broadcast_in_dim3A_14 = vector.shape_cast %reduce_sum3A_12 : vector<4096xf32> to vector<1x4096xf32>
    %add3A = vector.broadcast %broadcast_in_dim3A : vector<256x1xf32> to vector<256x4096xf32>
    %add3A_15 = vector.broadcast %broadcast_in_dim3A_14 : vector<1x4096xf32> to vector<256x4096xf32>
    %add3A_16 = arith.addf %add3A, %add3A_15 : vector<256x4096xf32>
    %mul3A_17 = arith.constant 2.000000e+00 : f32
    %mul3A_18 = vector.broadcast %mul3A_17 : f32 to vector<256x4096xf32>
    %mul3A_19 = arith.mulf %mul3A_18, %dot_general3A_13 : vector<256x4096xf32>
    %sub3A = arith.subf %add3A_16, %mul3A_19 : vector<256x4096xf32>
    %iota3A = tpu.iota {dimensions = array<i32: 1>} : vector<256x4096xi32>
    %gt3A = arith.constant 0.00999999977 : f32
    %gt3A_20 = vector.broadcast %gt3A : f32 to vector<256x4096xf32>
    %gt3A_21 = arith.cmpf ogt, %sub3A, %gt3A_20 : vector<256x4096xf32>
    %jit3A = arith.constant 4096 : i32
    %broadcast_in_dim3A_22 = vector.broadcast %jit3A : i32 to vector<256x4096xi32>
    %select_n3A = arith.select %gt3A_21, %broadcast_in_dim3A_22, %iota3A : vector<256x4096xi1>, vector<256x4096xi32>
    %iota3A_23 = tpu.iota {dimensions = array<i32: 1>} : vector<256x32xi32>
    %broadcast_in_dim3A_24 = arith.constant 0 : i32
    %broadcast_in_dim3A_25 = vector.broadcast %broadcast_in_dim3A_24 : i32 to vector<256x32xi32>
    %scan3A = arith.constant 1073741824 : i32
    %scan3A_26 = arith.constant 0 : i32
    %scan3A_27 = arith.constant 32 : i32
    %scan3A_28 = arith.addi %scan3A_26, %scan3A_27 : i32
    %scan3A_29 = arith.constant 1 : i32
    %scan3A_30:2 = scf.for %scan3A_48 = %scan3A_26 to %scan3A_28 step %scan3A_29 iter_args(%scan3A_49 = %select_n3A, %scan3A_50 = %broadcast_in_dim3A_25) -> (vector<256x4096xi32>, vector<256x32xi32>)  : i32 {
      %reduce_min3A = arith.constant dense<2147483647> : vector<256xi32>
      %reduce_min3A_51 = vector.multi_reduction <minsi>, %scan3A_49, %reduce_min3A [1] : vector<256x4096xi32> to vector<256xi32>
      %eq3A = vector.broadcast %scan3A_48 : i32 to vector<256x32xi32>
      %eq3A_52 = arith.cmpi eq, %iota3A_23, %eq3A : vector<256x32xi32>
      %broadcast_in_dim3A_53 = vector.shape_cast %reduce_min3A_51 : vector<256xi32> to vector<256x1xi32>
      %broadcast_in_dim3A_54 = vector.shape_cast %broadcast_in_dim3A_53 : vector<256x1xi32> to vector<256x1xi32>
      %broadcast_in_dim3A_55 = vector.broadcast %broadcast_in_dim3A_54 : vector<256x1xi32> to vector<256x32xi32>
      %select_n3A_56 = arith.select %eq3A_52, %broadcast_in_dim3A_55, %scan3A_50 : vector<256x32xi1>, vector<256x32xi32>
      %broadcast_in_dim3A_57 = vector.shape_cast %reduce_min3A_51 : vector<256xi32> to vector<256x1xi32>
      %eq3A_58 = vector.broadcast %broadcast_in_dim3A_57 : vector<256x1xi32> to vector<256x4096xi32>
      %eq3A_59 = arith.cmpi eq, %scan3A_49, %eq3A_58 : vector<256x4096xi32>
      %broadcast_in_dim3A_60 = vector.broadcast %scan3A : i32 to vector<256x4096xi32>
      %select_n3A_61 = arith.select %eq3A_59, %broadcast_in_dim3A_60, %scan3A_49 : vector<256x4096xi1>, vector<256x4096xi32>
      scf.yield %select_n3A_61, %select_n3A_56 : vector<256x4096xi32>, vector<256x32xi32>
    }
    %scan3A_31 = arith.constant 32 : i32
    %slice3A = vector.extract_strided_slice %scan3A_30#1 {offsets = [0, 0], sizes = [256, 1], strides = [1, 1]} : vector<256x32xi32> to vector<256x1xi32>
    %ge3A = arith.constant 4096 : i32
    %ge3A_32 = vector.broadcast %ge3A : i32 to vector<256x32xi32>
    %ge3A_33 = arith.cmpi sge, %scan3A_30#1, %ge3A_32 : vector<256x32xi32>
    %broadcast_in_dim3A_34 = vector.shape_cast %slice3A : vector<256x1xi32> to vector<256x1xi32>
    %broadcast_in_dim3A_35 = vector.broadcast %broadcast_in_dim3A_34 : vector<256x1xi32> to vector<256x32xi32>
    %select_n3A_36 = arith.select %ge3A_33, %broadcast_in_dim3A_35, %scan3A_30#1 : vector<256x32xi1>, vector<256x32xi32>
    %min3A = arith.constant 4095 : i32
    %min3A_37 = vector.broadcast %min3A : i32 to vector<256x32xi32>
    %min3A_38 = arith.minsi %select_n3A_36, %min3A_37 : vector<256x32xi32>
    %mul3A_39 = arith.constant 4096 : i32
    %mul3A_40 = arith.muli %arg0, %mul3A_39 : i32
    %add3A_41 = vector.broadcast %mul3A_40 : i32 to vector<256x32xi32>
    %add3A_42 = arith.addi %min3A_38, %add3A_41 : vector<256x32xi32>
    %swap3A = arith.constant 0 : index
    %swap3A_43 = arith.constant 0 : index
    %swap3A_44 = arith.constant 0 : index
    %swap3A_45 = vector.load %arg4[%swap3A, %swap3A_43, %swap3A_44] : memref<1x256x32xi32, #tpu.memory_space<vmem>>, vector<1x256x32xi32>
    %swap3A_46 = vector.shape_cast %swap3A_45 : vector<1x256x32xi32> to vector<256x32xi32>
    %swap3A_47 = vector.shape_cast %add3A_42 : vector<256x32xi32> to vector<1x256x32xi32>
    tpu.vector_store %arg4[%swap3A, %swap3A_43, %swap3A_44], %swap3A_47 {strides = array<i32>} : memref<1x256x32xi32, #tpu.memory_space<vmem>>, vector<1x256x32xi32>,
    return
  }
  func.func @transform_0(%arg0: i32, %arg1: i32) -> (i32, i32, i32) {
    %c0_i32 = arith.constant 0 : i32
    %c0_i32_0 = arith.constant 0 : i32
    return %arg0, %arg1, %c0_i32 : i32, i32, i32
  }
  func.func @transform_1(%arg0: i32, %arg1: i32) -> (i32, i32, i32) {
    %c0_i32 = arith.constant 0 : i32
    %c0_i32_0 = arith.constant 0 : i32
    %c0_i32_1 = arith.constant 0 : i32
    return %arg0, %c0_i32, %c0_i32_0 : i32, i32, i32
  }
  func.func @transform_2(%arg0: i32, %arg1: i32) -> (i32, i32, i32) {
    %c0_i32 = arith.constant 0 : i32
    %c0_i32_0 = arith.constant 0 : i32
    return %arg0, %arg1, %c0_i32 : i32, i32, i32
  }
}

module attributes {stable_mosaic.version = 14 : i64} {
  func.func @_fps_body(%arg0: memref<4x8x128xf32, #tpu.memory_space<vmem>>, %arg1: memref<4x8x128xf32, #tpu.memory_space<vmem>>, %arg2: memref<4x8x128xf32, #tpu.memory_space<vmem>>, %arg3: memref<256x4xi32, #tpu.memory_space<vmem>>, %arg4: memref<256x4xf32, #tpu.memory_space<vmem>>, %arg5: memref<256x4xf32, #tpu.memory_space<vmem>>, %arg6: memref<256x4xf32, #tpu.memory_space<vmem>>) attributes {dimension_semantics = [], scalar_prefetch = 0 : i64, scratch_operands = 0 : i64, tpu.core_type = #tpu.core_type<tc>} {
    %iota3A = tpu.iota {dimensions = array<i32: 1>} : vector<4x8x128xi32>
    %mul3A = arith.constant 128 : i32
    %mul3A_0 = vector.broadcast %mul3A : i32 to vector<4x8x128xi32>
    %mul3A_1 = arith.muli %iota3A, %mul3A_0 : vector<4x8x128xi32>
    %iota3A_2 = tpu.iota {dimensions = array<i32: 2>} : vector<4x8x128xi32>
    %add3A = arith.addi %mul3A_1, %iota3A_2 : vector<4x8x128xi32>
    %get3A = arith.constant 0 : index
    %get3A_3 = arith.constant 0 : index
    %get3A_4 = arith.constant 0 : index
    %get3A_5 = vector.load %arg0[%get3A, %get3A_3, %get3A_4] : memref<4x8x128xf32, #tpu.memory_space<vmem>>, vector<4x8x128xf32>
    %get3A_6 = arith.constant 0 : index
    %get3A_7 = arith.constant 0 : index
    %get3A_8 = arith.constant 0 : index
    %get3A_9 = vector.load %arg1[%get3A_6, %get3A_7, %get3A_8] : memref<4x8x128xf32, #tpu.memory_space<vmem>>, vector<4x8x128xf32>
    %get3A_10 = arith.constant 0 : index
    %get3A_11 = arith.constant 0 : index
    %get3A_12 = arith.constant 0 : index
    %get3A_13 = vector.load %arg2[%get3A_10, %get3A_11, %get3A_12] : memref<4x8x128xf32, #tpu.memory_space<vmem>>, vector<4x8x128xf32>
    %broadcast_in_dim3A = arith.constant 1.000000e+10 : f32
    %broadcast_in_dim3A_14 = vector.broadcast %broadcast_in_dim3A : f32 to vector<4x8x128xf32>
    %broadcast_in_dim3A_15 = arith.constant 0 : i32
    %broadcast_in_dim3A_16 = vector.broadcast %broadcast_in_dim3A_15 : i32 to vector<4xi32>
    %scan3A = arith.constant 0 : i32
    %scan3A_17 = arith.constant 256 : i32
    %scan3A_18 = arith.addi %scan3A, %scan3A_17 : i32
    %scan3A_19 = arith.constant 1 : i32
    %scan3A_20:2 = scf.for %scan3A_22 = %scan3A to %scan3A_18 step %scan3A_19 iter_args(%scan3A_23 = %broadcast_in_dim3A_14, %scan3A_24 = %broadcast_in_dim3A_16) -> (vector<4x8x128xf32>, vector<4xi32>)  : i32 {
      %broadcast_in_dim3A_25 = vector.shape_cast %scan3A_24 : vector<4xi32> to vector<4x1x1xi32>
      %eq3A = vector.broadcast %broadcast_in_dim3A_25 : vector<4x1x1xi32> to vector<4x8x128xi32>
      %eq3A_26 = arith.cmpi eq, %add3A, %eq3A : vector<4x8x128xi32>
      %jit3A = arith.constant 0.000000e+00 : f32
      %broadcast_in_dim3A_27 = vector.broadcast %jit3A : f32 to vector<4x8x128xf32>
      %select_n3A = arith.select %eq3A_26, %get3A_5, %broadcast_in_dim3A_27 : vector<4x8x128xi1>, vector<4x8x128xf32>
      %reduce_sum3A = arith.constant dense<0.000000e+00> : vector<4x8xf32>
      %reduce_sum3A_28 = vector.multi_reduction <add>, %select_n3A, %reduce_sum3A [2] : vector<4x8x128xf32> to vector<4x8xf32>
      %reduce_sum3A_29 = arith.constant dense<0.000000e+00> : vector<4xf32>
      %reduce_sum3A_30 = vector.multi_reduction <add>, %reduce_sum3A_28, %reduce_sum3A_29 [1] : vector<4x8xf32> to vector<4xf32>
      %jit3A_31 = arith.constant 0.000000e+00 : f32
      %broadcast_in_dim3A_32 = vector.broadcast %jit3A_31 : f32 to vector<4x8x128xf32>
      %select_n3A_33 = arith.select %eq3A_26, %get3A_9, %broadcast_in_dim3A_32 : vector<4x8x128xi1>, vector<4x8x128xf32>
      %reduce_sum3A_34 = arith.constant dense<0.000000e+00> : vector<4x8xf32>
      %reduce_sum3A_35 = vector.multi_reduction <add>, %select_n3A_33, %reduce_sum3A_34 [2] : vector<4x8x128xf32> to vector<4x8xf32>
      %reduce_sum3A_36 = arith.constant dense<0.000000e+00> : vector<4xf32>
      %reduce_sum3A_37 = vector.multi_reduction <add>, %reduce_sum3A_35, %reduce_sum3A_36 [1] : vector<4x8xf32> to vector<4xf32>
      %jit3A_38 = arith.constant 0.000000e+00 : f32
      %broadcast_in_dim3A_39 = vector.broadcast %jit3A_38 : f32 to vector<4x8x128xf32>
      %select_n3A_40 = arith.select %eq3A_26, %get3A_13, %broadcast_in_dim3A_39 : vector<4x8x128xi1>, vector<4x8x128xf32>
      %reduce_sum3A_41 = arith.constant dense<0.000000e+00> : vector<4x8xf32>
      %reduce_sum3A_42 = vector.multi_reduction <add>, %select_n3A_40, %reduce_sum3A_41 [2] : vector<4x8x128xf32> to vector<4x8xf32>
      %reduce_sum3A_43 = arith.constant dense<0.000000e+00> : vector<4xf32>
      %reduce_sum3A_44 = vector.multi_reduction <add>, %reduce_sum3A_42, %reduce_sum3A_43 [1] : vector<4x8xf32> to vector<4xf32>
      %broadcast_in_dim3A_45 = vector.shape_cast %scan3A_24 : vector<4xi32> to vector<1x4xi32>
      %swap3A = arith.index_cast %scan3A_22 : i32 to index
      %swap3A_46 = arith.constant 0 : index
      %swap3A_47 = vector.load %arg3[%swap3A, %swap3A_46] : memref<256x4xi32, #tpu.memory_space<vmem>>, vector<1x4xi32>
      tpu.vector_store %arg3[%swap3A, %swap3A_46], %broadcast_in_dim3A_45 {strides = array<i32>} : memref<256x4xi32, #tpu.memory_space<vmem>>, vector<1x4xi32>,
      %broadcast_in_dim3A_48 = vector.shape_cast %reduce_sum3A_30 : vector<4xf32> to vector<1x4xf32>
      %swap3A_49 = arith.index_cast %scan3A_22 : i32 to index
      %swap3A_50 = arith.constant 0 : index
      %swap3A_51 = vector.load %arg4[%swap3A_49, %swap3A_50] : memref<256x4xf32, #tpu.memory_space<vmem>>, vector<1x4xf32>
      tpu.vector_store %arg4[%swap3A_49, %swap3A_50], %broadcast_in_dim3A_48 {strides = array<i32>} : memref<256x4xf32, #tpu.memory_space<vmem>>, vector<1x4xf32>,
      %broadcast_in_dim3A_52 = vector.shape_cast %reduce_sum3A_37 : vector<4xf32> to vector<1x4xf32>
      %swap3A_53 = arith.index_cast %scan3A_22 : i32 to index
      %swap3A_54 = arith.constant 0 : index
      %swap3A_55 = vector.load %arg5[%swap3A_53, %swap3A_54] : memref<256x4xf32, #tpu.memory_space<vmem>>, vector<1x4xf32>
      tpu.vector_store %arg5[%swap3A_53, %swap3A_54], %broadcast_in_dim3A_52 {strides = array<i32>} : memref<256x4xf32, #tpu.memory_space<vmem>>, vector<1x4xf32>,
      %broadcast_in_dim3A_56 = vector.shape_cast %reduce_sum3A_44 : vector<4xf32> to vector<1x4xf32>
      %swap3A_57 = arith.index_cast %scan3A_22 : i32 to index
      %swap3A_58 = arith.constant 0 : index
      %swap3A_59 = vector.load %arg6[%swap3A_57, %swap3A_58] : memref<256x4xf32, #tpu.memory_space<vmem>>, vector<1x4xf32>
      tpu.vector_store %arg6[%swap3A_57, %swap3A_58], %broadcast_in_dim3A_56 {strides = array<i32>} : memref<256x4xf32, #tpu.memory_space<vmem>>, vector<1x4xf32>,
      %broadcast_in_dim3A_60 = vector.shape_cast %reduce_sum3A_30 : vector<4xf32> to vector<4x1x1xf32>
      %sub3A = vector.broadcast %broadcast_in_dim3A_60 : vector<4x1x1xf32> to vector<4x8x128xf32>
      %sub3A_61 = arith.subf %get3A_5, %sub3A : vector<4x8x128xf32>
      %integer_pow3A = arith.mulf %sub3A_61, %sub3A_61 : vector<4x8x128xf32>
      %broadcast_in_dim3A_62 = vector.shape_cast %reduce_sum3A_37 : vector<4xf32> to vector<4x1x1xf32>
      %sub3A_63 = vector.broadcast %broadcast_in_dim3A_62 : vector<4x1x1xf32> to vector<4x8x128xf32>
      %sub3A_64 = arith.subf %get3A_9, %sub3A_63 : vector<4x8x128xf32>
      %integer_pow3A_65 = arith.mulf %sub3A_64, %sub3A_64 : vector<4x8x128xf32>
      %add3A_66 = arith.addf %integer_pow3A, %integer_pow3A_65 : vector<4x8x128xf32>
      %broadcast_in_dim3A_67 = vector.shape_cast %reduce_sum3A_44 : vector<4xf32> to vector<4x1x1xf32>
      %sub3A_68 = vector.broadcast %broadcast_in_dim3A_67 : vector<4x1x1xf32> to vector<4x8x128xf32>
      %sub3A_69 = arith.subf %get3A_13, %sub3A_68 : vector<4x8x128xf32>
      %integer_pow3A_70 = arith.mulf %sub3A_69, %sub3A_69 : vector<4x8x128xf32>
      %add3A_71 = arith.addf %add3A_66, %integer_pow3A_70 : vector<4x8x128xf32>
      %min3A = arith.minimumf %scan3A_23, %add3A_71 : vector<4x8x128xf32>
      %reduce_max3A = arith.constant dense<0xFF800000> : vector<4x8xf32>
      %reduce_max3A_72 = vector.multi_reduction <maximumf>, %min3A, %reduce_max3A [2] : vector<4x8x128xf32> to vector<4x8xf32>
      %reduce_max3A_73 = arith.constant dense<0xFF800000> : vector<4xf32>
      %reduce_max3A_74 = vector.multi_reduction <maximumf>, %reduce_max3A_72, %reduce_max3A_73 [1] : vector<4x8xf32> to vector<4xf32>
      %broadcast_in_dim3A_75 = vector.shape_cast %reduce_max3A_74 : vector<4xf32> to vector<4x1x1xf32>
      %eq3A_76 = vector.broadcast %broadcast_in_dim3A_75 : vector<4x1x1xf32> to vector<4x8x128xf32>
      %eq3A_77 = arith.cmpf oeq, %min3A, %eq3A_76 : vector<4x8x128xf32>
      %jit3A_78 = arith.constant 1024 : i32
      %broadcast_in_dim3A_79 = vector.broadcast %jit3A_78 : i32 to vector<4x8x128xi32>
      %select_n3A_80 = arith.select %eq3A_77, %add3A, %broadcast_in_dim3A_79 : vector<4x8x128xi1>, vector<4x8x128xi32>
      %reduce_min3A = arith.constant dense<2147483647> : vector<4x8xi32>
      %reduce_min3A_81 = vector.multi_reduction <minsi>, %select_n3A_80, %reduce_min3A [2] : vector<4x8x128xi32> to vector<4x8xi32>
      %reduce_min3A_82 = arith.constant dense<2147483647> : vector<4xi32>
      %reduce_min3A_83 = vector.multi_reduction <minsi>, %reduce_min3A_81, %reduce_min3A_82 [1] : vector<4x8xi32> to vector<4xi32>
      scf.yield %min3A, %reduce_min3A_83 : vector<4x8x128xf32>, vector<4xi32>
    }
    %scan3A_21 = arith.constant 256 : i32
    return
  }
}

module attributes {stable_mosaic.version = 14 : i64} {
  func.func @_ballquery_body(%arg0: i32, %arg1: i32, %arg2: memref<1x256x3xf32, #tpu.memory_space<vmem>>, %arg3: memref<1x1024x3xf32, #tpu.memory_space<vmem>>, %arg4: memref<1x256x32xi32, #tpu.memory_space<vmem>>) attributes {dimension_semantics = [#tpu.dimension_semantics<arbitrary>, #tpu.dimension_semantics<arbitrary>], iteration_bounds = array<i64: 4, 1>, scalar_prefetch = 0 : i64, scratch_operands = 0 : i64, tpu.core_type = #tpu.core_type<tc>, window_params = [{transform_indices = @transform_0, window_bounds = array<i64: 1, 256, 3>}, {transform_indices = @transform_1, window_bounds = array<i64: 1, 1024, 3>}, {transform_indices = @transform_2, window_bounds = array<i64: 1, 256, 32>}]} {
    %get3A = arith.constant 0 : index
    %get3A_0 = arith.constant 0 : index
    %get3A_1 = arith.constant 0 : index
    %get3A_2 = vector.load %arg2[%get3A, %get3A_0, %get3A_1] : memref<1x256x3xf32, #tpu.memory_space<vmem>>, vector<1x256x3xf32>
    %get3A_3 = vector.shape_cast %get3A_2 : vector<1x256x3xf32> to vector<256x3xf32>
    %get3A_4 = arith.constant 0 : index
    %get3A_5 = arith.constant 0 : index
    %get3A_6 = arith.constant 0 : index
    %get3A_7 = vector.load %arg3[%get3A_4, %get3A_5, %get3A_6] : memref<1x1024x3xf32, #tpu.memory_space<vmem>>, vector<1x1024x3xf32>
    %get3A_8 = vector.shape_cast %get3A_7 : vector<1x1024x3xf32> to vector<1024x3xf32>
    %mul3A = arith.mulf %get3A_3, %get3A_3 : vector<256x3xf32>
    %reduce_sum3A = arith.constant dense<0.000000e+00> : vector<256xf32>
    %reduce_sum3A_9 = vector.multi_reduction <add>, %mul3A, %reduce_sum3A [1] : vector<256x3xf32> to vector<256xf32>
    %mul3A_10 = arith.mulf %get3A_8, %get3A_8 : vector<1024x3xf32>
    %reduce_sum3A_11 = arith.constant dense<0.000000e+00> : vector<1024xf32>
    %reduce_sum3A_12 = vector.multi_reduction <add>, %mul3A_10, %reduce_sum3A_11 [1] : vector<1024x3xf32> to vector<1024xf32>
    %dot_general3A = arith.constant dense<0.000000e+00> : vector<256x1024xf32>
    %dot_general3A_13 = tpu.matmul %get3A_3, %get3A_8, %dot_general3A {dimension_numbers = #tpu.dot_dimension_numbers<[1], [1], [0], [0], [0, 0, 1, 0], [], []>, transpose_lhs_hint = false} : vector<256x3xf32>, vector<1024x3xf32>, vector<256x1024xf32> -> vector<256x1024xf32>
    %broadcast_in_dim3A = vector.shape_cast %reduce_sum3A_9 : vector<256xf32> to vector<256x1xf32>
    %broadcast_in_dim3A_14 = vector.shape_cast %reduce_sum3A_12 : vector<1024xf32> to vector<1x1024xf32>
    %add3A = vector.broadcast %broadcast_in_dim3A : vector<256x1xf32> to vector<256x1024xf32>
    %add3A_15 = vector.broadcast %broadcast_in_dim3A_14 : vector<1x1024xf32> to vector<256x1024xf32>
    %add3A_16 = arith.addf %add3A, %add3A_15 : vector<256x1024xf32>
    %mul3A_17 = arith.constant 2.000000e+00 : f32
    %mul3A_18 = vector.broadcast %mul3A_17 : f32 to vector<256x1024xf32>
    %mul3A_19 = arith.mulf %mul3A_18, %dot_general3A_13 : vector<256x1024xf32>
    %sub3A = arith.subf %add3A_16, %mul3A_19 : vector<256x1024xf32>
    %iota3A = tpu.iota {dimensions = array<i32: 1>} : vector<256x1024xi32>
    %gt3A = arith.constant 4.000000e-02 : f32
    %gt3A_20 = vector.broadcast %gt3A : f32 to vector<256x1024xf32>
    %gt3A_21 = arith.cmpf ogt, %sub3A, %gt3A_20 : vector<256x1024xf32>
    %jit3A = arith.constant 1024 : i32
    %broadcast_in_dim3A_22 = vector.broadcast %jit3A : i32 to vector<256x1024xi32>
    %select_n3A = arith.select %gt3A_21, %broadcast_in_dim3A_22, %iota3A : vector<256x1024xi1>, vector<256x1024xi32>
    %iota3A_23 = tpu.iota {dimensions = array<i32: 1>} : vector<256x32xi32>
    %broadcast_in_dim3A_24 = arith.constant 0 : i32
    %broadcast_in_dim3A_25 = vector.broadcast %broadcast_in_dim3A_24 : i32 to vector<256x32xi32>
    %scan3A = arith.constant 1073741824 : i32
    %scan3A_26 = arith.constant 0 : i32
    %scan3A_27 = arith.constant 32 : i32
    %scan3A_28 = arith.addi %scan3A_26, %scan3A_27 : i32
    %scan3A_29 = arith.constant 1 : i32
    %scan3A_30:2 = scf.for %scan3A_48 = %scan3A_26 to %scan3A_28 step %scan3A_29 iter_args(%scan3A_49 = %select_n3A, %scan3A_50 = %broadcast_in_dim3A_25) -> (vector<256x1024xi32>, vector<256x32xi32>)  : i32 {
      %reduce_min3A = arith.constant dense<2147483647> : vector<256xi32>
      %reduce_min3A_51 = vector.multi_reduction <minsi>, %scan3A_49, %reduce_min3A [1] : vector<256x1024xi32> to vector<256xi32>
      %eq3A = vector.broadcast %scan3A_48 : i32 to vector<256x32xi32>
      %eq3A_52 = arith.cmpi eq, %iota3A_23, %eq3A : vector<256x32xi32>
      %broadcast_in_dim3A_53 = vector.shape_cast %reduce_min3A_51 : vector<256xi32> to vector<256x1xi32>
      %broadcast_in_dim3A_54 = vector.shape_cast %broadcast_in_dim3A_53 : vector<256x1xi32> to vector<256x1xi32>
      %broadcast_in_dim3A_55 = vector.broadcast %broadcast_in_dim3A_54 : vector<256x1xi32> to vector<256x32xi32>
      %select_n3A_56 = arith.select %eq3A_52, %broadcast_in_dim3A_55, %scan3A_50 : vector<256x32xi1>, vector<256x32xi32>
      %broadcast_in_dim3A_57 = vector.shape_cast %reduce_min3A_51 : vector<256xi32> to vector<256x1xi32>
      %eq3A_58 = vector.broadcast %broadcast_in_dim3A_57 : vector<256x1xi32> to vector<256x1024xi32>
      %eq3A_59 = arith.cmpi eq, %scan3A_49, %eq3A_58 : vector<256x1024xi32>
      %broadcast_in_dim3A_60 = vector.broadcast %scan3A : i32 to vector<256x1024xi32>
      %select_n3A_61 = arith.select %eq3A_59, %broadcast_in_dim3A_60, %scan3A_49 : vector<256x1024xi1>, vector<256x1024xi32>
      scf.yield %select_n3A_61, %select_n3A_56 : vector<256x1024xi32>, vector<256x32xi32>
    }
    %scan3A_31 = arith.constant 32 : i32
    %slice3A = vector.extract_strided_slice %scan3A_30#1 {offsets = [0, 0], sizes = [256, 1], strides = [1, 1]} : vector<256x32xi32> to vector<256x1xi32>
    %ge3A = arith.constant 1024 : i32
    %ge3A_32 = vector.broadcast %ge3A : i32 to vector<256x32xi32>
    %ge3A_33 = arith.cmpi sge, %scan3A_30#1, %ge3A_32 : vector<256x32xi32>
    %broadcast_in_dim3A_34 = vector.shape_cast %slice3A : vector<256x1xi32> to vector<256x1xi32>
    %broadcast_in_dim3A_35 = vector.broadcast %broadcast_in_dim3A_34 : vector<256x1xi32> to vector<256x32xi32>
    %select_n3A_36 = arith.select %ge3A_33, %broadcast_in_dim3A_35, %scan3A_30#1 : vector<256x32xi1>, vector<256x32xi32>
    %min3A = arith.constant 1023 : i32
    %min3A_37 = vector.broadcast %min3A : i32 to vector<256x32xi32>
    %min3A_38 = arith.minsi %select_n3A_36, %min3A_37 : vector<256x32xi32>
    %mul3A_39 = arith.constant 1024 : i32
    %mul3A_40 = arith.muli %arg0, %mul3A_39 : i32
    %add3A_41 = vector.broadcast %mul3A_40 : i32 to vector<256x32xi32>
    %add3A_42 = arith.addi %min3A_38, %add3A_41 : vector<256x32xi32>
    %swap3A = arith.constant 0 : index
    %swap3A_43 = arith.constant 0 : index
    %swap3A_44 = arith.constant 0 : index
    %swap3A_45 = vector.load %arg4[%swap3A, %swap3A_43, %swap3A_44] : memref<1x256x32xi32, #tpu.memory_space<vmem>>, vector<1x256x32xi32>
    %swap3A_46 = vector.shape_cast %swap3A_45 : vector<1x256x32xi32> to vector<256x32xi32>
    %swap3A_47 = vector.shape_cast %add3A_42 : vector<256x32xi32> to vector<1x256x32xi32>
    tpu.vector_store %arg4[%swap3A, %swap3A_43, %swap3A_44], %swap3A_47 {strides = array<i32>} : memref<1x256x32xi32, #tpu.memory_space<vmem>>, vector<1x256x32xi32>,
    return
  }
  func.func @transform_0(%arg0: i32, %arg1: i32) -> (i32, i32, i32) {
    %c0_i32 = arith.constant 0 : i32
    %c0_i32_0 = arith.constant 0 : i32
    return %arg0, %arg1, %c0_i32 : i32, i32, i32
  }
  func.func @transform_1(%arg0: i32, %arg1: i32) -> (i32, i32, i32) {
    %c0_i32 = arith.constant 0 : i32
    %c0_i32_0 = arith.constant 0 : i32
    %c0_i32_1 = arith.constant 0 : i32
    return %arg0, %c0_i32, %c0_i32_0 : i32, i32, i32
  }
  func.func @transform_2(%arg0: i32, %arg1: i32) -> (i32, i32, i32) {
    %c0_i32 = arith.constant 0 : i32
    %c0_i32_0 = arith.constant 0 : i32
    return %arg0, %arg1, %c0_i32 : i32, i32, i32
  }
}

module attributes {stable_mosaic.version = 14 : i64} {
  func.func @_sa_mlp_body(%arg0: i32, %arg1: memref<128x32x16xf32, #tpu.memory_space<vmem>>, %arg2: memref<128x8xf32, #tpu.memory_space<vmem>>, %arg3: memref<16x64xf32, #tpu.memory_space<vmem>>, %arg4: memref<1x64xf32, #tpu.memory_space<vmem>>, %arg5: memref<1x64xf32, #tpu.memory_space<vmem>>, %arg6: memref<64x64xf32, #tpu.memory_space<vmem>>, %arg7: memref<1x64xf32, #tpu.memory_space<vmem>>, %arg8: memref<1x64xf32, #tpu.memory_space<vmem>>, %arg9: memref<64x128xf32, #tpu.memory_space<vmem>>, %arg10: memref<1x128xf32, #tpu.memory_space<vmem>>, %arg11: memref<1x128xf32, #tpu.memory_space<vmem>>, %arg12: memref<128x128xf32, #tpu.memory_space<vmem>>) attributes {dimension_semantics = [#tpu.dimension_semantics<arbitrary>], iteration_bounds = array<i64: 32>, scalar_prefetch = 0 : i64, scratch_operands = 0 : i64, tpu.core_type = #tpu.core_type<tc>, window_params = [{transform_indices = @transform_0, window_bounds = array<i64: 128, 32, 16>}, {transform_indices = @transform_1, window_bounds = array<i64: 128, 8>}, {pipeline_mode = #tpu.pipeline_mode<synchronous>, transform_indices = @transform_2, window_bounds = array<i64: 16, 64>}, {pipeline_mode = #tpu.pipeline_mode<synchronous>, transform_indices = @transform_3, window_bounds = array<i64: 1, 64>}, {pipeline_mode = #tpu.pipeline_mode<synchronous>, transform_indices = @transform_4, window_bounds = array<i64: 1, 64>}, {pipeline_mode = #tpu.pipeline_mode<synchronous>, transform_indices = @transform_5, window_bounds = array<i64: 64, 64>}, {pipeline_mode = #tpu.pipeline_mode<synchronous>, transform_indices = @transform_6, window_bounds = array<i64: 1, 64>}, {pipeline_mode = #tpu.pipeline_mode<synchronous>, transform_indices = @transform_7, window_bounds = array<i64: 1, 64>}, {pipeline_mode = #tpu.pipeline_mode<synchronous>, transform_indices = @transform_8, window_bounds = array<i64: 64, 128>}, {pipeline_mode = #tpu.pipeline_mode<synchronous>, transform_indices = @transform_9, window_bounds = array<i64: 1, 128>}, {pipeline_mode = #tpu.pipeline_mode<synchronous>, transform_indices = @transform_10, window_bounds = array<i64: 1, 128>}, {transform_indices = @transform_11, window_bounds = array<i64: 128, 128>}]} {
    %get3A = arith.constant 0 : index
    %get3A_0 = arith.constant 0 : index
    %get3A_1 = arith.constant 0 : index
    %get3A_2 = vector.load %arg1[%get3A, %get3A_0, %get3A_1] : memref<128x32x16xf32, #tpu.memory_space<vmem>>, vector<128x32x16xf32>
    %get3A_3 = arith.constant 0 : index
    %get3A_4 = arith.constant 0 : index
    %get3A_5 = vector.load %arg2[%get3A_3, %get3A_4] : memref<128x8xf32, #tpu.memory_space<vmem>>, vector<128x8xf32>
    %slice3A = vector.extract_strided_slice %get3A_5 {offsets = [0, 0], sizes = [128, 3], strides = [1, 1]} : vector<128x8xf32> to vector<128x3xf32>
    %reshape3A = vector.shape_cast %slice3A : vector<128x3xf32> to vector<128x1x3xf32>
    %broadcast_in_dim3A = arith.constant 0.000000e+00 : f32
    %broadcast_in_dim3A_6 = vector.broadcast %broadcast_in_dim3A : f32 to vector<128x1x13xf32>
    %concatenate3A = tpu.concatenate %reshape3A, %broadcast_in_dim3A_6 in 2 : vector<128x1x3xf32>, vector<128x1x13xf32> -> vector<128x1x16xf32>
    %sub3A = vector.broadcast %concatenate3A : vector<128x1x16xf32> to vector<128x32x16xf32>
    %sub3A_7 = arith.subf %get3A_2, %sub3A : vector<128x32x16xf32>
    %reshape3A_8 = vector.shape_cast %sub3A_7 : vector<128x32x16xf32> to vector<4096x16xf32>
    %get3A_9 = arith.constant 0 : index
    %get3A_10 = arith.constant 0 : index
    %get3A_11 = vector.load %arg3[%get3A_9, %get3A_10] : memref<16x64xf32, #tpu.memory_space<vmem>>, vector<16x64xf32>
    %dot_general3A = arith.constant dense<0.000000e+00> : vector<4096x64xf32>
    %dot_general3A_12 = tpu.matmul %reshape3A_8, %get3A_11, %dot_general3A {dimension_numbers = #tpu.dot_dimension_numbers<[1], [0], [0], [1], [0, 0, 1, 1], [], []>, transpose_lhs_hint = false} : vector<4096x16xf32>, vector<16x64xf32>, vector<4096x64xf32> -> vector<4096x64xf32>
    %get3A_13 = arith.constant 0 : index
    %get3A_14 = arith.constant 0 : index
    %get3A_15 = vector.load %arg4[%get3A_13, %get3A_14] : memref<1x64xf32, #tpu.memory_space<vmem>>, vector<1x64xf32>
    %mul3A = vector.broadcast %get3A_15 : vector<1x64xf32> to vector<4096x64xf32>
    %mul3A_16 = arith.mulf %dot_general3A_12, %mul3A : vector<4096x64xf32>
    %get3A_17 = arith.constant 0 : index
    %get3A_18 = arith.constant 0 : index
    %get3A_19 = vector.load %arg5[%get3A_17, %get3A_18] : memref<1x64xf32, #tpu.memory_space<vmem>>, vector<1x64xf32>
    %add3A = vector.broadcast %get3A_19 : vector<1x64xf32> to vector<4096x64xf32>
    %add3A_20 = arith.addf %mul3A_16, %add3A : vector<4096x64xf32>
    %max3A = arith.constant 0.000000e+00 : f32
    %max3A_21 = vector.broadcast %max3A : f32 to vector<4096x64xf32>
    %max3A_22 = arith.maximumf %add3A_20, %max3A_21 : vector<4096x64xf32>
    %get3A_23 = arith.constant 0 : index
    %get3A_24 = arith.constant 0 : index
    %get3A_25 = vector.load %arg6[%get3A_23, %get3A_24] : memref<64x64xf32, #tpu.memory_space<vmem>>, vector<64x64xf32>
    %dot_general3A_26 = arith.constant dense<0.000000e+00> : vector<4096x64xf32>
    %dot_general3A_27 = tpu.matmul %max3A_22, %get3A_25, %dot_general3A_26 {dimension_numbers = #tpu.dot_dimension_numbers<[1], [0], [0], [1], [0, 0, 1, 1], [], []>, transpose_lhs_hint = false} : vector<4096x64xf32>, vector<64x64xf32>, vector<4096x64xf32> -> vector<4096x64xf32>
    %get3A_28 = arith.constant 0 : index
    %get3A_29 = arith.constant 0 : index
    %get3A_30 = vector.load %arg7[%get3A_28, %get3A_29] : memref<1x64xf32, #tpu.memory_space<vmem>>, vector<1x64xf32>
    %mul3A_31 = vector.broadcast %get3A_30 : vector<1x64xf32> to vector<4096x64xf32>
    %mul3A_32 = arith.mulf %dot_general3A_27, %mul3A_31 : vector<4096x64xf32>
    %get3A_33 = arith.constant 0 : index
    %get3A_34 = arith.constant 0 : index
    %get3A_35 = vector.load %arg8[%get3A_33, %get3A_34] : memref<1x64xf32, #tpu.memory_space<vmem>>, vector<1x64xf32>
    %add3A_36 = vector.broadcast %get3A_35 : vector<1x64xf32> to vector<4096x64xf32>
    %add3A_37 = arith.addf %mul3A_32, %add3A_36 : vector<4096x64xf32>
    %max3A_38 = arith.constant 0.000000e+00 : f32
    %max3A_39 = vector.broadcast %max3A_38 : f32 to vector<4096x64xf32>
    %max3A_40 = arith.maximumf %add3A_37, %max3A_39 : vector<4096x64xf32>
    %get3A_41 = arith.constant 0 : index
    %get3A_42 = arith.constant 0 : index
    %get3A_43 = vector.load %arg9[%get3A_41, %get3A_42] : memref<64x128xf32, #tpu.memory_space<vmem>>, vector<64x128xf32>
    %dot_general3A_44 = arith.constant dense<0.000000e+00> : vector<4096x128xf32>
    %dot_general3A_45 = tpu.matmul %max3A_40, %get3A_43, %dot_general3A_44 {dimension_numbers = #tpu.dot_dimension_numbers<[1], [0], [0], [1], [0, 0, 1, 1], [], []>, transpose_lhs_hint = false} : vector<4096x64xf32>, vector<64x128xf32>, vector<4096x128xf32> -> vector<4096x128xf32>
    %get3A_46 = arith.constant 0 : index
    %get3A_47 = arith.constant 0 : index
    %get3A_48 = vector.load %arg10[%get3A_46, %get3A_47] : memref<1x128xf32, #tpu.memory_space<vmem>>, vector<1x128xf32>
    %mul3A_49 = vector.broadcast %get3A_48 : vector<1x128xf32> to vector<4096x128xf32>
    %mul3A_50 = arith.mulf %dot_general3A_45, %mul3A_49 : vector<4096x128xf32>
    %get3A_51 = arith.constant 0 : index
    %get3A_52 = arith.constant 0 : index
    %get3A_53 = vector.load %arg11[%get3A_51, %get3A_52] : memref<1x128xf32, #tpu.memory_space<vmem>>, vector<1x128xf32>
    %add3A_54 = vector.broadcast %get3A_53 : vector<1x128xf32> to vector<4096x128xf32>
    %add3A_55 = arith.addf %mul3A_50, %add3A_54 : vector<4096x128xf32>
    %max3A_56 = arith.constant 0.000000e+00 : f32
    %max3A_57 = vector.broadcast %max3A_56 : f32 to vector<4096x128xf32>
    %max3A_58 = arith.maximumf %add3A_55, %max3A_57 : vector<4096x128xf32>
    %reshape3A_59 = vector.shape_cast %max3A_58 : vector<4096x128xf32> to vector<128x32x128xf32>
    %reduce_max3A = arith.constant dense<0xFF800000> : vector<128x128xf32>
    %reduce_max3A_60 = vector.multi_reduction <maximumf>, %reshape3A_59, %reduce_max3A [1] : vector<128x32x128xf32> to vector<128x128xf32>
    %swap3A = arith.constant 0 : index
    %swap3A_61 = arith.constant 0 : index
    %swap3A_62 = vector.load %arg12[%swap3A, %swap3A_61] : memref<128x128xf32, #tpu.memory_space<vmem>>, vector<128x128xf32>
    tpu.vector_store %arg12[%swap3A, %swap3A_61], %reduce_max3A_60 {strides = array<i32>} : memref<128x128xf32, #tpu.memory_space<vmem>>, vector<128x128xf32>,
    return
  }
  func.func @transform_0(%arg0: i32) -> (i32, i32, i32) {
    %c0_i32 = arith.constant 0 : i32
    %c0_i32_0 = arith.constant 0 : i32
    %c0_i32_1 = arith.constant 0 : i32
    return %arg0, %c0_i32, %c0_i32_0 : i32, i32, i32
  }
  func.func @transform_1(%arg0: i32) -> (i32, i32) {
    %c0_i32 = arith.constant 0 : i32
    %c0_i32_0 = arith.constant 0 : i32
    return %arg0, %c0_i32 : i32, i32
  }
  func.func @transform_2(%arg0: i32) -> (i32, i32) {
    %c0_i32 = arith.constant 0 : i32
    %c0_i32_0 = arith.constant 0 : i32
    %c0_i32_1 = arith.constant 0 : i32
    return %c0_i32, %c0_i32_0 : i32, i32
  }
  func.func @transform_3(%arg0: i32) -> (i32, i32) {
    %c0_i32 = arith.constant 0 : i32
    %c0_i32_0 = arith.constant 0 : i32
    %c0_i32_1 = arith.constant 0 : i32
    return %c0_i32, %c0_i32_0 : i32, i32
  }
  func.func @transform_4(%arg0: i32) -> (i32, i32) {
    %c0_i32 = arith.constant 0 : i32
    %c0_i32_0 = arith.constant 0 : i32
    %c0_i32_1 = arith.constant 0 : i32
    return %c0_i32, %c0_i32_0 : i32, i32
  }
  func.func @transform_5(%arg0: i32) -> (i32, i32) {
    %c0_i32 = arith.constant 0 : i32
    %c0_i32_0 = arith.constant 0 : i32
    %c0_i32_1 = arith.constant 0 : i32
    return %c0_i32, %c0_i32_0 : i32, i32
  }
  func.func @transform_6(%arg0: i32) -> (i32, i32) {
    %c0_i32 = arith.constant 0 : i32
    %c0_i32_0 = arith.constant 0 : i32
    %c0_i32_1 = arith.constant 0 : i32
    return %c0_i32, %c0_i32_0 : i32, i32
  }
  func.func @transform_7(%arg0: i32) -> (i32, i32) {
    %c0_i32 = arith.constant 0 : i32
    %c0_i32_0 = arith.constant 0 : i32
    %c0_i32_1 = arith.constant 0 : i32
    return %c0_i32, %c0_i32_0 : i32, i32
  }
  func.func @transform_8(%arg0: i32) -> (i32, i32) {
    %c0_i32 = arith.constant 0 : i32
    %c0_i32_0 = arith.constant 0 : i32
    %c0_i32_1 = arith.constant 0 : i32
    return %c0_i32, %c0_i32_0 : i32, i32
  }
  func.func @transform_9(%arg0: i32) -> (i32, i32) {
    %c0_i32 = arith.constant 0 : i32
    %c0_i32_0 = arith.constant 0 : i32
    %c0_i32_1 = arith.constant 0 : i32
    return %c0_i32, %c0_i32_0 : i32, i32
  }
  func.func @transform_10(%arg0: i32) -> (i32, i32) {
    %c0_i32 = arith.constant 0 : i32
    %c0_i32_0 = arith.constant 0 : i32
    %c0_i32_1 = arith.constant 0 : i32
    return %c0_i32, %c0_i32_0 : i32, i32
  }
  func.func @transform_11(%arg0: i32) -> (i32, i32) {
    %c0_i32 = arith.constant 0 : i32
    %c0_i32_0 = arith.constant 0 : i32
    return %arg0, %c0_i32 : i32, i32
  }
}

module attributes {stable_mosaic.version = 14 : i64} {
  func.func @_fps_body(%arg0: memref<4x2x128xf32, #tpu.memory_space<vmem>>, %arg1: memref<4x2x128xf32, #tpu.memory_space<vmem>>, %arg2: memref<4x2x128xf32, #tpu.memory_space<vmem>>, %arg3: memref<64x4xi32, #tpu.memory_space<vmem>>, %arg4: memref<64x4xf32, #tpu.memory_space<vmem>>, %arg5: memref<64x4xf32, #tpu.memory_space<vmem>>, %arg6: memref<64x4xf32, #tpu.memory_space<vmem>>) attributes {dimension_semantics = [], scalar_prefetch = 0 : i64, scratch_operands = 0 : i64, tpu.core_type = #tpu.core_type<tc>} {
    %iota3A = tpu.iota {dimensions = array<i32: 1>} : vector<4x2x128xi32>
    %mul3A = arith.constant 128 : i32
    %mul3A_0 = vector.broadcast %mul3A : i32 to vector<4x2x128xi32>
    %mul3A_1 = arith.muli %iota3A, %mul3A_0 : vector<4x2x128xi32>
    %iota3A_2 = tpu.iota {dimensions = array<i32: 2>} : vector<4x2x128xi32>
    %add3A = arith.addi %mul3A_1, %iota3A_2 : vector<4x2x128xi32>
    %get3A = arith.constant 0 : index
    %get3A_3 = arith.constant 0 : index
    %get3A_4 = arith.constant 0 : index
    %get3A_5 = vector.load %arg0[%get3A, %get3A_3, %get3A_4] : memref<4x2x128xf32, #tpu.memory_space<vmem>>, vector<4x2x128xf32>
    %get3A_6 = arith.constant 0 : index
    %get3A_7 = arith.constant 0 : index
    %get3A_8 = arith.constant 0 : index
    %get3A_9 = vector.load %arg1[%get3A_6, %get3A_7, %get3A_8] : memref<4x2x128xf32, #tpu.memory_space<vmem>>, vector<4x2x128xf32>
    %get3A_10 = arith.constant 0 : index
    %get3A_11 = arith.constant 0 : index
    %get3A_12 = arith.constant 0 : index
    %get3A_13 = vector.load %arg2[%get3A_10, %get3A_11, %get3A_12] : memref<4x2x128xf32, #tpu.memory_space<vmem>>, vector<4x2x128xf32>
    %broadcast_in_dim3A = arith.constant 1.000000e+10 : f32
    %broadcast_in_dim3A_14 = vector.broadcast %broadcast_in_dim3A : f32 to vector<4x2x128xf32>
    %broadcast_in_dim3A_15 = arith.constant 0 : i32
    %broadcast_in_dim3A_16 = vector.broadcast %broadcast_in_dim3A_15 : i32 to vector<4xi32>
    %scan3A = arith.constant 0 : i32
    %scan3A_17 = arith.constant 64 : i32
    %scan3A_18 = arith.addi %scan3A, %scan3A_17 : i32
    %scan3A_19 = arith.constant 1 : i32
    %scan3A_20:2 = scf.for %scan3A_22 = %scan3A to %scan3A_18 step %scan3A_19 iter_args(%scan3A_23 = %broadcast_in_dim3A_14, %scan3A_24 = %broadcast_in_dim3A_16) -> (vector<4x2x128xf32>, vector<4xi32>)  : i32 {
      %broadcast_in_dim3A_25 = vector.shape_cast %scan3A_24 : vector<4xi32> to vector<4x1x1xi32>
      %eq3A = vector.broadcast %broadcast_in_dim3A_25 : vector<4x1x1xi32> to vector<4x2x128xi32>
      %eq3A_26 = arith.cmpi eq, %add3A, %eq3A : vector<4x2x128xi32>
      %jit3A = arith.constant 0.000000e+00 : f32
      %broadcast_in_dim3A_27 = vector.broadcast %jit3A : f32 to vector<4x2x128xf32>
      %select_n3A = arith.select %eq3A_26, %get3A_5, %broadcast_in_dim3A_27 : vector<4x2x128xi1>, vector<4x2x128xf32>
      %reduce_sum3A = arith.constant dense<0.000000e+00> : vector<4x2xf32>
      %reduce_sum3A_28 = vector.multi_reduction <add>, %select_n3A, %reduce_sum3A [2] : vector<4x2x128xf32> to vector<4x2xf32>
      %reduce_sum3A_29 = arith.constant dense<0.000000e+00> : vector<4xf32>
      %reduce_sum3A_30 = vector.multi_reduction <add>, %reduce_sum3A_28, %reduce_sum3A_29 [1] : vector<4x2xf32> to vector<4xf32>
      %jit3A_31 = arith.constant 0.000000e+00 : f32
      %broadcast_in_dim3A_32 = vector.broadcast %jit3A_31 : f32 to vector<4x2x128xf32>
      %select_n3A_33 = arith.select %eq3A_26, %get3A_9, %broadcast_in_dim3A_32 : vector<4x2x128xi1>, vector<4x2x128xf32>
      %reduce_sum3A_34 = arith.constant dense<0.000000e+00> : vector<4x2xf32>
      %reduce_sum3A_35 = vector.multi_reduction <add>, %select_n3A_33, %reduce_sum3A_34 [2] : vector<4x2x128xf32> to vector<4x2xf32>
      %reduce_sum3A_36 = arith.constant dense<0.000000e+00> : vector<4xf32>
      %reduce_sum3A_37 = vector.multi_reduction <add>, %reduce_sum3A_35, %reduce_sum3A_36 [1] : vector<4x2xf32> to vector<4xf32>
      %jit3A_38 = arith.constant 0.000000e+00 : f32
      %broadcast_in_dim3A_39 = vector.broadcast %jit3A_38 : f32 to vector<4x2x128xf32>
      %select_n3A_40 = arith.select %eq3A_26, %get3A_13, %broadcast_in_dim3A_39 : vector<4x2x128xi1>, vector<4x2x128xf32>
      %reduce_sum3A_41 = arith.constant dense<0.000000e+00> : vector<4x2xf32>
      %reduce_sum3A_42 = vector.multi_reduction <add>, %select_n3A_40, %reduce_sum3A_41 [2] : vector<4x2x128xf32> to vector<4x2xf32>
      %reduce_sum3A_43 = arith.constant dense<0.000000e+00> : vector<4xf32>
      %reduce_sum3A_44 = vector.multi_reduction <add>, %reduce_sum3A_42, %reduce_sum3A_43 [1] : vector<4x2xf32> to vector<4xf32>
      %broadcast_in_dim3A_45 = vector.shape_cast %scan3A_24 : vector<4xi32> to vector<1x4xi32>
      %swap3A = arith.index_cast %scan3A_22 : i32 to index
      %swap3A_46 = arith.constant 0 : index
      %swap3A_47 = vector.load %arg3[%swap3A, %swap3A_46] : memref<64x4xi32, #tpu.memory_space<vmem>>, vector<1x4xi32>
      tpu.vector_store %arg3[%swap3A, %swap3A_46], %broadcast_in_dim3A_45 {strides = array<i32>} : memref<64x4xi32, #tpu.memory_space<vmem>>, vector<1x4xi32>,
      %broadcast_in_dim3A_48 = vector.shape_cast %reduce_sum3A_30 : vector<4xf32> to vector<1x4xf32>
      %swap3A_49 = arith.index_cast %scan3A_22 : i32 to index
      %swap3A_50 = arith.constant 0 : index
      %swap3A_51 = vector.load %arg4[%swap3A_49, %swap3A_50] : memref<64x4xf32, #tpu.memory_space<vmem>>, vector<1x4xf32>
      tpu.vector_store %arg4[%swap3A_49, %swap3A_50], %broadcast_in_dim3A_48 {strides = array<i32>} : memref<64x4xf32, #tpu.memory_space<vmem>>, vector<1x4xf32>,
      %broadcast_in_dim3A_52 = vector.shape_cast %reduce_sum3A_37 : vector<4xf32> to vector<1x4xf32>
      %swap3A_53 = arith.index_cast %scan3A_22 : i32 to index
      %swap3A_54 = arith.constant 0 : index
      %swap3A_55 = vector.load %arg5[%swap3A_53, %swap3A_54] : memref<64x4xf32, #tpu.memory_space<vmem>>, vector<1x4xf32>
      tpu.vector_store %arg5[%swap3A_53, %swap3A_54], %broadcast_in_dim3A_52 {strides = array<i32>} : memref<64x4xf32, #tpu.memory_space<vmem>>, vector<1x4xf32>,
      %broadcast_in_dim3A_56 = vector.shape_cast %reduce_sum3A_44 : vector<4xf32> to vector<1x4xf32>
      %swap3A_57 = arith.index_cast %scan3A_22 : i32 to index
      %swap3A_58 = arith.constant 0 : index
      %swap3A_59 = vector.load %arg6[%swap3A_57, %swap3A_58] : memref<64x4xf32, #tpu.memory_space<vmem>>, vector<1x4xf32>
      tpu.vector_store %arg6[%swap3A_57, %swap3A_58], %broadcast_in_dim3A_56 {strides = array<i32>} : memref<64x4xf32, #tpu.memory_space<vmem>>, vector<1x4xf32>,
      %broadcast_in_dim3A_60 = vector.shape_cast %reduce_sum3A_30 : vector<4xf32> to vector<4x1x1xf32>
      %sub3A = vector.broadcast %broadcast_in_dim3A_60 : vector<4x1x1xf32> to vector<4x2x128xf32>
      %sub3A_61 = arith.subf %get3A_5, %sub3A : vector<4x2x128xf32>
      %integer_pow3A = arith.mulf %sub3A_61, %sub3A_61 : vector<4x2x128xf32>
      %broadcast_in_dim3A_62 = vector.shape_cast %reduce_sum3A_37 : vector<4xf32> to vector<4x1x1xf32>
      %sub3A_63 = vector.broadcast %broadcast_in_dim3A_62 : vector<4x1x1xf32> to vector<4x2x128xf32>
      %sub3A_64 = arith.subf %get3A_9, %sub3A_63 : vector<4x2x128xf32>
      %integer_pow3A_65 = arith.mulf %sub3A_64, %sub3A_64 : vector<4x2x128xf32>
      %add3A_66 = arith.addf %integer_pow3A, %integer_pow3A_65 : vector<4x2x128xf32>
      %broadcast_in_dim3A_67 = vector.shape_cast %reduce_sum3A_44 : vector<4xf32> to vector<4x1x1xf32>
      %sub3A_68 = vector.broadcast %broadcast_in_dim3A_67 : vector<4x1x1xf32> to vector<4x2x128xf32>
      %sub3A_69 = arith.subf %get3A_13, %sub3A_68 : vector<4x2x128xf32>
      %integer_pow3A_70 = arith.mulf %sub3A_69, %sub3A_69 : vector<4x2x128xf32>
      %add3A_71 = arith.addf %add3A_66, %integer_pow3A_70 : vector<4x2x128xf32>
      %min3A = arith.minimumf %scan3A_23, %add3A_71 : vector<4x2x128xf32>
      %reduce_max3A = arith.constant dense<0xFF800000> : vector<4x2xf32>
      %reduce_max3A_72 = vector.multi_reduction <maximumf>, %min3A, %reduce_max3A [2] : vector<4x2x128xf32> to vector<4x2xf32>
      %reduce_max3A_73 = arith.constant dense<0xFF800000> : vector<4xf32>
      %reduce_max3A_74 = vector.multi_reduction <maximumf>, %reduce_max3A_72, %reduce_max3A_73 [1] : vector<4x2xf32> to vector<4xf32>
      %broadcast_in_dim3A_75 = vector.shape_cast %reduce_max3A_74 : vector<4xf32> to vector<4x1x1xf32>
      %eq3A_76 = vector.broadcast %broadcast_in_dim3A_75 : vector<4x1x1xf32> to vector<4x2x128xf32>
      %eq3A_77 = arith.cmpf oeq, %min3A, %eq3A_76 : vector<4x2x128xf32>
      %jit3A_78 = arith.constant 256 : i32
      %broadcast_in_dim3A_79 = vector.broadcast %jit3A_78 : i32 to vector<4x2x128xi32>
      %select_n3A_80 = arith.select %eq3A_77, %add3A, %broadcast_in_dim3A_79 : vector<4x2x128xi1>, vector<4x2x128xi32>
      %reduce_min3A = arith.constant dense<2147483647> : vector<4x2xi32>
      %reduce_min3A_81 = vector.multi_reduction <minsi>, %select_n3A_80, %reduce_min3A [2] : vector<4x2x128xi32> to vector<4x2xi32>
      %reduce_min3A_82 = arith.constant dense<2147483647> : vector<4xi32>
      %reduce_min3A_83 = vector.multi_reduction <minsi>, %reduce_min3A_81, %reduce_min3A_82 [1] : vector<4x2xi32> to vector<4xi32>
      scf.yield %min3A, %reduce_min3A_83 : vector<4x2x128xf32>, vector<4xi32>
    }
    %scan3A_21 = arith.constant 64 : i32
    return
  }
}

module attributes {stable_mosaic.version = 14 : i64} {
  func.func @_ballquery_body(%arg0: i32, %arg1: i32, %arg2: memref<1x64x3xf32, #tpu.memory_space<vmem>>, %arg3: memref<1x256x3xf32, #tpu.memory_space<vmem>>, %arg4: memref<1x64x32xi32, #tpu.memory_space<vmem>>) attributes {dimension_semantics = [#tpu.dimension_semantics<arbitrary>, #tpu.dimension_semantics<arbitrary>], iteration_bounds = array<i64: 4, 1>, scalar_prefetch = 0 : i64, scratch_operands = 0 : i64, tpu.core_type = #tpu.core_type<tc>, window_params = [{transform_indices = @transform_0, window_bounds = array<i64: 1, 64, 3>}, {transform_indices = @transform_1, window_bounds = array<i64: 1, 256, 3>}, {transform_indices = @transform_2, window_bounds = array<i64: 1, 64, 32>}]} {
    %get3A = arith.constant 0 : index
    %get3A_0 = arith.constant 0 : index
    %get3A_1 = arith.constant 0 : index
    %get3A_2 = vector.load %arg2[%get3A, %get3A_0, %get3A_1] : memref<1x64x3xf32, #tpu.memory_space<vmem>>, vector<1x64x3xf32>
    %get3A_3 = vector.shape_cast %get3A_2 : vector<1x64x3xf32> to vector<64x3xf32>
    %get3A_4 = arith.constant 0 : index
    %get3A_5 = arith.constant 0 : index
    %get3A_6 = arith.constant 0 : index
    %get3A_7 = vector.load %arg3[%get3A_4, %get3A_5, %get3A_6] : memref<1x256x3xf32, #tpu.memory_space<vmem>>, vector<1x256x3xf32>
    %get3A_8 = vector.shape_cast %get3A_7 : vector<1x256x3xf32> to vector<256x3xf32>
    %mul3A = arith.mulf %get3A_3, %get3A_3 : vector<64x3xf32>
    %reduce_sum3A = arith.constant dense<0.000000e+00> : vector<64xf32>
    %reduce_sum3A_9 = vector.multi_reduction <add>, %mul3A, %reduce_sum3A [1] : vector<64x3xf32> to vector<64xf32>
    %mul3A_10 = arith.mulf %get3A_8, %get3A_8 : vector<256x3xf32>
    %reduce_sum3A_11 = arith.constant dense<0.000000e+00> : vector<256xf32>
    %reduce_sum3A_12 = vector.multi_reduction <add>, %mul3A_10, %reduce_sum3A_11 [1] : vector<256x3xf32> to vector<256xf32>
    %dot_general3A = arith.constant dense<0.000000e+00> : vector<64x256xf32>
    %dot_general3A_13 = tpu.matmul %get3A_3, %get3A_8, %dot_general3A {dimension_numbers = #tpu.dot_dimension_numbers<[1], [1], [0], [0], [0, 0, 1, 0], [], []>, transpose_lhs_hint = false} : vector<64x3xf32>, vector<256x3xf32>, vector<64x256xf32> -> vector<64x256xf32>
    %broadcast_in_dim3A = vector.shape_cast %reduce_sum3A_9 : vector<64xf32> to vector<64x1xf32>
    %broadcast_in_dim3A_14 = vector.shape_cast %reduce_sum3A_12 : vector<256xf32> to vector<1x256xf32>
    %add3A = vector.broadcast %broadcast_in_dim3A : vector<64x1xf32> to vector<64x256xf32>
    %add3A_15 = vector.broadcast %broadcast_in_dim3A_14 : vector<1x256xf32> to vector<64x256xf32>
    %add3A_16 = arith.addf %add3A, %add3A_15 : vector<64x256xf32>
    %mul3A_17 = arith.constant 2.000000e+00 : f32
    %mul3A_18 = vector.broadcast %mul3A_17 : f32 to vector<64x256xf32>
    %mul3A_19 = arith.mulf %mul3A_18, %dot_general3A_13 : vector<64x256xf32>
    %sub3A = arith.subf %add3A_16, %mul3A_19 : vector<64x256xf32>
    %iota3A = tpu.iota {dimensions = array<i32: 1>} : vector<64x256xi32>
    %gt3A = arith.constant 1.600000e-01 : f32
    %gt3A_20 = vector.broadcast %gt3A : f32 to vector<64x256xf32>
    %gt3A_21 = arith.cmpf ogt, %sub3A, %gt3A_20 : vector<64x256xf32>
    %jit3A = arith.constant 256 : i32
    %broadcast_in_dim3A_22 = vector.broadcast %jit3A : i32 to vector<64x256xi32>
    %select_n3A = arith.select %gt3A_21, %broadcast_in_dim3A_22, %iota3A : vector<64x256xi1>, vector<64x256xi32>
    %iota3A_23 = tpu.iota {dimensions = array<i32: 1>} : vector<64x32xi32>
    %broadcast_in_dim3A_24 = arith.constant 0 : i32
    %broadcast_in_dim3A_25 = vector.broadcast %broadcast_in_dim3A_24 : i32 to vector<64x32xi32>
    %scan3A = arith.constant 1073741824 : i32
    %scan3A_26 = arith.constant 0 : i32
    %scan3A_27 = arith.constant 32 : i32
    %scan3A_28 = arith.addi %scan3A_26, %scan3A_27 : i32
    %scan3A_29 = arith.constant 1 : i32
    %scan3A_30:2 = scf.for %scan3A_48 = %scan3A_26 to %scan3A_28 step %scan3A_29 iter_args(%scan3A_49 = %select_n3A, %scan3A_50 = %broadcast_in_dim3A_25) -> (vector<64x256xi32>, vector<64x32xi32>)  : i32 {
      %reduce_min3A = arith.constant dense<2147483647> : vector<64xi32>
      %reduce_min3A_51 = vector.multi_reduction <minsi>, %scan3A_49, %reduce_min3A [1] : vector<64x256xi32> to vector<64xi32>
      %eq3A = vector.broadcast %scan3A_48 : i32 to vector<64x32xi32>
      %eq3A_52 = arith.cmpi eq, %iota3A_23, %eq3A : vector<64x32xi32>
      %broadcast_in_dim3A_53 = vector.shape_cast %reduce_min3A_51 : vector<64xi32> to vector<64x1xi32>
      %broadcast_in_dim3A_54 = vector.shape_cast %broadcast_in_dim3A_53 : vector<64x1xi32> to vector<64x1xi32>
      %broadcast_in_dim3A_55 = vector.broadcast %broadcast_in_dim3A_54 : vector<64x1xi32> to vector<64x32xi32>
      %select_n3A_56 = arith.select %eq3A_52, %broadcast_in_dim3A_55, %scan3A_50 : vector<64x32xi1>, vector<64x32xi32>
      %broadcast_in_dim3A_57 = vector.shape_cast %reduce_min3A_51 : vector<64xi32> to vector<64x1xi32>
      %eq3A_58 = vector.broadcast %broadcast_in_dim3A_57 : vector<64x1xi32> to vector<64x256xi32>
      %eq3A_59 = arith.cmpi eq, %scan3A_49, %eq3A_58 : vector<64x256xi32>
      %broadcast_in_dim3A_60 = vector.broadcast %scan3A : i32 to vector<64x256xi32>
      %select_n3A_61 = arith.select %eq3A_59, %broadcast_in_dim3A_60, %scan3A_49 : vector<64x256xi1>, vector<64x256xi32>
      scf.yield %select_n3A_61, %select_n3A_56 : vector<64x256xi32>, vector<64x32xi32>
    }
    %scan3A_31 = arith.constant 32 : i32
    %slice3A = vector.extract_strided_slice %scan3A_30#1 {offsets = [0, 0], sizes = [64, 1], strides = [1, 1]} : vector<64x32xi32> to vector<64x1xi32>
    %ge3A = arith.constant 256 : i32
    %ge3A_32 = vector.broadcast %ge3A : i32 to vector<64x32xi32>
    %ge3A_33 = arith.cmpi sge, %scan3A_30#1, %ge3A_32 : vector<64x32xi32>
    %broadcast_in_dim3A_34 = vector.shape_cast %slice3A : vector<64x1xi32> to vector<64x1xi32>
    %broadcast_in_dim3A_35 = vector.broadcast %broadcast_in_dim3A_34 : vector<64x1xi32> to vector<64x32xi32>
    %select_n3A_36 = arith.select %ge3A_33, %broadcast_in_dim3A_35, %scan3A_30#1 : vector<64x32xi1>, vector<64x32xi32>
    %min3A = arith.constant 255 : i32
    %min3A_37 = vector.broadcast %min3A : i32 to vector<64x32xi32>
    %min3A_38 = arith.minsi %select_n3A_36, %min3A_37 : vector<64x32xi32>
    %mul3A_39 = arith.constant 256 : i32
    %mul3A_40 = arith.muli %arg0, %mul3A_39 : i32
    %add3A_41 = vector.broadcast %mul3A_40 : i32 to vector<64x32xi32>
    %add3A_42 = arith.addi %min3A_38, %add3A_41 : vector<64x32xi32>
    %swap3A = arith.constant 0 : index
    %swap3A_43 = arith.constant 0 : index
    %swap3A_44 = arith.constant 0 : index
    %swap3A_45 = vector.load %arg4[%swap3A, %swap3A_43, %swap3A_44] : memref<1x64x32xi32, #tpu.memory_space<vmem>>, vector<1x64x32xi32>
    %swap3A_46 = vector.shape_cast %swap3A_45 : vector<1x64x32xi32> to vector<64x32xi32>
    %swap3A_47 = vector.shape_cast %add3A_42 : vector<64x32xi32> to vector<1x64x32xi32>
    tpu.vector_store %arg4[%swap3A, %swap3A_43, %swap3A_44], %swap3A_47 {strides = array<i32>} : memref<1x64x32xi32, #tpu.memory_space<vmem>>, vector<1x64x32xi32>,
    return
  }
  func.func @transform_0(%arg0: i32, %arg1: i32) -> (i32, i32, i32) {
    %c0_i32 = arith.constant 0 : i32
    %c0_i32_0 = arith.constant 0 : i32
    return %arg0, %arg1, %c0_i32 : i32, i32, i32
  }
  func.func @transform_1(%arg0: i32, %arg1: i32) -> (i32, i32, i32) {
    %c0_i32 = arith.constant 0 : i32
    %c0_i32_0 = arith.constant 0 : i32
    %c0_i32_1 = arith.constant 0 : i32
    return %arg0, %c0_i32, %c0_i32_0 : i32, i32, i32
  }
  func.func @transform_2(%arg0: i32, %arg1: i32) -> (i32, i32, i32) {
    %c0_i32 = arith.constant 0 : i32
    %c0_i32_0 = arith.constant 0 : i32
    return %arg0, %arg1, %c0_i32 : i32, i32, i32
  }
}

module attributes {stable_mosaic.version = 14 : i64} {
  func.func @_sa_mlp_body(%arg0: i32, %arg1: memref<128x32x144xf32, #tpu.memory_space<vmem>>, %arg2: memref<128x8xf32, #tpu.memory_space<vmem>>, %arg3: memref<144x128xf32, #tpu.memory_space<vmem>>, %arg4: memref<1x128xf32, #tpu.memory_space<vmem>>, %arg5: memref<1x128xf32, #tpu.memory_space<vmem>>, %arg6: memref<128x128xf32, #tpu.memory_space<vmem>>, %arg7: memref<1x128xf32, #tpu.memory_space<vmem>>, %arg8: memref<1x128xf32, #tpu.memory_space<vmem>>, %arg9: memref<128x256xf32, #tpu.memory_space<vmem>>, %arg10: memref<1x256xf32, #tpu.memory_space<vmem>>, %arg11: memref<1x256xf32, #tpu.memory_space<vmem>>, %arg12: memref<128x256xf32, #tpu.memory_space<vmem>>) attributes {dimension_semantics = [#tpu.dimension_semantics<arbitrary>], iteration_bounds = array<i64: 8>, scalar_prefetch = 0 : i64, scratch_operands = 0 : i64, tpu.core_type = #tpu.core_type<tc>, window_params = [{transform_indices = @transform_0, window_bounds = array<i64: 128, 32, 144>}, {transform_indices = @transform_1, window_bounds = array<i64: 128, 8>}, {pipeline_mode = #tpu.pipeline_mode<synchronous>, transform_indices = @transform_2, window_bounds = array<i64: 144, 128>}, {pipeline_mode = #tpu.pipeline_mode<synchronous>, transform_indices = @transform_3, window_bounds = array<i64: 1, 128>}, {pipeline_mode = #tpu.pipeline_mode<synchronous>, transform_indices = @transform_4, window_bounds = array<i64: 1, 128>}, {pipeline_mode = #tpu.pipeline_mode<synchronous>, transform_indices = @transform_5, window_bounds = array<i64: 128, 128>}, {pipeline_mode = #tpu.pipeline_mode<synchronous>, transform_indices = @transform_6, window_bounds = array<i64: 1, 128>}, {pipeline_mode = #tpu.pipeline_mode<synchronous>, transform_indices = @transform_7, window_bounds = array<i64: 1, 128>}, {pipeline_mode = #tpu.pipeline_mode<synchronous>, transform_indices = @transform_8, window_bounds = array<i64: 128, 256>}, {pipeline_mode = #tpu.pipeline_mode<synchronous>, transform_indices = @transform_9, window_bounds = array<i64: 1, 256>}, {pipeline_mode = #tpu.pipeline_mode<synchronous>, transform_indices = @transform_10, window_bounds = array<i64: 1, 256>}, {transform_indices = @transform_11, window_bounds = array<i64: 128, 256>}]} {
    %get3A = arith.constant 0 : index
    %get3A_0 = arith.constant 0 : index
    %get3A_1 = arith.constant 0 : index
    %get3A_2 = vector.load %arg1[%get3A, %get3A_0, %get3A_1] : memref<128x32x144xf32, #tpu.memory_space<vmem>>, vector<128x32x144xf32>
    %get3A_3 = arith.constant 0 : index
    %get3A_4 = arith.constant 0 : index
    %get3A_5 = vector.load %arg2[%get3A_3, %get3A_4] : memref<128x8xf32, #tpu.memory_space<vmem>>, vector<128x8xf32>
    %slice3A = vector.extract_strided_slice %get3A_5 {offsets = [0, 0], sizes = [128, 3], strides = [1, 1]} : vector<128x8xf32> to vector<128x3xf32>
    %reshape3A = vector.shape_cast %slice3A : vector<128x3xf32> to vector<128x1x3xf32>
    %broadcast_in_dim3A = arith.constant 0.000000e+00 : f32
    %broadcast_in_dim3A_6 = vector.broadcast %broadcast_in_dim3A : f32 to vector<128x1x141xf32>
    %concatenate3A = tpu.concatenate %reshape3A, %broadcast_in_dim3A_6 in 2 : vector<128x1x3xf32>, vector<128x1x141xf32> -> vector<128x1x144xf32>
    %sub3A = vector.broadcast %concatenate3A : vector<128x1x144xf32> to vector<128x32x144xf32>
    %sub3A_7 = arith.subf %get3A_2, %sub3A : vector<128x32x144xf32>
    %reshape3A_8 = vector.shape_cast %sub3A_7 : vector<128x32x144xf32> to vector<4096x144xf32>
    %get3A_9 = arith.constant 0 : index
    %get3A_10 = arith.constant 0 : index
    %get3A_11 = vector.load %arg3[%get3A_9, %get3A_10] : memref<144x128xf32, #tpu.memory_space<vmem>>, vector<144x128xf32>
    %dot_general3A = arith.constant dense<0.000000e+00> : vector<4096x128xf32>
    %dot_general3A_12 = tpu.matmul %reshape3A_8, %get3A_11, %dot_general3A {dimension_numbers = #tpu.dot_dimension_numbers<[1], [0], [0], [1], [0, 0, 1, 1], [], []>, transpose_lhs_hint = false} : vector<4096x144xf32>, vector<144x128xf32>, vector<4096x128xf32> -> vector<4096x128xf32>
    %get3A_13 = arith.constant 0 : index
    %get3A_14 = arith.constant 0 : index
    %get3A_15 = vector.load %arg4[%get3A_13, %get3A_14] : memref<1x128xf32, #tpu.memory_space<vmem>>, vector<1x128xf32>
    %mul3A = vector.broadcast %get3A_15 : vector<1x128xf32> to vector<4096x128xf32>
    %mul3A_16 = arith.mulf %dot_general3A_12, %mul3A : vector<4096x128xf32>
    %get3A_17 = arith.constant 0 : index
    %get3A_18 = arith.constant 0 : index
    %get3A_19 = vector.load %arg5[%get3A_17, %get3A_18] : memref<1x128xf32, #tpu.memory_space<vmem>>, vector<1x128xf32>
    %add3A = vector.broadcast %get3A_19 : vector<1x128xf32> to vector<4096x128xf32>
    %add3A_20 = arith.addf %mul3A_16, %add3A : vector<4096x128xf32>
    %max3A = arith.constant 0.000000e+00 : f32
    %max3A_21 = vector.broadcast %max3A : f32 to vector<4096x128xf32>
    %max3A_22 = arith.maximumf %add3A_20, %max3A_21 : vector<4096x128xf32>
    %get3A_23 = arith.constant 0 : index
    %get3A_24 = arith.constant 0 : index
    %get3A_25 = vector.load %arg6[%get3A_23, %get3A_24] : memref<128x128xf32, #tpu.memory_space<vmem>>, vector<128x128xf32>
    %dot_general3A_26 = arith.constant dense<0.000000e+00> : vector<4096x128xf32>
    %dot_general3A_27 = tpu.matmul %max3A_22, %get3A_25, %dot_general3A_26 {dimension_numbers = #tpu.dot_dimension_numbers<[1], [0], [0], [1], [0, 0, 1, 1], [], []>, transpose_lhs_hint = false} : vector<4096x128xf32>, vector<128x128xf32>, vector<4096x128xf32> -> vector<4096x128xf32>
    %get3A_28 = arith.constant 0 : index
    %get3A_29 = arith.constant 0 : index
    %get3A_30 = vector.load %arg7[%get3A_28, %get3A_29] : memref<1x128xf32, #tpu.memory_space<vmem>>, vector<1x128xf32>
    %mul3A_31 = vector.broadcast %get3A_30 : vector<1x128xf32> to vector<4096x128xf32>
    %mul3A_32 = arith.mulf %dot_general3A_27, %mul3A_31 : vector<4096x128xf32>
    %get3A_33 = arith.constant 0 : index
    %get3A_34 = arith.constant 0 : index
    %get3A_35 = vector.load %arg8[%get3A_33, %get3A_34] : memref<1x128xf32, #tpu.memory_space<vmem>>, vector<1x128xf32>
    %add3A_36 = vector.broadcast %get3A_35 : vector<1x128xf32> to vector<4096x128xf32>
    %add3A_37 = arith.addf %mul3A_32, %add3A_36 : vector<4096x128xf32>
    %max3A_38 = arith.constant 0.000000e+00 : f32
    %max3A_39 = vector.broadcast %max3A_38 : f32 to vector<4096x128xf32>
    %max3A_40 = arith.maximumf %add3A_37, %max3A_39 : vector<4096x128xf32>
    %get3A_41 = arith.constant 0 : index
    %get3A_42 = arith.constant 0 : index
    %get3A_43 = vector.load %arg9[%get3A_41, %get3A_42] : memref<128x256xf32, #tpu.memory_space<vmem>>, vector<128x256xf32>
    %dot_general3A_44 = arith.constant dense<0.000000e+00> : vector<4096x256xf32>
    %dot_general3A_45 = tpu.matmul %max3A_40, %get3A_43, %dot_general3A_44 {dimension_numbers = #tpu.dot_dimension_numbers<[1], [0], [0], [1], [0, 0, 1, 1], [], []>, transpose_lhs_hint = false} : vector<4096x128xf32>, vector<128x256xf32>, vector<4096x256xf32> -> vector<4096x256xf32>
    %get3A_46 = arith.constant 0 : index
    %get3A_47 = arith.constant 0 : index
    %get3A_48 = vector.load %arg10[%get3A_46, %get3A_47] : memref<1x256xf32, #tpu.memory_space<vmem>>, vector<1x256xf32>
    %mul3A_49 = vector.broadcast %get3A_48 : vector<1x256xf32> to vector<4096x256xf32>
    %mul3A_50 = arith.mulf %dot_general3A_45, %mul3A_49 : vector<4096x256xf32>
    %get3A_51 = arith.constant 0 : index
    %get3A_52 = arith.constant 0 : index
    %get3A_53 = vector.load %arg11[%get3A_51, %get3A_52] : memref<1x256xf32, #tpu.memory_space<vmem>>, vector<1x256xf32>
    %add3A_54 = vector.broadcast %get3A_53 : vector<1x256xf32> to vector<4096x256xf32>
    %add3A_55 = arith.addf %mul3A_50, %add3A_54 : vector<4096x256xf32>
    %max3A_56 = arith.constant 0.000000e+00 : f32
    %max3A_57 = vector.broadcast %max3A_56 : f32 to vector<4096x256xf32>
    %max3A_58 = arith.maximumf %add3A_55, %max3A_57 : vector<4096x256xf32>
    %reshape3A_59 = vector.shape_cast %max3A_58 : vector<4096x256xf32> to vector<128x32x256xf32>
    %reduce_max3A = arith.constant dense<0xFF800000> : vector<128x256xf32>
    %reduce_max3A_60 = vector.multi_reduction <maximumf>, %reshape3A_59, %reduce_max3A [1] : vector<128x32x256xf32> to vector<128x256xf32>
    %swap3A = arith.constant 0 : index
    %swap3A_61 = arith.constant 0 : index
    %swap3A_62 = vector.load %arg12[%swap3A, %swap3A_61] : memref<128x256xf32, #tpu.memory_space<vmem>>, vector<128x256xf32>
    tpu.vector_store %arg12[%swap3A, %swap3A_61], %reduce_max3A_60 {strides = array<i32>} : memref<128x256xf32, #tpu.memory_space<vmem>>, vector<128x256xf32>,
    return
  }
  func.func @transform_0(%arg0: i32) -> (i32, i32, i32) {
    %c0_i32 = arith.constant 0 : i32
    %c0_i32_0 = arith.constant 0 : i32
    %c0_i32_1 = arith.constant 0 : i32
    return %arg0, %c0_i32, %c0_i32_0 : i32, i32, i32
  }
  func.func @transform_1(%arg0: i32) -> (i32, i32) {
    %c0_i32 = arith.constant 0 : i32
    %c0_i32_0 = arith.constant 0 : i32
    return %arg0, %c0_i32 : i32, i32
  }
  func.func @transform_2(%arg0: i32) -> (i32, i32) {
    %c0_i32 = arith.constant 0 : i32
    %c0_i32_0 = arith.constant 0 : i32
    %c0_i32_1 = arith.constant 0 : i32
    return %c0_i32, %c0_i32_0 : i32, i32
  }
  func.func @transform_3(%arg0: i32) -> (i32, i32) {
    %c0_i32 = arith.constant 0 : i32
    %c0_i32_0 = arith.constant 0 : i32
    %c0_i32_1 = arith.constant 0 : i32
    return %c0_i32, %c0_i32_0 : i32, i32
  }
  func.func @transform_4(%arg0: i32) -> (i32, i32) {
    %c0_i32 = arith.constant 0 : i32
    %c0_i32_0 = arith.constant 0 : i32
    %c0_i32_1 = arith.constant 0 : i32
    return %c0_i32, %c0_i32_0 : i32, i32
  }
  func.func @transform_5(%arg0: i32) -> (i32, i32) {
    %c0_i32 = arith.constant 0 : i32
    %c0_i32_0 = arith.constant 0 : i32
    %c0_i32_1 = arith.constant 0 : i32
    return %c0_i32, %c0_i32_0 : i32, i32
  }
  func.func @transform_6(%arg0: i32) -> (i32, i32) {
    %c0_i32 = arith.constant 0 : i32
    %c0_i32_0 = arith.constant 0 : i32
    %c0_i32_1 = arith.constant 0 : i32
    return %c0_i32, %c0_i32_0 : i32, i32
  }
  func.func @transform_7(%arg0: i32) -> (i32, i32) {
    %c0_i32 = arith.constant 0 : i32
    %c0_i32_0 = arith.constant 0 : i32
    %c0_i32_1 = arith.constant 0 : i32
    return %c0_i32, %c0_i32_0 : i32, i32
  }
  func.func @transform_8(%arg0: i32) -> (i32, i32) {
    %c0_i32 = arith.constant 0 : i32
    %c0_i32_0 = arith.constant 0 : i32
    %c0_i32_1 = arith.constant 0 : i32
    return %c0_i32, %c0_i32_0 : i32, i32
  }
  func.func @transform_9(%arg0: i32) -> (i32, i32) {
    %c0_i32 = arith.constant 0 : i32
    %c0_i32_0 = arith.constant 0 : i32
    %c0_i32_1 = arith.constant 0 : i32
    return %c0_i32, %c0_i32_0 : i32, i32
  }
  func.func @transform_10(%arg0: i32) -> (i32, i32) {
    %c0_i32 = arith.constant 0 : i32
    %c0_i32_0 = arith.constant 0 : i32
    %c0_i32_1 = arith.constant 0 : i32
    return %c0_i32, %c0_i32_0 : i32, i32
  }
  func.func @transform_11(%arg0: i32) -> (i32, i32) {
    %c0_i32 = arith.constant 0 : i32
    %c0_i32_0 = arith.constant 0 : i32
    return %arg0, %c0_i32 : i32, i32
  }
}

module attributes {stable_mosaic.version = 14 : i64} {
  func.func @_sa_mlp_body(%arg0: i32, %arg1: memref<64x32x272xf32, #tpu.memory_space<vmem>>, %arg2: memref<64x8xf32, #tpu.memory_space<vmem>>, %arg3: memref<272x256xf32, #tpu.memory_space<vmem>>, %arg4: memref<1x256xf32, #tpu.memory_space<vmem>>, %arg5: memref<1x256xf32, #tpu.memory_space<vmem>>, %arg6: memref<256x256xf32, #tpu.memory_space<vmem>>, %arg7: memref<1x256xf32, #tpu.memory_space<vmem>>, %arg8: memref<1x256xf32, #tpu.memory_space<vmem>>, %arg9: memref<256x512xf32, #tpu.memory_space<vmem>>, %arg10: memref<1x512xf32, #tpu.memory_space<vmem>>, %arg11: memref<1x512xf32, #tpu.memory_space<vmem>>, %arg12: memref<64x512xf32, #tpu.memory_space<vmem>>) attributes {dimension_semantics = [#tpu.dimension_semantics<arbitrary>], iteration_bounds = array<i64: 4>, scalar_prefetch = 0 : i64, scratch_operands = 0 : i64, tpu.core_type = #tpu.core_type<tc>, window_params = [{transform_indices = @transform_0, window_bounds = array<i64: 64, 32, 272>}, {transform_indices = @transform_1, window_bounds = array<i64: 64, 8>}, {pipeline_mode = #tpu.pipeline_mode<synchronous>, transform_indices = @transform_2, window_bounds = array<i64: 272, 256>}, {pipeline_mode = #tpu.pipeline_mode<synchronous>, transform_indices = @transform_3, window_bounds = array<i64: 1, 256>}, {pipeline_mode = #tpu.pipeline_mode<synchronous>, transform_indices = @transform_4, window_bounds = array<i64: 1, 256>}, {pipeline_mode = #tpu.pipeline_mode<synchronous>, transform_indices = @transform_5, window_bounds = array<i64: 256, 256>}, {pipeline_mode = #tpu.pipeline_mode<synchronous>, transform_indices = @transform_6, window_bounds = array<i64: 1, 256>}, {pipeline_mode = #tpu.pipeline_mode<synchronous>, transform_indices = @transform_7, window_bounds = array<i64: 1, 256>}, {pipeline_mode = #tpu.pipeline_mode<synchronous>, transform_indices = @transform_8, window_bounds = array<i64: 256, 512>}, {pipeline_mode = #tpu.pipeline_mode<synchronous>, transform_indices = @transform_9, window_bounds = array<i64: 1, 512>}, {pipeline_mode = #tpu.pipeline_mode<synchronous>, transform_indices = @transform_10, window_bounds = array<i64: 1, 512>}, {transform_indices = @transform_11, window_bounds = array<i64: 64, 512>}]} {
    %get3A = arith.constant 0 : index
    %get3A_0 = arith.constant 0 : index
    %get3A_1 = arith.constant 0 : index
    %get3A_2 = vector.load %arg1[%get3A, %get3A_0, %get3A_1] : memref<64x32x272xf32, #tpu.memory_space<vmem>>, vector<64x32x272xf32>
    %get3A_3 = arith.constant 0 : index
    %get3A_4 = arith.constant 0 : index
    %get3A_5 = vector.load %arg2[%get3A_3, %get3A_4] : memref<64x8xf32, #tpu.memory_space<vmem>>, vector<64x8xf32>
    %slice3A = vector.extract_strided_slice %get3A_5 {offsets = [0, 0], sizes = [64, 3], strides = [1, 1]} : vector<64x8xf32> to vector<64x3xf32>
    %reshape3A = vector.shape_cast %slice3A : vector<64x3xf32> to vector<64x1x3xf32>
    %broadcast_in_dim3A = arith.constant 0.000000e+00 : f32
    %broadcast_in_dim3A_6 = vector.broadcast %broadcast_in_dim3A : f32 to vector<64x1x269xf32>
    %concatenate3A = tpu.concatenate %reshape3A, %broadcast_in_dim3A_6 in 2 : vector<64x1x3xf32>, vector<64x1x269xf32> -> vector<64x1x272xf32>
    %sub3A = vector.broadcast %concatenate3A : vector<64x1x272xf32> to vector<64x32x272xf32>
    %sub3A_7 = arith.subf %get3A_2, %sub3A : vector<64x32x272xf32>
    %reshape3A_8 = vector.shape_cast %sub3A_7 : vector<64x32x272xf32> to vector<2048x272xf32>
    %get3A_9 = arith.constant 0 : index
    %get3A_10 = arith.constant 0 : index
    %get3A_11 = vector.load %arg3[%get3A_9, %get3A_10] : memref<272x256xf32, #tpu.memory_space<vmem>>, vector<272x256xf32>
    %dot_general3A = arith.constant dense<0.000000e+00> : vector<2048x256xf32>
    %dot_general3A_12 = tpu.matmul %reshape3A_8, %get3A_11, %dot_general3A {dimension_numbers = #tpu.dot_dimension_numbers<[1], [0], [0], [1], [0, 0, 1, 1], [], []>, transpose_lhs_hint = false} : vector<2048x272xf32>, vector<272x256xf32>, vector<2048x256xf32> -> vector<2048x256xf32>
    %get3A_13 = arith.constant 0 : index
    %get3A_14 = arith.constant 0 : index
    %get3A_15 = vector.load %arg4[%get3A_13, %get3A_14] : memref<1x256xf32, #tpu.memory_space<vmem>>, vector<1x256xf32>
    %mul3A = vector.broadcast %get3A_15 : vector<1x256xf32> to vector<2048x256xf32>
    %mul3A_16 = arith.mulf %dot_general3A_12, %mul3A : vector<2048x256xf32>
    %get3A_17 = arith.constant 0 : index
    %get3A_18 = arith.constant 0 : index
    %get3A_19 = vector.load %arg5[%get3A_17, %get3A_18] : memref<1x256xf32, #tpu.memory_space<vmem>>, vector<1x256xf32>
    %add3A = vector.broadcast %get3A_19 : vector<1x256xf32> to vector<2048x256xf32>
    %add3A_20 = arith.addf %mul3A_16, %add3A : vector<2048x256xf32>
    %max3A = arith.constant 0.000000e+00 : f32
    %max3A_21 = vector.broadcast %max3A : f32 to vector<2048x256xf32>
    %max3A_22 = arith.maximumf %add3A_20, %max3A_21 : vector<2048x256xf32>
    %get3A_23 = arith.constant 0 : index
    %get3A_24 = arith.constant 0 : index
    %get3A_25 = vector.load %arg6[%get3A_23, %get3A_24] : memref<256x256xf32, #tpu.memory_space<vmem>>, vector<256x256xf32>
    %dot_general3A_26 = arith.constant dense<0.000000e+00> : vector<2048x256xf32>
    %dot_general3A_27 = tpu.matmul %max3A_22, %get3A_25, %dot_general3A_26 {dimension_numbers = #tpu.dot_dimension_numbers<[1], [0], [0], [1], [0, 0, 1, 1], [], []>, transpose_lhs_hint = false} : vector<2048x256xf32>, vector<256x256xf32>, vector<2048x256xf32> -> vector<2048x256xf32>
    %get3A_28 = arith.constant 0 : index
    %get3A_29 = arith.constant 0 : index
    %get3A_30 = vector.load %arg7[%get3A_28, %get3A_29] : memref<1x256xf32, #tpu.memory_space<vmem>>, vector<1x256xf32>
    %mul3A_31 = vector.broadcast %get3A_30 : vector<1x256xf32> to vector<2048x256xf32>
    %mul3A_32 = arith.mulf %dot_general3A_27, %mul3A_31 : vector<2048x256xf32>
    %get3A_33 = arith.constant 0 : index
    %get3A_34 = arith.constant 0 : index
    %get3A_35 = vector.load %arg8[%get3A_33, %get3A_34] : memref<1x256xf32, #tpu.memory_space<vmem>>, vector<1x256xf32>
    %add3A_36 = vector.broadcast %get3A_35 : vector<1x256xf32> to vector<2048x256xf32>
    %add3A_37 = arith.addf %mul3A_32, %add3A_36 : vector<2048x256xf32>
    %max3A_38 = arith.constant 0.000000e+00 : f32
    %max3A_39 = vector.broadcast %max3A_38 : f32 to vector<2048x256xf32>
    %max3A_40 = arith.maximumf %add3A_37, %max3A_39 : vector<2048x256xf32>
    %get3A_41 = arith.constant 0 : index
    %get3A_42 = arith.constant 0 : index
    %get3A_43 = vector.load %arg9[%get3A_41, %get3A_42] : memref<256x512xf32, #tpu.memory_space<vmem>>, vector<256x512xf32>
    %dot_general3A_44 = arith.constant dense<0.000000e+00> : vector<2048x512xf32>
    %dot_general3A_45 = tpu.matmul %max3A_40, %get3A_43, %dot_general3A_44 {dimension_numbers = #tpu.dot_dimension_numbers<[1], [0], [0], [1], [0, 0, 1, 1], [], []>, transpose_lhs_hint = false} : vector<2048x256xf32>, vector<256x512xf32>, vector<2048x512xf32> -> vector<2048x512xf32>
    %get3A_46 = arith.constant 0 : index
    %get3A_47 = arith.constant 0 : index
    %get3A_48 = vector.load %arg10[%get3A_46, %get3A_47] : memref<1x512xf32, #tpu.memory_space<vmem>>, vector<1x512xf32>
    %mul3A_49 = vector.broadcast %get3A_48 : vector<1x512xf32> to vector<2048x512xf32>
    %mul3A_50 = arith.mulf %dot_general3A_45, %mul3A_49 : vector<2048x512xf32>
    %get3A_51 = arith.constant 0 : index
    %get3A_52 = arith.constant 0 : index
    %get3A_53 = vector.load %arg11[%get3A_51, %get3A_52] : memref<1x512xf32, #tpu.memory_space<vmem>>, vector<1x512xf32>
    %add3A_54 = vector.broadcast %get3A_53 : vector<1x512xf32> to vector<2048x512xf32>
    %add3A_55 = arith.addf %mul3A_50, %add3A_54 : vector<2048x512xf32>
    %max3A_56 = arith.constant 0.000000e+00 : f32
    %max3A_57 = vector.broadcast %max3A_56 : f32 to vector<2048x512xf32>
    %max3A_58 = arith.maximumf %add3A_55, %max3A_57 : vector<2048x512xf32>
    %reshape3A_59 = vector.shape_cast %max3A_58 : vector<2048x512xf32> to vector<64x32x512xf32>
    %reduce_max3A = arith.constant dense<0xFF800000> : vector<64x512xf32>
    %reduce_max3A_60 = vector.multi_reduction <maximumf>, %reshape3A_59, %reduce_max3A [1] : vector<64x32x512xf32> to vector<64x512xf32>
    %swap3A = arith.constant 0 : index
    %swap3A_61 = arith.constant 0 : index
    %swap3A_62 = vector.load %arg12[%swap3A, %swap3A_61] : memref<64x512xf32, #tpu.memory_space<vmem>>, vector<64x512xf32>
    tpu.vector_store %arg12[%swap3A, %swap3A_61], %reduce_max3A_60 {strides = array<i32>} : memref<64x512xf32, #tpu.memory_space<vmem>>, vector<64x512xf32>,
    return
  }
  func.func @transform_0(%arg0: i32) -> (i32, i32, i32) {
    %c0_i32 = arith.constant 0 : i32
    %c0_i32_0 = arith.constant 0 : i32
    %c0_i32_1 = arith.constant 0 : i32
    return %arg0, %c0_i32, %c0_i32_0 : i32, i32, i32
  }
  func.func @transform_1(%arg0: i32) -> (i32, i32) {
    %c0_i32 = arith.constant 0 : i32
    %c0_i32_0 = arith.constant 0 : i32
    return %arg0, %c0_i32 : i32, i32
  }
  func.func @transform_2(%arg0: i32) -> (i32, i32) {
    %c0_i32 = arith.constant 0 : i32
    %c0_i32_0 = arith.constant 0 : i32
    %c0_i32_1 = arith.constant 0 : i32
    return %c0_i32, %c0_i32_0 : i32, i32
  }
  func.func @transform_3(%arg0: i32) -> (i32, i32) {
    %c0_i32 = arith.constant 0 : i32
    %c0_i32_0 = arith.constant 0 : i32
    %c0_i32_1 = arith.constant 0 : i32
    return %c0_i32, %c0_i32_0 : i32, i32
  }
  func.func @transform_4(%arg0: i32) -> (i32, i32) {
    %c0_i32 = arith.constant 0 : i32
    %c0_i32_0 = arith.constant 0 : i32
    %c0_i32_1 = arith.constant 0 : i32
    return %c0_i32, %c0_i32_0 : i32, i32
  }
  func.func @transform_5(%arg0: i32) -> (i32, i32) {
    %c0_i32 = arith.constant 0 : i32
    %c0_i32_0 = arith.constant 0 : i32
    %c0_i32_1 = arith.constant 0 : i32
    return %c0_i32, %c0_i32_0 : i32, i32
  }
  func.func @transform_6(%arg0: i32) -> (i32, i32) {
    %c0_i32 = arith.constant 0 : i32
    %c0_i32_0 = arith.constant 0 : i32
    %c0_i32_1 = arith.constant 0 : i32
    return %c0_i32, %c0_i32_0 : i32, i32
  }
  func.func @transform_7(%arg0: i32) -> (i32, i32) {
    %c0_i32 = arith.constant 0 : i32
    %c0_i32_0 = arith.constant 0 : i32
    %c0_i32_1 = arith.constant 0 : i32
    return %c0_i32, %c0_i32_0 : i32, i32
  }
  func.func @transform_8(%arg0: i32) -> (i32, i32) {
    %c0_i32 = arith.constant 0 : i32
    %c0_i32_0 = arith.constant 0 : i32
    %c0_i32_1 = arith.constant 0 : i32
    return %c0_i32, %c0_i32_0 : i32, i32
  }
  func.func @transform_9(%arg0: i32) -> (i32, i32) {
    %c0_i32 = arith.constant 0 : i32
    %c0_i32_0 = arith.constant 0 : i32
    %c0_i32_1 = arith.constant 0 : i32
    return %c0_i32, %c0_i32_0 : i32, i32
  }
  func.func @transform_10(%arg0: i32) -> (i32, i32) {
    %c0_i32 = arith.constant 0 : i32
    %c0_i32_0 = arith.constant 0 : i32
    %c0_i32_1 = arith.constant 0 : i32
    return %c0_i32, %c0_i32_0 : i32, i32
  }
  func.func @transform_11(%arg0: i32) -> (i32, i32) {
    %c0_i32 = arith.constant 0 : i32
    %c0_i32_0 = arith.constant 0 : i32
    return %arg0, %c0_i32 : i32, i32
  }
}

module attributes {stable_mosaic.version = 14 : i64} {
  func.func @_fp_mlp_body(%arg0: i32, %arg1: i32, %arg2: memref<1x256x3xi32, #tpu.memory_space<vmem>>, %arg3: memref<1x256x3xf32, #tpu.memory_space<vmem>>, %arg4: memref<1x256x256xf32, #tpu.memory_space<vmem>>, %arg5: memref<1x64x512xf32, #tpu.memory_space<vmem>>, %arg6: memref<768x256xf32, #tpu.memory_space<vmem>>, %arg7: memref<1x256xf32, #tpu.memory_space<vmem>>, %arg8: memref<1x256xf32, #tpu.memory_space<vmem>>, %arg9: memref<256x256xf32, #tpu.memory_space<vmem>>, %arg10: memref<1x256xf32, #tpu.memory_space<vmem>>, %arg11: memref<1x256xf32, #tpu.memory_space<vmem>>, %arg12: memref<1x256x256xf32, #tpu.memory_space<vmem>>) attributes {dimension_semantics = [#tpu.dimension_semantics<arbitrary>, #tpu.dimension_semantics<arbitrary>], iteration_bounds = array<i64: 4, 1>, scalar_prefetch = 0 : i64, scratch_operands = 0 : i64, tpu.core_type = #tpu.core_type<tc>, window_params = [{transform_indices = @transform_0, window_bounds = array<i64: 1, 256, 3>}, {transform_indices = @transform_1, window_bounds = array<i64: 1, 256, 3>}, {transform_indices = @transform_2, window_bounds = array<i64: 1, 256, 256>}, {transform_indices = @transform_3, window_bounds = array<i64: 1, 64, 512>}, {pipeline_mode = #tpu.pipeline_mode<synchronous>, transform_indices = @transform_4, window_bounds = array<i64: 768, 256>}, {pipeline_mode = #tpu.pipeline_mode<synchronous>, transform_indices = @transform_5, window_bounds = array<i64: 1, 256>}, {pipeline_mode = #tpu.pipeline_mode<synchronous>, transform_indices = @transform_6, window_bounds = array<i64: 1, 256>}, {pipeline_mode = #tpu.pipeline_mode<synchronous>, transform_indices = @transform_7, window_bounds = array<i64: 256, 256>}, {pipeline_mode = #tpu.pipeline_mode<synchronous>, transform_indices = @transform_8, window_bounds = array<i64: 1, 256>}, {pipeline_mode = #tpu.pipeline_mode<synchronous>, transform_indices = @transform_9, window_bounds = array<i64: 1, 256>}, {transform_indices = @transform_10, window_bounds = array<i64: 1, 256, 256>}]} {
    %get3A = arith.constant 0 : index
    %get3A_0 = arith.constant 0 : index
    %get3A_1 = arith.constant 0 : index
    %get3A_2 = vector.load %arg2[%get3A, %get3A_0, %get3A_1] : memref<1x256x3xi32, #tpu.memory_space<vmem>>, vector<1x256x3xi32>
    %get3A_3 = vector.shape_cast %get3A_2 : vector<1x256x3xi32> to vector<256x3xi32>
    %get3A_4 = arith.constant 0 : index
    %get3A_5 = arith.constant 0 : index
    %get3A_6 = arith.constant 0 : index
    %get3A_7 = vector.load %arg3[%get3A_4, %get3A_5, %get3A_6] : memref<1x256x3xf32, #tpu.memory_space<vmem>>, vector<1x256x3xf32>
    %get3A_8 = vector.shape_cast %get3A_7 : vector<1x256x3xf32> to vector<256x3xf32>
    %iota3A = tpu.iota {dimensions = array<i32: 1>} : vector<256x64xi32>
    %get3A_9 = arith.constant 0 : index
    %get3A_10 = arith.constant 0 : index
    %get3A_11 = arith.constant 0 : index
    %get3A_12 = vector.load %arg5[%get3A_9, %get3A_10, %get3A_11] : memref<1x64x512xf32, #tpu.memory_space<vmem>>, vector<1x64x512xf32>
    %get3A_13 = vector.shape_cast %get3A_12 : vector<1x64x512xf32> to vector<64x512xf32>
    %slice3A = vector.extract_strided_slice %get3A_3 {offsets = [0, 0], sizes = [256, 1], strides = [1, 1]} : vector<256x3xi32> to vector<256x1xi32>
    %squeeze3A = vector.shape_cast %slice3A : vector<256x1xi32> to vector<256xi32>
    %broadcast_in_dim3A = vector.shape_cast %squeeze3A : vector<256xi32> to vector<256x1xi32>
    %eq3A = vector.broadcast %broadcast_in_dim3A : vector<256x1xi32> to vector<256x64xi32>
    %eq3A_14 = arith.cmpi eq, %iota3A, %eq3A : vector<256x64xi32>
    %jit3A = arith.constant 1.000000e+00 : f32
    %jit3A_15 = arith.constant 0.000000e+00 : f32
    %broadcast_in_dim3A_16 = vector.broadcast %jit3A : f32 to vector<256x64xf32>
    %broadcast_in_dim3A_17 = vector.broadcast %jit3A_15 : f32 to vector<256x64xf32>
    %select_n3A = arith.select %eq3A_14, %broadcast_in_dim3A_16, %broadcast_in_dim3A_17 : vector<256x64xi1>, vector<256x64xf32>
    %dot_general3A = arith.constant dense<0.000000e+00> : vector<256x512xf32>
    %dot_general3A_18 = tpu.matmul %select_n3A, %get3A_13, %dot_general3A {dimension_numbers = #tpu.dot_dimension_numbers<[1], [0], [0], [1], [0, 0, 1, 1], [], []>, precision = #tpu.contract_precision<fp32>, transpose_lhs_hint = false} : vector<256x64xf32>, vector<64x512xf32>, vector<256x512xf32> -> vector<256x512xf32>
    %slice3A_19 = vector.extract_strided_slice %get3A_3 {offsets = [0, 1], sizes = [256, 1], strides = [1, 1]} : vector<256x3xi32> to vector<256x1xi32>
    %squeeze3A_20 = vector.shape_cast %slice3A_19 : vector<256x1xi32> to vector<256xi32>
    %broadcast_in_dim3A_21 = vector.shape_cast %squeeze3A_20 : vector<256xi32> to vector<256x1xi32>
    %eq3A_22 = vector.broadcast %broadcast_in_dim3A_21 : vector<256x1xi32> to vector<256x64xi32>
    %eq3A_23 = arith.cmpi eq, %iota3A, %eq3A_22 : vector<256x64xi32>
    %jit3A_24 = arith.constant 1.000000e+00 : f32
    %jit3A_25 = arith.constant 0.000000e+00 : f32
    %broadcast_in_dim3A_26 = vector.broadcast %jit3A_24 : f32 to vector<256x64xf32>
    %broadcast_in_dim3A_27 = vector.broadcast %jit3A_25 : f32 to vector<256x64xf32>
    %select_n3A_28 = arith.select %eq3A_23, %broadcast_in_dim3A_26, %broadcast_in_dim3A_27 : vector<256x64xi1>, vector<256x64xf32>
    %dot_general3A_29 = arith.constant dense<0.000000e+00> : vector<256x512xf32>
    %dot_general3A_30 = tpu.matmul %select_n3A_28, %get3A_13, %dot_general3A_29 {dimension_numbers = #tpu.dot_dimension_numbers<[1], [0], [0], [1], [0, 0, 1, 1], [], []>, precision = #tpu.contract_precision<fp32>, transpose_lhs_hint = false} : vector<256x64xf32>, vector<64x512xf32>, vector<256x512xf32> -> vector<256x512xf32>
    %slice3A_31 = vector.extract_strided_slice %get3A_3 {offsets = [0, 2], sizes = [256, 1], strides = [1, 1]} : vector<256x3xi32> to vector<256x1xi32>
    %squeeze3A_32 = vector.shape_cast %slice3A_31 : vector<256x1xi32> to vector<256xi32>
    %broadcast_in_dim3A_33 = vector.shape_cast %squeeze3A_32 : vector<256xi32> to vector<256x1xi32>
    %eq3A_34 = vector.broadcast %broadcast_in_dim3A_33 : vector<256x1xi32> to vector<256x64xi32>
    %eq3A_35 = arith.cmpi eq, %iota3A, %eq3A_34 : vector<256x64xi32>
    %jit3A_36 = arith.constant 1.000000e+00 : f32
    %jit3A_37 = arith.constant 0.000000e+00 : f32
    %broadcast_in_dim3A_38 = vector.broadcast %jit3A_36 : f32 to vector<256x64xf32>
    %broadcast_in_dim3A_39 = vector.broadcast %jit3A_37 : f32 to vector<256x64xf32>
    %select_n3A_40 = arith.select %eq3A_35, %broadcast_in_dim3A_38, %broadcast_in_dim3A_39 : vector<256x64xi1>, vector<256x64xf32>
    %dot_general3A_41 = arith.constant dense<0.000000e+00> : vector<256x512xf32>
    %dot_general3A_42 = tpu.matmul %select_n3A_40, %get3A_13, %dot_general3A_41 {dimension_numbers = #tpu.dot_dimension_numbers<[1], [0], [0], [1], [0, 0, 1, 1], [], []>, precision = #tpu.contract_precision<fp32>, transpose_lhs_hint = false} : vector<256x64xf32>, vector<64x512xf32>, vector<256x512xf32> -> vector<256x512xf32>
    %slice3A_43 = vector.extract_strided_slice %get3A_8 {offsets = [0, 0], sizes = [256, 1], strides = [1, 1]} : vector<256x3xf32> to vector<256x1xf32>
    %squeeze3A_44 = vector.shape_cast %slice3A_43 : vector<256x1xf32> to vector<256xf32>
    %broadcast_in_dim3A_45 = vector.shape_cast %squeeze3A_44 : vector<256xf32> to vector<256x1xf32>
    %mul3A = vector.broadcast %broadcast_in_dim3A_45 : vector<256x1xf32> to vector<256x512xf32>
    %mul3A_46 = arith.mulf %dot_general3A_18, %mul3A : vector<256x512xf32>
    %slice3A_47 = vector.extract_strided_slice %get3A_8 {offsets = [0, 1], sizes = [256, 1], strides = [1, 1]} : vector<256x3xf32> to vector<256x1xf32>
    %squeeze3A_48 = vector.shape_cast %slice3A_47 : vector<256x1xf32> to vector<256xf32>
    %broadcast_in_dim3A_49 = vector.shape_cast %squeeze3A_48 : vector<256xf32> to vector<256x1xf32>
    %mul3A_50 = vector.broadcast %broadcast_in_dim3A_49 : vector<256x1xf32> to vector<256x512xf32>
    %mul3A_51 = arith.mulf %dot_general3A_30, %mul3A_50 : vector<256x512xf32>
    %add3A = arith.addf %mul3A_46, %mul3A_51 : vector<256x512xf32>
    %slice3A_52 = vector.extract_strided_slice %get3A_8 {offsets = [0, 2], sizes = [256, 1], strides = [1, 1]} : vector<256x3xf32> to vector<256x1xf32>
    %squeeze3A_53 = vector.shape_cast %slice3A_52 : vector<256x1xf32> to vector<256xf32>
    %broadcast_in_dim3A_54 = vector.shape_cast %squeeze3A_53 : vector<256xf32> to vector<256x1xf32>
    %mul3A_55 = vector.broadcast %broadcast_in_dim3A_54 : vector<256x1xf32> to vector<256x512xf32>
    %mul3A_56 = arith.mulf %dot_general3A_42, %mul3A_55 : vector<256x512xf32>
    %add3A_57 = arith.addf %add3A, %mul3A_56 : vector<256x512xf32>
    %get3A_58 = arith.constant 0 : index
    %get3A_59 = arith.constant 0 : index
    %get3A_60 = arith.constant 0 : index
    %get3A_61 = vector.load %arg4[%get3A_58, %get3A_59, %get3A_60] : memref<1x256x256xf32, #tpu.memory_space<vmem>>, vector<1x256x256xf32>
    %get3A_62 = vector.shape_cast %get3A_61 : vector<1x256x256xf32> to vector<256x256xf32>
    %concatenate3A = tpu.concatenate %get3A_62, %add3A_57 in 1 : vector<256x256xf32>, vector<256x512xf32> -> vector<256x768xf32>
    %get3A_63 = arith.constant 0 : index
    %get3A_64 = arith.constant 0 : index
    %get3A_65 = vector.load %arg6[%get3A_63, %get3A_64] : memref<768x256xf32, #tpu.memory_space<vmem>>, vector<768x256xf32>
    %dot_general3A_66 = arith.constant dense<0.000000e+00> : vector<256x256xf32>
    %dot_general3A_67 = tpu.matmul %concatenate3A, %get3A_65, %dot_general3A_66 {dimension_numbers = #tpu.dot_dimension_numbers<[1], [0], [0], [1], [0, 0, 1, 1], [], []>, transpose_lhs_hint = false} : vector<256x768xf32>, vector<768x256xf32>, vector<256x256xf32> -> vector<256x256xf32>
    %get3A_68 = arith.constant 0 : index
    %get3A_69 = arith.constant 0 : index
    %get3A_70 = vector.load %arg7[%get3A_68, %get3A_69] : memref<1x256xf32, #tpu.memory_space<vmem>>, vector<1x256xf32>
    %mul3A_71 = vector.broadcast %get3A_70 : vector<1x256xf32> to vector<256x256xf32>
    %mul3A_72 = arith.mulf %dot_general3A_67, %mul3A_71 : vector<256x256xf32>
    %get3A_73 = arith.constant 0 : index
    %get3A_74 = arith.constant 0 : index
    %get3A_75 = vector.load %arg8[%get3A_73, %get3A_74] : memref<1x256xf32, #tpu.memory_space<vmem>>, vector<1x256xf32>
    %add3A_76 = vector.broadcast %get3A_75 : vector<1x256xf32> to vector<256x256xf32>
    %add3A_77 = arith.addf %mul3A_72, %add3A_76 : vector<256x256xf32>
    %max3A = arith.constant 0.000000e+00 : f32
    %max3A_78 = vector.broadcast %max3A : f32 to vector<256x256xf32>
    %max3A_79 = arith.maximumf %add3A_77, %max3A_78 : vector<256x256xf32>
    %get3A_80 = arith.constant 0 : index
    %get3A_81 = arith.constant 0 : index
    %get3A_82 = vector.load %arg9[%get3A_80, %get3A_81] : memref<256x256xf32, #tpu.memory_space<vmem>>, vector<256x256xf32>
    %dot_general3A_83 = arith.constant dense<0.000000e+00> : vector<256x256xf32>
    %dot_general3A_84 = tpu.matmul %max3A_79, %get3A_82, %dot_general3A_83 {dimension_numbers = #tpu.dot_dimension_numbers<[1], [0], [0], [1], [0, 0, 1, 1], [], []>, transpose_lhs_hint = false} : vector<256x256xf32>, vector<256x256xf32>, vector<256x256xf32> -> vector<256x256xf32>
    %get3A_85 = arith.constant 0 : index
    %get3A_86 = arith.constant 0 : index
    %get3A_87 = vector.load %arg10[%get3A_85, %get3A_86] : memref<1x256xf32, #tpu.memory_space<vmem>>, vector<1x256xf32>
    %mul3A_88 = vector.broadcast %get3A_87 : vector<1x256xf32> to vector<256x256xf32>
    %mul3A_89 = arith.mulf %dot_general3A_84, %mul3A_88 : vector<256x256xf32>
    %get3A_90 = arith.constant 0 : index
    %get3A_91 = arith.constant 0 : index
    %get3A_92 = vector.load %arg11[%get3A_90, %get3A_91] : memref<1x256xf32, #tpu.memory_space<vmem>>, vector<1x256xf32>
    %add3A_93 = vector.broadcast %get3A_92 : vector<1x256xf32> to vector<256x256xf32>
    %add3A_94 = arith.addf %mul3A_89, %add3A_93 : vector<256x256xf32>
    %max3A_95 = arith.constant 0.000000e+00 : f32
    %max3A_96 = vector.broadcast %max3A_95 : f32 to vector<256x256xf32>
    %max3A_97 = arith.maximumf %add3A_94, %max3A_96 : vector<256x256xf32>
    %swap3A = arith.constant 0 : index
    %swap3A_98 = arith.constant 0 : index
    %swap3A_99 = arith.constant 0 : index
    %swap3A_100 = vector.load %arg12[%swap3A, %swap3A_98, %swap3A_99] : memref<1x256x256xf32, #tpu.memory_space<vmem>>, vector<1x256x256xf32>
    %swap3A_101 = vector.shape_cast %swap3A_100 : vector<1x256x256xf32> to vector<256x256xf32>
    %swap3A_102 = vector.shape_cast %max3A_97 : vector<256x256xf32> to vector<1x256x256xf32>
    tpu.vector_store %arg12[%swap3A, %swap3A_98, %swap3A_99], %swap3A_102 {strides = array<i32>} : memref<1x256x256xf32, #tpu.memory_space<vmem>>, vector<1x256x256xf32>,
    return
  }
  func.func @transform_0(%arg0: i32, %arg1: i32) -> (i32, i32, i32) {
    %c0_i32 = arith.constant 0 : i32
    %c0_i32_0 = arith.constant 0 : i32
    return %arg0, %arg1, %c0_i32 : i32, i32, i32
  }
  func.func @transform_1(%arg0: i32, %arg1: i32) -> (i32, i32, i32) {
    %c0_i32 = arith.constant 0 : i32
    %c0_i32_0 = arith.constant 0 : i32
    return %arg0, %arg1, %c0_i32 : i32, i32, i32
  }
  func.func @transform_2(%arg0: i32, %arg1: i32) -> (i32, i32, i32) {
    %c0_i32 = arith.constant 0 : i32
    %c0_i32_0 = arith.constant 0 : i32
    return %arg0, %arg1, %c0_i32 : i32, i32, i32
  }
  func.func @transform_3(%arg0: i32, %arg1: i32) -> (i32, i32, i32) {
    %c0_i32 = arith.constant 0 : i32
    %c0_i32_0 = arith.constant 0 : i32
    %c0_i32_1 = arith.constant 0 : i32
    return %arg0, %c0_i32, %c0_i32_0 : i32, i32, i32
  }
  func.func @transform_4(%arg0: i32, %arg1: i32) -> (i32, i32) {
    %c0_i32 = arith.constant 0 : i32
    %c0_i32_0 = arith.constant 0 : i32
    %c0_i32_1 = arith.constant 0 : i32
    return %c0_i32, %c0_i32_0 : i32, i32
  }
  func.func @transform_5(%arg0: i32, %arg1: i32) -> (i32, i32) {
    %c0_i32 = arith.constant 0 : i32
    %c0_i32_0 = arith.constant 0 : i32
    %c0_i32_1 = arith.constant 0 : i32
    return %c0_i32, %c0_i32_0 : i32, i32
  }
  func.func @transform_6(%arg0: i32, %arg1: i32) -> (i32, i32) {
    %c0_i32 = arith.constant 0 : i32
    %c0_i32_0 = arith.constant 0 : i32
    %c0_i32_1 = arith.constant 0 : i32
    return %c0_i32, %c0_i32_0 : i32, i32
  }
  func.func @transform_7(%arg0: i32, %arg1: i32) -> (i32, i32) {
    %c0_i32 = arith.constant 0 : i32
    %c0_i32_0 = arith.constant 0 : i32
    %c0_i32_1 = arith.constant 0 : i32
    return %c0_i32, %c0_i32_0 : i32, i32
  }
  func.func @transform_8(%arg0: i32, %arg1: i32) -> (i32, i32) {
    %c0_i32 = arith.constant 0 : i32
    %c0_i32_0 = arith.constant 0 : i32
    %c0_i32_1 = arith.constant 0 : i32
    return %c0_i32, %c0_i32_0 : i32, i32
  }
  func.func @transform_9(%arg0: i32, %arg1: i32) -> (i32, i32) {
    %c0_i32 = arith.constant 0 : i32
    %c0_i32_0 = arith.constant 0 : i32
    %c0_i32_1 = arith.constant 0 : i32
    return %c0_i32, %c0_i32_0 : i32, i32
  }
  func.func @transform_10(%arg0: i32, %arg1: i32) -> (i32, i32, i32) {
    %c0_i32 = arith.constant 0 : i32
    %c0_i32_0 = arith.constant 0 : i32
    return %arg0, %arg1, %c0_i32 : i32, i32, i32
  }
}

module attributes {stable_mosaic.version = 14 : i64} {
  func.func @_fp_mlp_body(%arg0: i32, %arg1: i32, %arg2: memref<1x256x3xi32, #tpu.memory_space<vmem>>, %arg3: memref<1x256x3xf32, #tpu.memory_space<vmem>>, %arg4: memref<1x256x128xf32, #tpu.memory_space<vmem>>, %arg5: memref<1x256x256xf32, #tpu.memory_space<vmem>>, %arg6: memref<384x256xf32, #tpu.memory_space<vmem>>, %arg7: memref<1x256xf32, #tpu.memory_space<vmem>>, %arg8: memref<1x256xf32, #tpu.memory_space<vmem>>, %arg9: memref<256x128xf32, #tpu.memory_space<vmem>>, %arg10: memref<1x128xf32, #tpu.memory_space<vmem>>, %arg11: memref<1x128xf32, #tpu.memory_space<vmem>>, %arg12: memref<1x256x128xf32, #tpu.memory_space<vmem>>) attributes {dimension_semantics = [#tpu.dimension_semantics<arbitrary>, #tpu.dimension_semantics<arbitrary>], iteration_bounds = array<i64: 4, 4>, scalar_prefetch = 0 : i64, scratch_operands = 0 : i64, tpu.core_type = #tpu.core_type<tc>, window_params = [{transform_indices = @transform_0, window_bounds = array<i64: 1, 256, 3>}, {transform_indices = @transform_1, window_bounds = array<i64: 1, 256, 3>}, {transform_indices = @transform_2, window_bounds = array<i64: 1, 256, 128>}, {transform_indices = @transform_3, window_bounds = array<i64: 1, 256, 256>}, {pipeline_mode = #tpu.pipeline_mode<synchronous>, transform_indices = @transform_4, window_bounds = array<i64: 384, 256>}, {pipeline_mode = #tpu.pipeline_mode<synchronous>, transform_indices = @transform_5, window_bounds = array<i64: 1, 256>}, {pipeline_mode = #tpu.pipeline_mode<synchronous>, transform_indices = @transform_6, window_bounds = array<i64: 1, 256>}, {pipeline_mode = #tpu.pipeline_mode<synchronous>, transform_indices = @transform_7, window_bounds = array<i64: 256, 128>}, {pipeline_mode = #tpu.pipeline_mode<synchronous>, transform_indices = @transform_8, window_bounds = array<i64: 1, 128>}, {pipeline_mode = #tpu.pipeline_mode<synchronous>, transform_indices = @transform_9, window_bounds = array<i64: 1, 128>}, {transform_indices = @transform_10, window_bounds = array<i64: 1, 256, 128>}]} {
    %get3A = arith.constant 0 : index
    %get3A_0 = arith.constant 0 : index
    %get3A_1 = arith.constant 0 : index
    %get3A_2 = vector.load %arg2[%get3A, %get3A_0, %get3A_1] : memref<1x256x3xi32, #tpu.memory_space<vmem>>, vector<1x256x3xi32>
    %get3A_3 = vector.shape_cast %get3A_2 : vector<1x256x3xi32> to vector<256x3xi32>
    %get3A_4 = arith.constant 0 : index
    %get3A_5 = arith.constant 0 : index
    %get3A_6 = arith.constant 0 : index
    %get3A_7 = vector.load %arg3[%get3A_4, %get3A_5, %get3A_6] : memref<1x256x3xf32, #tpu.memory_space<vmem>>, vector<1x256x3xf32>
    %get3A_8 = vector.shape_cast %get3A_7 : vector<1x256x3xf32> to vector<256x3xf32>
    %iota3A = tpu.iota {dimensions = array<i32: 1>} : vector<256x256xi32>
    %get3A_9 = arith.constant 0 : index
    %get3A_10 = arith.constant 0 : index
    %get3A_11 = arith.constant 0 : index
    %get3A_12 = vector.load %arg5[%get3A_9, %get3A_10, %get3A_11] : memref<1x256x256xf32, #tpu.memory_space<vmem>>, vector<1x256x256xf32>
    %get3A_13 = vector.shape_cast %get3A_12 : vector<1x256x256xf32> to vector<256x256xf32>
    %slice3A = vector.extract_strided_slice %get3A_3 {offsets = [0, 0], sizes = [256, 1], strides = [1, 1]} : vector<256x3xi32> to vector<256x1xi32>
    %squeeze3A = vector.shape_cast %slice3A : vector<256x1xi32> to vector<256xi32>
    %broadcast_in_dim3A = vector.shape_cast %squeeze3A : vector<256xi32> to vector<256x1xi32>
    %eq3A = vector.broadcast %broadcast_in_dim3A : vector<256x1xi32> to vector<256x256xi32>
    %eq3A_14 = arith.cmpi eq, %iota3A, %eq3A : vector<256x256xi32>
    %jit3A = arith.constant 1.000000e+00 : f32
    %jit3A_15 = arith.constant 0.000000e+00 : f32
    %broadcast_in_dim3A_16 = vector.broadcast %jit3A : f32 to vector<256x256xf32>
    %broadcast_in_dim3A_17 = vector.broadcast %jit3A_15 : f32 to vector<256x256xf32>
    %select_n3A = arith.select %eq3A_14, %broadcast_in_dim3A_16, %broadcast_in_dim3A_17 : vector<256x256xi1>, vector<256x256xf32>
    %dot_general3A = arith.constant dense<0.000000e+00> : vector<256x256xf32>
    %dot_general3A_18 = tpu.matmul %select_n3A, %get3A_13, %dot_general3A {dimension_numbers = #tpu.dot_dimension_numbers<[1], [0], [0], [1], [0, 0, 1, 1], [], []>, precision = #tpu.contract_precision<fp32>, transpose_lhs_hint = false} : vector<256x256xf32>, vector<256x256xf32>, vector<256x256xf32> -> vector<256x256xf32>
    %slice3A_19 = vector.extract_strided_slice %get3A_3 {offsets = [0, 1], sizes = [256, 1], strides = [1, 1]} : vector<256x3xi32> to vector<256x1xi32>
    %squeeze3A_20 = vector.shape_cast %slice3A_19 : vector<256x1xi32> to vector<256xi32>
    %broadcast_in_dim3A_21 = vector.shape_cast %squeeze3A_20 : vector<256xi32> to vector<256x1xi32>
    %eq3A_22 = vector.broadcast %broadcast_in_dim3A_21 : vector<256x1xi32> to vector<256x256xi32>
    %eq3A_23 = arith.cmpi eq, %iota3A, %eq3A_22 : vector<256x256xi32>
    %jit3A_24 = arith.constant 1.000000e+00 : f32
    %jit3A_25 = arith.constant 0.000000e+00 : f32
    %broadcast_in_dim3A_26 = vector.broadcast %jit3A_24 : f32 to vector<256x256xf32>
    %broadcast_in_dim3A_27 = vector.broadcast %jit3A_25 : f32 to vector<256x256xf32>
    %select_n3A_28 = arith.select %eq3A_23, %broadcast_in_dim3A_26, %broadcast_in_dim3A_27 : vector<256x256xi1>, vector<256x256xf32>
    %dot_general3A_29 = arith.constant dense<0.000000e+00> : vector<256x256xf32>
    %dot_general3A_30 = tpu.matmul %select_n3A_28, %get3A_13, %dot_general3A_29 {dimension_numbers = #tpu.dot_dimension_numbers<[1], [0], [0], [1], [0, 0, 1, 1], [], []>, precision = #tpu.contract_precision<fp32>, transpose_lhs_hint = false} : vector<256x256xf32>, vector<256x256xf32>, vector<256x256xf32> -> vector<256x256xf32>
    %slice3A_31 = vector.extract_strided_slice %get3A_3 {offsets = [0, 2], sizes = [256, 1], strides = [1, 1]} : vector<256x3xi32> to vector<256x1xi32>
    %squeeze3A_32 = vector.shape_cast %slice3A_31 : vector<256x1xi32> to vector<256xi32>
    %broadcast_in_dim3A_33 = vector.shape_cast %squeeze3A_32 : vector<256xi32> to vector<256x1xi32>
    %eq3A_34 = vector.broadcast %broadcast_in_dim3A_33 : vector<256x1xi32> to vector<256x256xi32>
    %eq3A_35 = arith.cmpi eq, %iota3A, %eq3A_34 : vector<256x256xi32>
    %jit3A_36 = arith.constant 1.000000e+00 : f32
    %jit3A_37 = arith.constant 0.000000e+00 : f32
    %broadcast_in_dim3A_38 = vector.broadcast %jit3A_36 : f32 to vector<256x256xf32>
    %broadcast_in_dim3A_39 = vector.broadcast %jit3A_37 : f32 to vector<256x256xf32>
    %select_n3A_40 = arith.select %eq3A_35, %broadcast_in_dim3A_38, %broadcast_in_dim3A_39 : vector<256x256xi1>, vector<256x256xf32>
    %dot_general3A_41 = arith.constant dense<0.000000e+00> : vector<256x256xf32>
    %dot_general3A_42 = tpu.matmul %select_n3A_40, %get3A_13, %dot_general3A_41 {dimension_numbers = #tpu.dot_dimension_numbers<[1], [0], [0], [1], [0, 0, 1, 1], [], []>, precision = #tpu.contract_precision<fp32>, transpose_lhs_hint = false} : vector<256x256xf32>, vector<256x256xf32>, vector<256x256xf32> -> vector<256x256xf32>
    %slice3A_43 = vector.extract_strided_slice %get3A_8 {offsets = [0, 0], sizes = [256, 1], strides = [1, 1]} : vector<256x3xf32> to vector<256x1xf32>
    %squeeze3A_44 = vector.shape_cast %slice3A_43 : vector<256x1xf32> to vector<256xf32>
    %broadcast_in_dim3A_45 = vector.shape_cast %squeeze3A_44 : vector<256xf32> to vector<256x1xf32>
    %mul3A = vector.broadcast %broadcast_in_dim3A_45 : vector<256x1xf32> to vector<256x256xf32>
    %mul3A_46 = arith.mulf %dot_general3A_18, %mul3A : vector<256x256xf32>
    %slice3A_47 = vector.extract_strided_slice %get3A_8 {offsets = [0, 1], sizes = [256, 1], strides = [1, 1]} : vector<256x3xf32> to vector<256x1xf32>
    %squeeze3A_48 = vector.shape_cast %slice3A_47 : vector<256x1xf32> to vector<256xf32>
    %broadcast_in_dim3A_49 = vector.shape_cast %squeeze3A_48 : vector<256xf32> to vector<256x1xf32>
    %mul3A_50 = vector.broadcast %broadcast_in_dim3A_49 : vector<256x1xf32> to vector<256x256xf32>
    %mul3A_51 = arith.mulf %dot_general3A_30, %mul3A_50 : vector<256x256xf32>
    %add3A = arith.addf %mul3A_46, %mul3A_51 : vector<256x256xf32>
    %slice3A_52 = vector.extract_strided_slice %get3A_8 {offsets = [0, 2], sizes = [256, 1], strides = [1, 1]} : vector<256x3xf32> to vector<256x1xf32>
    %squeeze3A_53 = vector.shape_cast %slice3A_52 : vector<256x1xf32> to vector<256xf32>
    %broadcast_in_dim3A_54 = vector.shape_cast %squeeze3A_53 : vector<256xf32> to vector<256x1xf32>
    %mul3A_55 = vector.broadcast %broadcast_in_dim3A_54 : vector<256x1xf32> to vector<256x256xf32>
    %mul3A_56 = arith.mulf %dot_general3A_42, %mul3A_55 : vector<256x256xf32>
    %add3A_57 = arith.addf %add3A, %mul3A_56 : vector<256x256xf32>
    %get3A_58 = arith.constant 0 : index
    %get3A_59 = arith.constant 0 : index
    %get3A_60 = arith.constant 0 : index
    %get3A_61 = vector.load %arg4[%get3A_58, %get3A_59, %get3A_60] : memref<1x256x128xf32, #tpu.memory_space<vmem>>, vector<1x256x128xf32>
    %get3A_62 = vector.shape_cast %get3A_61 : vector<1x256x128xf32> to vector<256x128xf32>
    %concatenate3A = tpu.concatenate %get3A_62, %add3A_57 in 1 : vector<256x128xf32>, vector<256x256xf32> -> vector<256x384xf32>
    %get3A_63 = arith.constant 0 : index
    %get3A_64 = arith.constant 0 : index
    %get3A_65 = vector.load %arg6[%get3A_63, %get3A_64] : memref<384x256xf32, #tpu.memory_space<vmem>>, vector<384x256xf32>
    %dot_general3A_66 = arith.constant dense<0.000000e+00> : vector<256x256xf32>
    %dot_general3A_67 = tpu.matmul %concatenate3A, %get3A_65, %dot_general3A_66 {dimension_numbers = #tpu.dot_dimension_numbers<[1], [0], [0], [1], [0, 0, 1, 1], [], []>, transpose_lhs_hint = false} : vector<256x384xf32>, vector<384x256xf32>, vector<256x256xf32> -> vector<256x256xf32>
    %get3A_68 = arith.constant 0 : index
    %get3A_69 = arith.constant 0 : index
    %get3A_70 = vector.load %arg7[%get3A_68, %get3A_69] : memref<1x256xf32, #tpu.memory_space<vmem>>, vector<1x256xf32>
    %mul3A_71 = vector.broadcast %get3A_70 : vector<1x256xf32> to vector<256x256xf32>
    %mul3A_72 = arith.mulf %dot_general3A_67, %mul3A_71 : vector<256x256xf32>
    %get3A_73 = arith.constant 0 : index
    %get3A_74 = arith.constant 0 : index
    %get3A_75 = vector.load %arg8[%get3A_73, %get3A_74] : memref<1x256xf32, #tpu.memory_space<vmem>>, vector<1x256xf32>
    %add3A_76 = vector.broadcast %get3A_75 : vector<1x256xf32> to vector<256x256xf32>
    %add3A_77 = arith.addf %mul3A_72, %add3A_76 : vector<256x256xf32>
    %max3A = arith.constant 0.000000e+00 : f32
    %max3A_78 = vector.broadcast %max3A : f32 to vector<256x256xf32>
    %max3A_79 = arith.maximumf %add3A_77, %max3A_78 : vector<256x256xf32>
    %get3A_80 = arith.constant 0 : index
    %get3A_81 = arith.constant 0 : index
    %get3A_82 = vector.load %arg9[%get3A_80, %get3A_81] : memref<256x128xf32, #tpu.memory_space<vmem>>, vector<256x128xf32>
    %dot_general3A_83 = arith.constant dense<0.000000e+00> : vector<256x128xf32>
    %dot_general3A_84 = tpu.matmul %max3A_79, %get3A_82, %dot_general3A_83 {dimension_numbers = #tpu.dot_dimension_numbers<[1], [0], [0], [1], [0, 0, 1, 1], [], []>, transpose_lhs_hint = false} : vector<256x256xf32>, vector<256x128xf32>, vector<256x128xf32> -> vector<256x128xf32>
    %get3A_85 = arith.constant 0 : index
    %get3A_86 = arith.constant 0 : index
    %get3A_87 = vector.load %arg10[%get3A_85, %get3A_86] : memref<1x128xf32, #tpu.memory_space<vmem>>, vector<1x128xf32>
    %mul3A_88 = vector.broadcast %get3A_87 : vector<1x128xf32> to vector<256x128xf32>
    %mul3A_89 = arith.mulf %dot_general3A_84, %mul3A_88 : vector<256x128xf32>
    %get3A_90 = arith.constant 0 : index
    %get3A_91 = arith.constant 0 : index
    %get3A_92 = vector.load %arg11[%get3A_90, %get3A_91] : memref<1x128xf32, #tpu.memory_space<vmem>>, vector<1x128xf32>
    %add3A_93 = vector.broadcast %get3A_92 : vector<1x128xf32> to vector<256x128xf32>
    %add3A_94 = arith.addf %mul3A_89, %add3A_93 : vector<256x128xf32>
    %max3A_95 = arith.constant 0.000000e+00 : f32
    %max3A_96 = vector.broadcast %max3A_95 : f32 to vector<256x128xf32>
    %max3A_97 = arith.maximumf %add3A_94, %max3A_96 : vector<256x128xf32>
    %swap3A = arith.constant 0 : index
    %swap3A_98 = arith.constant 0 : index
    %swap3A_99 = arith.constant 0 : index
    %swap3A_100 = vector.load %arg12[%swap3A, %swap3A_98, %swap3A_99] : memref<1x256x128xf32, #tpu.memory_space<vmem>>, vector<1x256x128xf32>
    %swap3A_101 = vector.shape_cast %swap3A_100 : vector<1x256x128xf32> to vector<256x128xf32>
    %swap3A_102 = vector.shape_cast %max3A_97 : vector<256x128xf32> to vector<1x256x128xf32>
    tpu.vector_store %arg12[%swap3A, %swap3A_98, %swap3A_99], %swap3A_102 {strides = array<i32>} : memref<1x256x128xf32, #tpu.memory_space<vmem>>, vector<1x256x128xf32>,
    return
  }
  func.func @transform_0(%arg0: i32, %arg1: i32) -> (i32, i32, i32) {
    %c0_i32 = arith.constant 0 : i32
    %c0_i32_0 = arith.constant 0 : i32
    return %arg0, %arg1, %c0_i32 : i32, i32, i32
  }
  func.func @transform_1(%arg0: i32, %arg1: i32) -> (i32, i32, i32) {
    %c0_i32 = arith.constant 0 : i32
    %c0_i32_0 = arith.constant 0 : i32
    return %arg0, %arg1, %c0_i32 : i32, i32, i32
  }
  func.func @transform_2(%arg0: i32, %arg1: i32) -> (i32, i32, i32) {
    %c0_i32 = arith.constant 0 : i32
    %c0_i32_0 = arith.constant 0 : i32
    return %arg0, %arg1, %c0_i32 : i32, i32, i32
  }
  func.func @transform_3(%arg0: i32, %arg1: i32) -> (i32, i32, i32) {
    %c0_i32 = arith.constant 0 : i32
    %c0_i32_0 = arith.constant 0 : i32
    %c0_i32_1 = arith.constant 0 : i32
    return %arg0, %c0_i32, %c0_i32_0 : i32, i32, i32
  }
  func.func @transform_4(%arg0: i32, %arg1: i32) -> (i32, i32) {
    %c0_i32 = arith.constant 0 : i32
    %c0_i32_0 = arith.constant 0 : i32
    %c0_i32_1 = arith.constant 0 : i32
    return %c0_i32, %c0_i32_0 : i32, i32
  }
  func.func @transform_5(%arg0: i32, %arg1: i32) -> (i32, i32) {
    %c0_i32 = arith.constant 0 : i32
    %c0_i32_0 = arith.constant 0 : i32
    %c0_i32_1 = arith.constant 0 : i32
    return %c0_i32, %c0_i32_0 : i32, i32
  }
  func.func @transform_6(%arg0: i32, %arg1: i32) -> (i32, i32) {
    %c0_i32 = arith.constant 0 : i32
    %c0_i32_0 = arith.constant 0 : i32
    %c0_i32_1 = arith.constant 0 : i32
    return %c0_i32, %c0_i32_0 : i32, i32
  }
  func.func @transform_7(%arg0: i32, %arg1: i32) -> (i32, i32) {
    %c0_i32 = arith.constant 0 : i32
    %c0_i32_0 = arith.constant 0 : i32
    %c0_i32_1 = arith.constant 0 : i32
    return %c0_i32, %c0_i32_0 : i32, i32
  }
  func.func @transform_8(%arg0: i32, %arg1: i32) -> (i32, i32) {
    %c0_i32 = arith.constant 0 : i32
    %c0_i32_0 = arith.constant 0 : i32
    %c0_i32_1 = arith.constant 0 : i32
    return %c0_i32, %c0_i32_0 : i32, i32
  }
  func.func @transform_9(%arg0: i32, %arg1: i32) -> (i32, i32) {
    %c0_i32 = arith.constant 0 : i32
    %c0_i32_0 = arith.constant 0 : i32
    %c0_i32_1 = arith.constant 0 : i32
    return %c0_i32, %c0_i32_0 : i32, i32
  }
  func.func @transform_10(%arg0: i32, %arg1: i32) -> (i32, i32, i32) {
    %c0_i32 = arith.constant 0 : i32
    %c0_i32_0 = arith.constant 0 : i32
    return %arg0, %arg1, %c0_i32 : i32, i32, i32
  }
}

module attributes {stable_mosaic.version = 14 : i64} {
  func.func @_fp_mlp_body(%arg0: i32, %arg1: i32, %arg2: memref<1x512x3xi32, #tpu.memory_space<vmem>>, %arg3: memref<1x512x3xf32, #tpu.memory_space<vmem>>, %arg4: memref<1x512x3xf32, #tpu.memory_space<vmem>>, %arg5: memref<1x1024x128xf32, #tpu.memory_space<vmem>>, %arg6: memref<131x128xf32, #tpu.memory_space<vmem>>, %arg7: memref<1x128xf32, #tpu.memory_space<vmem>>, %arg8: memref<1x128xf32, #tpu.memory_space<vmem>>, %arg9: memref<128x128xf32, #tpu.memory_space<vmem>>, %arg10: memref<1x128xf32, #tpu.memory_space<vmem>>, %arg11: memref<1x128xf32, #tpu.memory_space<vmem>>, %arg12: memref<128x128xf32, #tpu.memory_space<vmem>>, %arg13: memref<1x128xf32, #tpu.memory_space<vmem>>, %arg14: memref<1x128xf32, #tpu.memory_space<vmem>>, %arg15: memref<128x128xf32, #tpu.memory_space<vmem>>, %arg16: memref<1x128xf32, #tpu.memory_space<vmem>>, %arg17: memref<1x128xf32, #tpu.memory_space<vmem>>, %arg18: memref<128x8xf32, #tpu.memory_space<vmem>>, %arg19: memref<1x8xf32, #tpu.memory_space<vmem>>, %arg20: memref<1x8xf32, #tpu.memory_space<vmem>>, %arg21: memref<1x512x8xf32, #tpu.memory_space<vmem>>) attributes {dimension_semantics = [#tpu.dimension_semantics<arbitrary>, #tpu.dimension_semantics<arbitrary>], iteration_bounds = array<i64: 4, 8>, scalar_prefetch = 0 : i64, scratch_operands = 0 : i64, tpu.core_type = #tpu.core_type<tc>, window_params = [{transform_indices = @transform_0, window_bounds = array<i64: 1, 512, 3>}, {transform_indices = @transform_1, window_bounds = array<i64: 1, 512, 3>}, {transform_indices = @transform_2, window_bounds = array<i64: 1, 512, 3>}, {transform_indices = @transform_3, window_bounds = array<i64: 1, 1024, 128>}, {pipeline_mode = #tpu.pipeline_mode<synchronous>, transform_indices = @transform_4, window_bounds = array<i64: 131, 128>}, {pipeline_mode = #tpu.pipeline_mode<synchronous>, transform_indices = @transform_5, window_bounds = array<i64: 1, 128>}, {pipeline_mode = #tpu.pipeline_mode<synchronous>, transform_indices = @transform_6, window_bounds = array<i64: 1, 128>}, {pipeline_mode = #tpu.pipeline_mode<synchronous>, transform_indices = @transform_7, window_bounds = array<i64: 128, 128>}, {pipeline_mode = #tpu.pipeline_mode<synchronous>, transform_indices = @transform_8, window_bounds = array<i64: 1, 128>}, {pipeline_mode = #tpu.pipeline_mode<synchronous>, transform_indices = @transform_9, window_bounds = array<i64: 1, 128>}, {pipeline_mode = #tpu.pipeline_mode<synchronous>, transform_indices = @transform_10, window_bounds = array<i64: 128, 128>}, {pipeline_mode = #tpu.pipeline_mode<synchronous>, transform_indices = @transform_11, window_bounds = array<i64: 1, 128>}, {pipeline_mode = #tpu.pipeline_mode<synchronous>, transform_indices = @transform_12, window_bounds = array<i64: 1, 128>}, {pipeline_mode = #tpu.pipeline_mode<synchronous>, transform_indices = @transform_13, window_bounds = array<i64: 128, 128>}, {pipeline_mode = #tpu.pipeline_mode<synchronous>, transform_indices = @transform_14, window_bounds = array<i64: 1, 128>}, {pipeline_mode = #tpu.pipeline_mode<synchronous>, transform_indices = @transform_15, window_bounds = array<i64: 1, 128>}, {pipeline_mode = #tpu.pipeline_mode<synchronous>, transform_indices = @transform_16, window_bounds = array<i64: 128, 8>}, {pipeline_mode = #tpu.pipeline_mode<synchronous>, transform_indices = @transform_17, window_bounds = array<i64: 1, 8>}, {pipeline_mode = #tpu.pipeline_mode<synchronous>, transform_indices = @transform_18, window_bounds = array<i64: 1, 8>}, {transform_indices = @transform_19, window_bounds = array<i64: 1, 512, 8>}]} {
    %get3A = arith.constant 0 : index
    %get3A_0 = arith.constant 0 : index
    %get3A_1 = arith.constant 0 : index
    %get3A_2 = vector.load %arg2[%get3A, %get3A_0, %get3A_1] : memref<1x512x3xi32, #tpu.memory_space<vmem>>, vector<1x512x3xi32>
    %get3A_3 = vector.shape_cast %get3A_2 : vector<1x512x3xi32> to vector<512x3xi32>
    %get3A_4 = arith.constant 0 : index
    %get3A_5 = arith.constant 0 : index
    %get3A_6 = arith.constant 0 : index
    %get3A_7 = vector.load %arg3[%get3A_4, %get3A_5, %get3A_6] : memref<1x512x3xf32, #tpu.memory_space<vmem>>, vector<1x512x3xf32>
    %get3A_8 = vector.shape_cast %get3A_7 : vector<1x512x3xf32> to vector<512x3xf32>
    %iota3A = tpu.iota {dimensions = array<i32: 1>} : vector<512x1024xi32>
    %get3A_9 = arith.constant 0 : index
    %get3A_10 = arith.constant 0 : index
    %get3A_11 = arith.constant 0 : index
    %get3A_12 = vector.load %arg5[%get3A_9, %get3A_10, %get3A_11] : memref<1x1024x128xf32, #tpu.memory_space<vmem>>, vector<1x1024x128xf32>
    %get3A_13 = vector.shape_cast %get3A_12 : vector<1x1024x128xf32> to vector<1024x128xf32>
    %slice3A = vector.extract_strided_slice %get3A_3 {offsets = [0, 0], sizes = [512, 1], strides = [1, 1]} : vector<512x3xi32> to vector<512x1xi32>
    %squeeze3A = vector.shape_cast %slice3A : vector<512x1xi32> to vector<512xi32>
    %broadcast_in_dim3A = vector.shape_cast %squeeze3A : vector<512xi32> to vector<512x1xi32>
    %eq3A = vector.broadcast %broadcast_in_dim3A : vector<512x1xi32> to vector<512x1024xi32>
    %eq3A_14 = arith.cmpi eq, %iota3A, %eq3A : vector<512x1024xi32>
    %jit3A = arith.constant 1.000000e+00 : f32
    %jit3A_15 = arith.constant 0.000000e+00 : f32
    %broadcast_in_dim3A_16 = vector.broadcast %jit3A : f32 to vector<512x1024xf32>
    %broadcast_in_dim3A_17 = vector.broadcast %jit3A_15 : f32 to vector<512x1024xf32>
    %select_n3A = arith.select %eq3A_14, %broadcast_in_dim3A_16, %broadcast_in_dim3A_17 : vector<512x1024xi1>, vector<512x1024xf32>
    %dot_general3A = arith.constant dense<0.000000e+00> : vector<512x128xf32>
    %dot_general3A_18 = tpu.matmul %select_n3A, %get3A_13, %dot_general3A {dimension_numbers = #tpu.dot_dimension_numbers<[1], [0], [0], [1], [0, 0, 1, 1], [], []>, precision = #tpu.contract_precision<fp32>, transpose_lhs_hint = false} : vector<512x1024xf32>, vector<1024x128xf32>, vector<512x128xf32> -> vector<512x128xf32>
    %slice3A_19 = vector.extract_strided_slice %get3A_3 {offsets = [0, 1], sizes = [512, 1], strides = [1, 1]} : vector<512x3xi32> to vector<512x1xi32>
    %squeeze3A_20 = vector.shape_cast %slice3A_19 : vector<512x1xi32> to vector<512xi32>
    %broadcast_in_dim3A_21 = vector.shape_cast %squeeze3A_20 : vector<512xi32> to vector<512x1xi32>
    %eq3A_22 = vector.broadcast %broadcast_in_dim3A_21 : vector<512x1xi32> to vector<512x1024xi32>
    %eq3A_23 = arith.cmpi eq, %iota3A, %eq3A_22 : vector<512x1024xi32>
    %jit3A_24 = arith.constant 1.000000e+00 : f32
    %jit3A_25 = arith.constant 0.000000e+00 : f32
    %broadcast_in_dim3A_26 = vector.broadcast %jit3A_24 : f32 to vector<512x1024xf32>
    %broadcast_in_dim3A_27 = vector.broadcast %jit3A_25 : f32 to vector<512x1024xf32>
    %select_n3A_28 = arith.select %eq3A_23, %broadcast_in_dim3A_26, %broadcast_in_dim3A_27 : vector<512x1024xi1>, vector<512x1024xf32>
    %dot_general3A_29 = arith.constant dense<0.000000e+00> : vector<512x128xf32>
    %dot_general3A_30 = tpu.matmul %select_n3A_28, %get3A_13, %dot_general3A_29 {dimension_numbers = #tpu.dot_dimension_numbers<[1], [0], [0], [1], [0, 0, 1, 1], [], []>, precision = #tpu.contract_precision<fp32>, transpose_lhs_hint = false} : vector<512x1024xf32>, vector<1024x128xf32>, vector<512x128xf32> -> vector<512x128xf32>
    %slice3A_31 = vector.extract_strided_slice %get3A_3 {offsets = [0, 2], sizes = [512, 1], strides = [1, 1]} : vector<512x3xi32> to vector<512x1xi32>
    %squeeze3A_32 = vector.shape_cast %slice3A_31 : vector<512x1xi32> to vector<512xi32>
    %broadcast_in_dim3A_33 = vector.shape_cast %squeeze3A_32 : vector<512xi32> to vector<512x1xi32>
    %eq3A_34 = vector.broadcast %broadcast_in_dim3A_33 : vector<512x1xi32> to vector<512x1024xi32>
    %eq3A_35 = arith.cmpi eq, %iota3A, %eq3A_34 : vector<512x1024xi32>
    %jit3A_36 = arith.constant 1.000000e+00 : f32
    %jit3A_37 = arith.constant 0.000000e+00 : f32
    %broadcast_in_dim3A_38 = vector.broadcast %jit3A_36 : f32 to vector<512x1024xf32>
    %broadcast_in_dim3A_39 = vector.broadcast %jit3A_37 : f32 to vector<512x1024xf32>
    %select_n3A_40 = arith.select %eq3A_35, %broadcast_in_dim3A_38, %broadcast_in_dim3A_39 : vector<512x1024xi1>, vector<512x1024xf32>
    %dot_general3A_41 = arith.constant dense<0.000000e+00> : vector<512x128xf32>
    %dot_general3A_42 = tpu.matmul %select_n3A_40, %get3A_13, %dot_general3A_41 {dimension_numbers = #tpu.dot_dimension_numbers<[1], [0], [0], [1], [0, 0, 1, 1], [], []>, precision = #tpu.contract_precision<fp32>, transpose_lhs_hint = false} : vector<512x1024xf32>, vector<1024x128xf32>, vector<512x128xf32> -> vector<512x128xf32>
    %slice3A_43 = vector.extract_strided_slice %get3A_8 {offsets = [0, 0], sizes = [512, 1], strides = [1, 1]} : vector<512x3xf32> to vector<512x1xf32>
    %squeeze3A_44 = vector.shape_cast %slice3A_43 : vector<512x1xf32> to vector<512xf32>
    %broadcast_in_dim3A_45 = vector.shape_cast %squeeze3A_44 : vector<512xf32> to vector<512x1xf32>
    %mul3A = vector.broadcast %broadcast_in_dim3A_45 : vector<512x1xf32> to vector<512x128xf32>
    %mul3A_46 = arith.mulf %dot_general3A_18, %mul3A : vector<512x128xf32>
    %slice3A_47 = vector.extract_strided_slice %get3A_8 {offsets = [0, 1], sizes = [512, 1], strides = [1, 1]} : vector<512x3xf32> to vector<512x1xf32>
    %squeeze3A_48 = vector.shape_cast %slice3A_47 : vector<512x1xf32> to vector<512xf32>
    %broadcast_in_dim3A_49 = vector.shape_cast %squeeze3A_48 : vector<512xf32> to vector<512x1xf32>
    %mul3A_50 = vector.broadcast %broadcast_in_dim3A_49 : vector<512x1xf32> to vector<512x128xf32>
    %mul3A_51 = arith.mulf %dot_general3A_30, %mul3A_50 : vector<512x128xf32>
    %add3A = arith.addf %mul3A_46, %mul3A_51 : vector<512x128xf32>
    %slice3A_52 = vector.extract_strided_slice %get3A_8 {offsets = [0, 2], sizes = [512, 1], strides = [1, 1]} : vector<512x3xf32> to vector<512x1xf32>
    %squeeze3A_53 = vector.shape_cast %slice3A_52 : vector<512x1xf32> to vector<512xf32>
    %broadcast_in_dim3A_54 = vector.shape_cast %squeeze3A_53 : vector<512xf32> to vector<512x1xf32>
    %mul3A_55 = vector.broadcast %broadcast_in_dim3A_54 : vector<512x1xf32> to vector<512x128xf32>
    %mul3A_56 = arith.mulf %dot_general3A_42, %mul3A_55 : vector<512x128xf32>
    %add3A_57 = arith.addf %add3A, %mul3A_56 : vector<512x128xf32>
    %get3A_58 = arith.constant 0 : index
    %get3A_59 = arith.constant 0 : index
    %get3A_60 = arith.constant 0 : index
    %get3A_61 = vector.load %arg4[%get3A_58, %get3A_59, %get3A_60] : memref<1x512x3xf32, #tpu.memory_space<vmem>>, vector<1x512x3xf32>
    %get3A_62 = vector.shape_cast %get3A_61 : vector<1x512x3xf32> to vector<512x3xf32>
    %concatenate3A = tpu.concatenate %get3A_62, %add3A_57 in 1 : vector<512x3xf32>, vector<512x128xf32> -> vector<512x131xf32>
    %get3A_63 = arith.constant 0 : index
    %get3A_64 = arith.constant 0 : index
    %get3A_65 = vector.load %arg6[%get3A_63, %get3A_64] : memref<131x128xf32, #tpu.memory_space<vmem>>, vector<131x128xf32>
    %dot_general3A_66 = arith.constant dense<0.000000e+00> : vector<512x128xf32>
    %dot_general3A_67 = tpu.matmul %concatenate3A, %get3A_65, %dot_general3A_66 {dimension_numbers = #tpu.dot_dimension_numbers<[1], [0], [0], [1], [0, 0, 1, 1], [], []>, transpose_lhs_hint = false} : vector<512x131xf32>, vector<131x128xf32>, vector<512x128xf32> -> vector<512x128xf32>
    %get3A_68 = arith.constant 0 : index
    %get3A_69 = arith.constant 0 : index
    %get3A_70 = vector.load %arg7[%get3A_68, %get3A_69] : memref<1x128xf32, #tpu.memory_space<vmem>>, vector<1x128xf32>
    %mul3A_71 = vector.broadcast %get3A_70 : vector<1x128xf32> to vector<512x128xf32>
    %mul3A_72 = arith.mulf %dot_general3A_67, %mul3A_71 : vector<512x128xf32>
    %get3A_73 = arith.constant 0 : index
    %get3A_74 = arith.constant 0 : index
    %get3A_75 = vector.load %arg8[%get3A_73, %get3A_74] : memref<1x128xf32, #tpu.memory_space<vmem>>, vector<1x128xf32>
    %add3A_76 = vector.broadcast %get3A_75 : vector<1x128xf32> to vector<512x128xf32>
    %add3A_77 = arith.addf %mul3A_72, %add3A_76 : vector<512x128xf32>
    %max3A = arith.constant 0.000000e+00 : f32
    %max3A_78 = vector.broadcast %max3A : f32 to vector<512x128xf32>
    %max3A_79 = arith.maximumf %add3A_77, %max3A_78 : vector<512x128xf32>
    %get3A_80 = arith.constant 0 : index
    %get3A_81 = arith.constant 0 : index
    %get3A_82 = vector.load %arg9[%get3A_80, %get3A_81] : memref<128x128xf32, #tpu.memory_space<vmem>>, vector<128x128xf32>
    %dot_general3A_83 = arith.constant dense<0.000000e+00> : vector<512x128xf32>
    %dot_general3A_84 = tpu.matmul %max3A_79, %get3A_82, %dot_general3A_83 {dimension_numbers = #tpu.dot_dimension_numbers<[1], [0], [0], [1], [0, 0, 1, 1], [], []>, transpose_lhs_hint = false} : vector<512x128xf32>, vector<128x128xf32>, vector<512x128xf32> -> vector<512x128xf32>
    %get3A_85 = arith.constant 0 : index
    %get3A_86 = arith.constant 0 : index
    %get3A_87 = vector.load %arg10[%get3A_85, %get3A_86] : memref<1x128xf32, #tpu.memory_space<vmem>>, vector<1x128xf32>
    %mul3A_88 = vector.broadcast %get3A_87 : vector<1x128xf32> to vector<512x128xf32>
    %mul3A_89 = arith.mulf %dot_general3A_84, %mul3A_88 : vector<512x128xf32>
    %get3A_90 = arith.constant 0 : index
    %get3A_91 = arith.constant 0 : index
    %get3A_92 = vector.load %arg11[%get3A_90, %get3A_91] : memref<1x128xf32, #tpu.memory_space<vmem>>, vector<1x128xf32>
    %add3A_93 = vector.broadcast %get3A_92 : vector<1x128xf32> to vector<512x128xf32>
    %add3A_94 = arith.addf %mul3A_89, %add3A_93 : vector<512x128xf32>
    %max3A_95 = arith.constant 0.000000e+00 : f32
    %max3A_96 = vector.broadcast %max3A_95 : f32 to vector<512x128xf32>
    %max3A_97 = arith.maximumf %add3A_94, %max3A_96 : vector<512x128xf32>
    %get3A_98 = arith.constant 0 : index
    %get3A_99 = arith.constant 0 : index
    %get3A_100 = vector.load %arg12[%get3A_98, %get3A_99] : memref<128x128xf32, #tpu.memory_space<vmem>>, vector<128x128xf32>
    %dot_general3A_101 = arith.constant dense<0.000000e+00> : vector<512x128xf32>
    %dot_general3A_102 = tpu.matmul %max3A_97, %get3A_100, %dot_general3A_101 {dimension_numbers = #tpu.dot_dimension_numbers<[1], [0], [0], [1], [0, 0, 1, 1], [], []>, transpose_lhs_hint = false} : vector<512x128xf32>, vector<128x128xf32>, vector<512x128xf32> -> vector<512x128xf32>
    %get3A_103 = arith.constant 0 : index
    %get3A_104 = arith.constant 0 : index
    %get3A_105 = vector.load %arg13[%get3A_103, %get3A_104] : memref<1x128xf32, #tpu.memory_space<vmem>>, vector<1x128xf32>
    %mul3A_106 = vector.broadcast %get3A_105 : vector<1x128xf32> to vector<512x128xf32>
    %mul3A_107 = arith.mulf %dot_general3A_102, %mul3A_106 : vector<512x128xf32>
    %get3A_108 = arith.constant 0 : index
    %get3A_109 = arith.constant 0 : index
    %get3A_110 = vector.load %arg14[%get3A_108, %get3A_109] : memref<1x128xf32, #tpu.memory_space<vmem>>, vector<1x128xf32>
    %add3A_111 = vector.broadcast %get3A_110 : vector<1x128xf32> to vector<512x128xf32>
    %add3A_112 = arith.addf %mul3A_107, %add3A_111 : vector<512x128xf32>
    %max3A_113 = arith.constant 0.000000e+00 : f32
    %max3A_114 = vector.broadcast %max3A_113 : f32 to vector<512x128xf32>
    %max3A_115 = arith.maximumf %add3A_112, %max3A_114 : vector<512x128xf32>
    %get3A_116 = arith.constant 0 : index
    %get3A_117 = arith.constant 0 : index
    %get3A_118 = vector.load %arg15[%get3A_116, %get3A_117] : memref<128x128xf32, #tpu.memory_space<vmem>>, vector<128x128xf32>
    %dot_general3A_119 = arith.constant dense<0.000000e+00> : vector<512x128xf32>
    %dot_general3A_120 = tpu.matmul %max3A_115, %get3A_118, %dot_general3A_119 {dimension_numbers = #tpu.dot_dimension_numbers<[1], [0], [0], [1], [0, 0, 1, 1], [], []>, transpose_lhs_hint = false} : vector<512x128xf32>, vector<128x128xf32>, vector<512x128xf32> -> vector<512x128xf32>
    %get3A_121 = arith.constant 0 : index
    %get3A_122 = arith.constant 0 : index
    %get3A_123 = vector.load %arg16[%get3A_121, %get3A_122] : memref<1x128xf32, #tpu.memory_space<vmem>>, vector<1x128xf32>
    %mul3A_124 = vector.broadcast %get3A_123 : vector<1x128xf32> to vector<512x128xf32>
    %mul3A_125 = arith.mulf %dot_general3A_120, %mul3A_124 : vector<512x128xf32>
    %get3A_126 = arith.constant 0 : index
    %get3A_127 = arith.constant 0 : index
    %get3A_128 = vector.load %arg17[%get3A_126, %get3A_127] : memref<1x128xf32, #tpu.memory_space<vmem>>, vector<1x128xf32>
    %add3A_129 = vector.broadcast %get3A_128 : vector<1x128xf32> to vector<512x128xf32>
    %add3A_130 = arith.addf %mul3A_125, %add3A_129 : vector<512x128xf32>
    %max3A_131 = arith.constant 0.000000e+00 : f32
    %max3A_132 = vector.broadcast %max3A_131 : f32 to vector<512x128xf32>
    %max3A_133 = arith.maximumf %add3A_130, %max3A_132 : vector<512x128xf32>
    %get3A_134 = arith.constant 0 : index
    %get3A_135 = arith.constant 0 : index
    %get3A_136 = vector.load %arg18[%get3A_134, %get3A_135] : memref<128x8xf32, #tpu.memory_space<vmem>>, vector<128x8xf32>
    %dot_general3A_137 = arith.constant dense<0.000000e+00> : vector<512x8xf32>
    %dot_general3A_138 = tpu.matmul %max3A_133, %get3A_136, %dot_general3A_137 {dimension_numbers = #tpu.dot_dimension_numbers<[1], [0], [0], [1], [0, 0, 1, 1], [], []>, transpose_lhs_hint = false} : vector<512x128xf32>, vector<128x8xf32>, vector<512x8xf32> -> vector<512x8xf32>
    %get3A_139 = arith.constant 0 : index
    %get3A_140 = arith.constant 0 : index
    %get3A_141 = vector.load %arg19[%get3A_139, %get3A_140] : memref<1x8xf32, #tpu.memory_space<vmem>>, vector<1x8xf32>
    %mul3A_142 = vector.broadcast %get3A_141 : vector<1x8xf32> to vector<512x8xf32>
    %mul3A_143 = arith.mulf %dot_general3A_138, %mul3A_142 : vector<512x8xf32>
    %get3A_144 = arith.constant 0 : index
    %get3A_145 = arith.constant 0 : index
    %get3A_146 = vector.load %arg20[%get3A_144, %get3A_145] : memref<1x8xf32, #tpu.memory_space<vmem>>, vector<1x8xf32>
    %add3A_147 = vector.broadcast %get3A_146 : vector<1x8xf32> to vector<512x8xf32>
    %add3A_148 = arith.addf %mul3A_143, %add3A_147 : vector<512x8xf32>
    %swap3A = arith.constant 0 : index
    %swap3A_149 = arith.constant 0 : index
    %swap3A_150 = arith.constant 0 : index
    %swap3A_151 = vector.load %arg21[%swap3A, %swap3A_149, %swap3A_150] : memref<1x512x8xf32, #tpu.memory_space<vmem>>, vector<1x512x8xf32>
    %swap3A_152 = vector.shape_cast %swap3A_151 : vector<1x512x8xf32> to vector<512x8xf32>
    %swap3A_153 = vector.shape_cast %add3A_148 : vector<512x8xf32> to vector<1x512x8xf32>
    tpu.vector_store %arg21[%swap3A, %swap3A_149, %swap3A_150], %swap3A_153 {strides = array<i32>} : memref<1x512x8xf32, #tpu.memory_space<vmem>>, vector<1x512x8xf32>,
    return
  }
  func.func @transform_0(%arg0: i32, %arg1: i32) -> (i32, i32, i32) {
    %c0_i32 = arith.constant 0 : i32
    %c0_i32_0 = arith.constant 0 : i32
    return %arg0, %arg1, %c0_i32 : i32, i32, i32
  }
  func.func @transform_1(%arg0: i32, %arg1: i32) -> (i32, i32, i32) {
    %c0_i32 = arith.constant 0 : i32
    %c0_i32_0 = arith.constant 0 : i32
    return %arg0, %arg1, %c0_i32 : i32, i32, i32
  }
  func.func @transform_2(%arg0: i32, %arg1: i32) -> (i32, i32, i32) {
    %c0_i32 = arith.constant 0 : i32
    %c0_i32_0 = arith.constant 0 : i32
    return %arg0, %arg1, %c0_i32 : i32, i32, i32
  }
  func.func @transform_3(%arg0: i32, %arg1: i32) -> (i32, i32, i32) {
    %c0_i32 = arith.constant 0 : i32
    %c0_i32_0 = arith.constant 0 : i32
    %c0_i32_1 = arith.constant 0 : i32
    return %arg0, %c0_i32, %c0_i32_0 : i32, i32, i32
  }
  func.func @transform_4(%arg0: i32, %arg1: i32) -> (i32, i32) {
    %c0_i32 = arith.constant 0 : i32
    %c0_i32_0 = arith.constant 0 : i32
    %c0_i32_1 = arith.constant 0 : i32
    return %c0_i32, %c0_i32_0 : i32, i32
  }
  func.func @transform_5(%arg0: i32, %arg1: i32) -> (i32, i32) {
    %c0_i32 = arith.constant 0 : i32
    %c0_i32_0 = arith.constant 0 : i32
    %c0_i32_1 = arith.constant 0 : i32
    return %c0_i32, %c0_i32_0 : i32, i32
  }
  func.func @transform_6(%arg0: i32, %arg1: i32) -> (i32, i32) {
    %c0_i32 = arith.constant 0 : i32
    %c0_i32_0 = arith.constant 0 : i32
    %c0_i32_1 = arith.constant 0 : i32
    return %c0_i32, %c0_i32_0 : i32, i32
  }
  func.func @transform_7(%arg0: i32, %arg1: i32) -> (i32, i32) {
    %c0_i32 = arith.constant 0 : i32
    %c0_i32_0 = arith.constant 0 : i32
    %c0_i32_1 = arith.constant 0 : i32
    return %c0_i32, %c0_i32_0 : i32, i32
  }
  func.func @transform_8(%arg0: i32, %arg1: i32) -> (i32, i32) {
    %c0_i32 = arith.constant 0 : i32
    %c0_i32_0 = arith.constant 0 : i32
    %c0_i32_1 = arith.constant 0 : i32
    return %c0_i32, %c0_i32_0 : i32, i32
  }
  func.func @transform_9(%arg0: i32, %arg1: i32) -> (i32, i32) {
    %c0_i32 = arith.constant 0 : i32
    %c0_i32_0 = arith.constant 0 : i32
    %c0_i32_1 = arith.constant 0 : i32
    return %c0_i32, %c0_i32_0 : i32, i32
  }
  func.func @transform_10(%arg0: i32, %arg1: i32) -> (i32, i32) {
    %c0_i32 = arith.constant 0 : i32
    %c0_i32_0 = arith.constant 0 : i32
    %c0_i32_1 = arith.constant 0 : i32
    return %c0_i32, %c0_i32_0 : i32, i32
  }
  func.func @transform_11(%arg0: i32, %arg1: i32) -> (i32, i32) {
    %c0_i32 = arith.constant 0 : i32
    %c0_i32_0 = arith.constant 0 : i32
    %c0_i32_1 = arith.constant 0 : i32
    return %c0_i32, %c0_i32_0 : i32, i32
  }
  func.func @transform_12(%arg0: i32, %arg1: i32) -> (i32, i32) {
    %c0_i32 = arith.constant 0 : i32
    %c0_i32_0 = arith.constant 0 : i32
    %c0_i32_1 = arith.constant 0 : i32
    return %c0_i32, %c0_i32_0 : i32, i32
  }
  func.func @transform_13(%arg0: i32, %arg1: i32) -> (i32, i32) {
    %c0_i32 = arith.constant 0 : i32
    %c0_i32_0 = arith.constant 0 : i32
    %c0_i32_1 = arith.constant 0 : i32
    return %c0_i32, %c0_i32_0 : i32, i32
  }
  func.func @transform_14(%arg0: i32, %arg1: i32) -> (i32, i32) {
    %c0_i32 = arith.constant 0 : i32
    %c0_i32_0 = arith.constant 0 : i32
    %c0_i32_1 = arith.constant 0 : i32
    return %c0_i32, %c0_i32_0 : i32, i32
  }
  func.func @transform_15(%arg0: i32, %arg1: i32) -> (i32, i32) {
    %c0_i32 = arith.constant 0 : i32
    %c0_i32_0 = arith.constant 0 : i32
    %c0_i32_1 = arith.constant 0 : i32
    return %c0_i32, %c0_i32_0 : i32, i32
  }
  func.func @transform_16(%arg0: i32, %arg1: i32) -> (i32, i32) {
    %c0_i32 = arith.constant 0 : i32
    %c0_i32_0 = arith.constant 0 : i32
    %c0_i32_1 = arith.constant 0 : i32
    return %c0_i32, %c0_i32_0 : i32, i32
  }
  func.func @transform_17(%arg0: i32, %arg1: i32) -> (i32, i32) {
    %c0_i32 = arith.constant 0 : i32
    %c0_i32_0 = arith.constant 0 : i32
    %c0_i32_1 = arith.constant 0 : i32
    return %c0_i32, %c0_i32_0 : i32, i32
  }
  func.func @transform_18(%arg0: i32, %arg1: i32) -> (i32, i32) {
    %c0_i32 = arith.constant 0 : i32
    %c0_i32_0 = arith.constant 0 : i32
    %c0_i32_1 = arith.constant 0 : i32
    return %c0_i32, %c0_i32_0 : i32, i32
  }
  func.func @transform_19(%arg0: i32, %arg1: i32) -> (i32, i32, i32) {
    %c0_i32 = arith.constant 0 : i32
    %c0_i32_0 = arith.constant 0 : i32
    return %arg0, %arg1, %c0_i32 : i32, i32, i32
  }
}

</mosaic_0001>

<sc_bundles>
// kernel: gather_offload_async_start.1
scs
__scs_entry_jumppad:
0x0: {  	(pc) =	sbr.rel $0x88, $3  }
0x1: {  	(tag) =	ssettag $0x0;
	lr =	simm.s32 $0x1  }
0x2: {  	[smem:$0x3F37] =	sst lr;
	_ =	strace $0xD0000000  }
0x3: {  	_ = 	snop  }
0x4: {  	_ = 	snop  }
0x5: {  	_ = 	snop  }
0x6: {  	_ = 	snop  }
0x7: {  	_ = 	snop  }
__scs_overlays_trampoline_lowered:
0x8: {  	[smem:$0x3F46] =	sst s0  }
0x9: {  	[smem:$0x3F47] =	sst s1  }
0xa: {  	[smem:$0x3F48] =	sst s2  }
0xb: {  	[smem:$0x3F49] =	sst s3  }
0xc: {  	[smem:$0x3F4A] =	sst s4  }
0xd: {  	[smem:$0x3F4B] =	sst s5  }
0xe: {  	[smem:$0x3F4C] =	sst s6  }
0xf: {  	[smem:$0x3F4D] =	sst s7  }
0x10: {  	[smem:$0x3F4E] =	sst s8  }
0x11: {  	[smem:$0x3F4F] =	sst s9;
	s0 =	simm.s32 @!p0 $0x0  }
0x12: {  	s1 =	sld [smem:$0x3F35];
	s0 =	simm.s32 @p0 $0x1  }
0x13: {  	[smem:$0x3F50] =	sst s0;
	s0 =	simm.s32 @!p1 $0x0  }
0x14: {  	s2 =	sld [smem:$0x3F34];
	s0 =	simm.s32 @p1 $0x1  }
0x15: {  	[smem:$0x3F51] =	sst s0;
	s0 =	simm.s32 @!p2 $0x0  }
0x16: {  	s3 =	sld [smem:$0x3FDB];
	s0 =	simm.s32 @p2 $0x1  }
0x17: {  	s4 =	simm.s32 $0x1BF5;
	[smem:$0x3F53] =	sst s0  }
0x18: {  	s0 =	sld [smem:$0x3F36];
	_ =	swait.ge [sflag:s4], $0x0  }
0x19: {  	s7 =	sld [smem:$0x3F37]  }
0x1a: {  	s8 =	sadd.s32 $0xFFFFE003, lr  }
0x1b: {  	s9 =	sadd.s32 $0xFFFFFEF7, lr;
	s5 =	simm.s32 $0xFFFFFFFF;
	p2 =	slt.u32 s8, $0xFFFFF086  }
0x1c: {  	p1 =	slt.u32 s9, $0xF7A;
	s5 =	simm.s32 @!p2 $0x0  }
0x1d: {  	s5 =	simm.s32 @p1 $0x1;
	p0 =	seq.s32 s7, s2  }
0x1e: {  	s7 =	smul.u32 @!p0 $0xF7A, s2;
	p2 =	seq.s32 @!p0 s5, $0x0  }
0x1f: {  	s9 =	smul.u32 $0xF7A, s1;
	s8 =	simm.s32 @!p0 $0x1BF5;
	p2 =	por !p2, p0  }
0x20: {  	[sflag:s8] =	ssyncset.s32 @!p0 $0xFFFFF086;
	s6 =	sadd.s32 @!p0 s3, s7;
	s7 =	simm.s32 @!p0 $0x108  }
0x21: {  	s3 =	sadd.s32 s3, s9;
	s6 =	sadd.s32 @!p0 $0x88, s6;
	s7 =	simm.s32 @p2 $0x1082  }
0x22: {  	[simem:s7], [sflag:s8] =	dma.local @!p0 [hbm:s6], $0xF7A  }
0x23: {  	s9 =	sor.u32 $0xD0000000, s2;
	s6 =	simm.s32 $0x108;
	_ =	swait.ge @!p0 [sflag:s8], $0x0  }
0x24: {  	s3 =	sadd.s32 $0x88, s3;
	s6 =	simm.s32 @!p1 $0x1082;
	[sflag:s4] =	ssyncset.s32 $0xFFFFF086  }
0x25: {  	[simem:s6], [sflag:s4] =	dma.local [hbm:s3], $0xF7A  }
0x26: {  	[smem:$0x3F37] =	sst s1;
	(tag) =	ssettag s2;
	_ =	strace s9  }
0x27: {  	s1 =	sld [smem:$0x3F47]  }
0x28: {  	s2 =	sld [smem:$0x3F48]  }
0x29: {  	s4 =	sld [smem:$0x3F4A]  }
0x2a: {  	p0 =	seq.s32 s5, $0x0;
	s5 =	sld [smem:$0x3F4B]  }
0x2b: {  	s6 =	sld [smem:$0x3F4C]  }
0x2c: {  	s7 =	sld [smem:$0x3F4D]  }
0x2d: {  	s3 =	simm.s32 $0x108;
	s8 =	sld [smem:$0x3F4E]  }
0x2e: {  	s3 =	simm.s32 @!p0 $0x1082;
	s9 =	sld [smem:$0x3F4F]  }
0x2f: {  	lr =	sadd.s32 s0, s3;
	s0 =	sld [smem:$0x3F46]  }
0x30: {  	s3 =	sld [smem:$0x3F49]  }
0x31: {  	[smem:$0x3F52] =	sst s10  }
0x32: {  	s10 =	sld [smem:$0x3F50];
	_ =	sdelay $0x3  }
0x33: {  	p0 =	seq.s32 s10, $0x1;
	s10 =	sld [smem:$0x3F52];
	_ =	sdelay $0x3  }
0x34: {  	[smem:$0x3F52] =	sst s10  }
0x35: {  	s10 =	sld [smem:$0x3F51];
	_ =	sdelay $0x3  }
0x36: {  	p1 =	seq.s32 s10, $0x1;
	s10 =	sld [smem:$0x3F52];
	_ =	sdelay $0x3  }
0x37: {  	[smem:$0x3F52] =	sst s10  }
0x38: {  	s10 =	sld [smem:$0x3F53]  }
0x39: {  	_ = 	snop;
	(pc) =	sbr.ind lr, $3  }
0x3a: {  	_ = 	snop  }
0x3b: {  	_ = 	snop  }
0x3c: {  	p2 =	seq.s32 s10, $0x1;
	s10 =	sld [smem:$0x3F52]  }
0x3d: {  	_ =	shalt  }
0x3e: {  	_ =	shalt  }
0x3f: {  	_ =	shalt  }
0x40: {  	_ =	shalt  }
0x41: {  	_ =	shalt  }
0x42: {  	_ =	shalt  }
0x43: {  	_ =	shalt  }
0x44: {  	_ =	shalt  }
0x45: {  	_ =	shalt  }
0x46: {  	_ =	shalt  }
0x47: {  	_ =	shalt  }
0x48: {  	_ =	shalt  }
0x49: {  	_ =	shalt  }
0x4a: {  	_ =	shalt  }
0x4b: {  	_ =	shalt  }
0x4c: {  	_ =	shalt  }
0x4d: {  	_ =	shalt  }
0x4e: {  	_ =	shalt  }
0x4f: {  	_ =	shalt  }
0x50: {  	_ =	shalt  }
0x51: {  	_ =	shalt  }
0x52: {  	_ =	shalt  }
0x53: {  	_ =	shalt  }
0x54: {  	_ =	shalt  }
0x55: {  	_ =	shalt  }
0x56: {  	_ =	shalt  }
0x57: {  	_ =	shalt  }
0x58: {  	_ =	shalt  }
0x59: {  	_ =	shalt  }
0x5a: {  	_ =	shalt  }
0x5b: {  	_ =	shalt  }
0x5c: {  	_ =	shalt  }
0x5d: {  	_ =	shalt  }
0x5e: {  	_ =	shalt  }
0x5f: {  	_ =	shalt  }
0x60: {  	_ =	shalt  }
0x61: {  	_ =	shalt  }
0x62: {  	_ =	shalt  }
0x63: {  	_ =	shalt  }
0x64: {  	_ =	shalt  }
0x65: {  	_ =	shalt  }
0x66: {  	_ =	shalt  }
0x67: {  	_ =	shalt  }
0x68: {  	_ =	shalt  }
0x69: {  	_ =	shalt  }
0x6a: {  	_ =	shalt  }
0x6b: {  	_ =	shalt  }
0x6c: {  	_ =	shalt  }
0x6d: {  	_ =	shalt  }
0x6e: {  	_ =	shalt  }
0x6f: {  	_ =	shalt  }
0x70: {  	_ =	shalt  }
0x71: {  	_ =	shalt  }
0x72: {  	_ =	shalt  }
0x73: {  	_ =	shalt  }
0x74: {  	_ =	shalt  }
0x75: {  	_ =	shalt  }
0x76: {  	_ =	shalt  }
0x77: {  	_ =	shalt  }
0x78: {  	_ =	shalt  }
0x79: {  	_ =	shalt  }
0x7a: {  	_ =	shalt  }
0x7b: {  	_ =	shalt  }
0x7c: {  	_ =	shalt  }
0x7d: {  	_ =	shalt  }
0x7e: {  	_ =	shalt  }
0x7f: {  	_ =	shalt  }
0x80: {  	_ =	shalt  }
0x81: {  	_ =	shalt  }
0x82: {  	_ =	shalt  }
0x83: {  	_ =	shalt  }
0x84: {  	_ =	shalt  }
0x85: {  	_ =	shalt  }
0x86: {  	_ =	shalt  }
0x87: {  	_ =	shalt  }
.Lfunc_end0:
.L_simem_size_0:
called_computation.1_lowered:
.L_overlay_start_0:
0x88: {  	s2 =	sld [smem:$0x3FD9]  }
0x89: {  	s3 =	sld [smem:$0x3FFE];
	_ =	sdelay $0x1  }
0x8a: {  	s1 =	srdreg.scid  }
0x8b: {  	s0 =	sand.u32 $0x1, s1  }
0x8c: {  	s17 =	sshll.u32 s0, $0xA;
	s2 =	sadd.s32 s3, s2  }
0x8d: {  	s2 =	sadd.s32 s2, s17  }
0x8e: {  	[smem:$0x3F5E] =	sst s2  }
0x8f: {  	_ = 	snop  }
0x90: {  	(tm) =	ssettm $0x1  }
0x91: {  	s18 =	sld [smem:$0x3FFB];
	_ =	sdelay $0x3  }
0x92: {  	_ =	strace s18  }
0x93: {  	s2 =	sld [smem:$0x3FFC];
	_ =	sdelay $0x3  }
0x94: {  	_ =	strace s2  }
0x95: {  	s2 =	sld [smem:$0x3FFD];
	_ =	sdelay $0x3  }
0x96: {  	_ =	strace s2  }
0x97: {  	_ =	strace $0x8FFFFFFF  }
0x98: {  	s19 =	sld [smem:$0x3FDB];
	_ =	sdelay $0x1  }
0x99: {  	s20 =	simm.s32 $_scs_section_size  }
0x9a: {  	s4 =	simm.s32 $_size__tile_overlayer_lowered;
	s5 =	simm.s32 $_tile_overlayer_lowered  }
0x9b: {  	s6 =	simm.s32 $0x1BFF;
	s21 =	sshll.u32 s5, $0x1;
	s3 =	sadd.s32 s20, s19  }
0x9c: {  	s22 =	simm.s32 $0x0;
	s4 =	sshll.u32 s4, $0x1;
	s5 =	sadd.s32 s21, s3  }
0x9d: {  	[timem:s22], [sflag:s6] =	dma.local [hbm:s5], s4  }
0x9e: {  	_ =	swait.ge [sflag:s6], s4  }
0x9f: {  	s4 =	ssub.s32 $0x0, s4;
	[sflag:s6] =	ssyncset.done $0x0  }
0xa0: {  	[sflag:s6] =	ssyncadd.s32 s4;
	_ =	sdelay $0x1  }
0xa1: {  	s23 =	simm.s32 $0x1B8B  }
0xa2: {  	_ =	swait.ge [sflag:s23], $0x1  }
0xa3: {  	[sflag:s23] =	ssyncset.done $0x0  }
0xa4: {  	[sflag:s23] =	ssyncadd.s32 $0xFFFFFFFF  }
0xa5: {  	s4 =	sld [smem:$0x0]  }
0xa6: {  	s5 =	sand.u32 $0xFFFFFFFE, s1  }
0xa7: {  	p0 =	sne.s32 s1, s5  }
0xa8: {  	s5 =	sshll.u32 @p0 s5, $0xE  }
0xa9: {  	s5 =	sadd.s32 @p0 $0x11B8D, s5;
	s6 =	sshll.u32 @p0 s4, $0x11  }
0xaa: {  	s5 =	sor.u32 @p0 s6, s5  }
0xab: {  	[sflag:s5] =	ssyncadd.remote.s32 @p0 $0x1;
	_ =	sdelay $0x1  }
0xac: {  	s5 =	simm.s32 @p0 $0x1B8D  }
0xad: {  	_ =	swait.eq @p0 [sflag:s5], $0x1  }
0xae: {  	[sflag:s5] =	ssyncadd.s32 @p0 $0xFFFFFFFF  }
0xaf: {  	s6 =	sshll.u32 @!p0 s1, $0xE  }
0xb0: {  	s6 =	sor.u32 @!p0 $0x4000, s6;
	s5 =	simm.s32 @!p0 $0x1B8D  }
0xb1: {  	s4 =	sshll.u32 @!p0 s4, $0x11;
	s6 =	sadd.s32 @!p0 $0x11B8D, s6;
	_ =	swait.eq @!p0 [sflag:s5], $0x1  }
0xb2: {  	s4 =	sor.u32 @!p0 s4, s6;
	[sflag:s5] =	ssyncadd.s32 @!p0 $0xFFFFFFFF  }
0xb3: {  	s25 =	simm.s32 $0x1B8E;
	s24 =	sld [smem:$0x3FFE];
	[sflag:s4] =	ssyncadd.remote.s32 @!p0 $0x1  }
0xb4: {  	s26 =	simm.s32 $execute0_lowered;
	[smem:$0x3FD2] =	sst s25  }
0xb5: {  	s5 =	sshll.u32 s26, $0x1;
	_ =	strace $0x80000055;
	[dreg:$0x1] =	wrdreg $0xFFFFFFFF  }
0xb6: {  	s28 =	simm.s32 $_size_execute0_lowered;
	s3 =	sadd.s32 s3, s5;
	[dreg:$0x0] =	wrdreg $0x0  }
0xb7: {  	s5 =	sshll.u32 s28, $0x1;
	[dreg:$0x2] =	wrdreg s3  }
0xb8: {  	[dreg:$0x3] =	wrdreg s5  }
0xb9: {  	[dreg:$0x4] =	wrdreg $0xC0  }
0xba: {  	_ =	task [dreg:s22], $0x5FFFF  }
0xbb: {  	[dreg:$0x1] =	wrdreg $0xFFFFFFFF  }
0xbc: {  	[dreg:$0x0] =	wrdreg $0x60  }
0xbd: {  	[dreg:$0x2] =	wrdreg s24  }
0xbe: {  	[dreg:$0x3] =	wrdreg $0x9  }
0xbf: {  	_ =	task.clear_ibuf [dreg:s22], $0x4FFFF;
	_ =	strace $0x90000055  }
0xc0: {  	s29 =	simm.s32 $0x9;
	_ =	strace $0x80000057  }
0xc1: {  	_ =	swait.ge [sflag:s29], $0x1  }
0xc2: {  	[sflag:s29] =	ssyncadd.s32 $0xFFFFFFFF  }
0xc3: {  	_ =	strace $0x90000057  }
0xc4: {  	_ =	sfence  }
0xc5: {  	s30 =	sld [smem:$0x0];
	_ =	sdelay $0x2  }
0xc6: {  	s31 =	sshll.u32 s1, $0xD;
	s1 =	sshrl.u32 s1, $0x2  }
0xc7: {  	s4 =	sand.u32 $0x4000, s31;
	s1 =	sadd.s32 s1, s30  }
0xc8: {  	s0 =	sor.u32 s4, s0;
	s1 =	sshll.u32 s1, $0x11  }
0xc9: {  	s0 =	sor.u32 s1, s0  }
0xca: {  	s0 =	sadd.s32 $0x8F2B, s0  }
0xcb: {  	[sflag:s0] =	ssyncadd.remote.s32 $0x1  }
0xcc: {  	_ =	sfence.sel $0xFFFF  }
0xcd: {  	[dreg:$0x0] =	wrdreg $0xFFFFFFFF;
	(pc) =	sbr.abs _section_cstart, $3  }
0xce: {  	[dreg:$0x1] =	wrdreg $0xFFFFFFFF  }
0xcf: {  	_ =	task.clear_ibuf [dreg:s22], $0x2FFFF;
	_ =	strace $0x9FFFFFFF  }
0xd0: {  	(tm) =	ssettm $0x7FFFFFFF  }
0xd1: {  	_ =	shalt  }
tec
execute0_lowered:
.L_overlay_start_1:
0x0: {  	(tag) =	ssettag $0x1  }
0x1: {  	s0 =	srdreg.scid;
	s5 =	rddreg [dreg:$0x0]  }
0x2: {  	s1 =	stileid.u32;
	s6 =	simm.s32 $0x1;
	s9 =	simm.s32 $0x1  }
0x3: {  	s10 =	simm.s32 $0x3;
	s13 =	simm.s32 $0x0;
	s2 =	sshll.u32 s0, $0xA  }
0x4: {  	s12 =	simm.s32 $0x0;
	s3 =	sshll.u32 s1, $0xB;
	s2 =	sand.u32 $0x400, s2  }
0x5: {  	s0 =	rddreg [dreg:$0x1];
	_ =	strace $0x80000056;
	s2 =	sor.u32 s3, s2  }
0x6: {  	s4 =	sadd.s32 $0x34600, s5;
	[sflag:s6] =	ssyncpa.u1 $0x0;
	s8 =	ssub.s32 $0xC000, s2  }
.Ltmp0:
0x7: {  	s3 =	sadd.s32 $0x31CC00, s5;
	s7 =	sand.u32 $0x7C00, s8;
	(pc) =	sbr.rel .LBB2_1-.Ltmp0, $4  }
0x8: {  	s5 =	sadd.s32 $0x20C00, s5;
	s11 =	smov.u32 s2;
	p0 =	sne.s32 s7, $0x0  }
0x9: {  	s8 =	sshrl.u32 s8, $0xF;
	s7 =	simm.s32 $0x2;
	s9 =	simm.s32 @!p0 $0x0  }
0xa: {  	[sflag:s7] =	ssyncpa.u1 $0x0;
	p0 =	por $0x0, $0x0;
	s8 =	sadd.s32 s9, s8  }
0xb: {  	vm0 =	vmmov $0xffff;
	[sflag:s10] =	ssyncpa.u1 $0x0;
	s10 =	simm.s32 $0x0;
	s9 =	sadd.s32 $0x1, s8  }
.LBB2_4:
0xc: {  	v3 =	vshrl.u32 v0, $0x2;
	v4 =	vshrl.u32 v0, $0xE;
	v1 =	vor.u32 v1, v2  }
0xd: {  	v62 =	vshll.u32 v0, $0x16;
	v60 =	vand.u32 $0xFFF, v3;
	v61 =	vand.u32 $0x3FF, v4  }
0xe: {  	v0 =	vand.u32 $0xC00000, v62;
	v2 =	vsel vm1, $0xFFFFFFFF, v60;
	v3 =	vsel vm1, $0xFFFFFFFF, v61  }
0xf: {  	v0 =	vsel vm1, $0xFFC00000, v0;
	v63 =	vand.u32 $0x7F, v2;
	v5 =	vshll.u32 v3, $0xC  }
0x10: {  	v2 =	vshll.u32 v2, $0x3;
	v5 =	vand.u32 $0xFFFF8000, v5;
	v0 =	vor.u32 v0, v63  }
0x11: {  	v3 =	vshll.u32 v3, $0x7;
	v2 =	vand.u32 $0xFFFFFC00, v2;
	v0 =	vadd.s32 v5, v0  }
0x12: {  	v3 =	vand.u32 $0x380, v3;
	v0 =	vadd.s32 v2, v0  }
0x13: {  	v0 =	vor.u32 v3, v0;
	_ =	sdelay $0x1  }
0x14: {  	(ifvalue) =	ssetifvalue $0x7FFFFFFF;
	s14 =	sadd.s32 $0x10, s14  }
0x15: {  	[tilespmem:s14], [sflag:$0x1] =	stream.indirect_vreg.gather [hbm4b:s3+s10], $0x1, v1, vm0, $0x4038;
	[tilespmem:$0x1000] =	vst v63  }
0x16: {  	(ifvalue) =	ssetifvalue $0x7FFFFFFF;
	s14 =	sadd.s32 $0x10, s14  }
0x17: {  	[tilespmem:s14], [sflag:$0x1] =	stream.indirect_vreg.gather [hbm4b:s3+s10], $0x1, v0, vm0, $0x4038;
	[tilespmem:$0x1000] =	vst v63  }
0x18: {  	_ =	swait.ge [sflag:s6], $0x400  }
0x19: {  	s30 =	sshrl.u32 s13, $0x3;
	[sflag:s6] =	ssyncset.done $0x0  }
0x1a: {  	s31 =	sand.u32 $0x7, s13;
	s14 =	sadd.s32 s5, s30;
	[sflag:s6] =	ssyncadd.s32 $0xFFFFFC00  }
0x1b: {  	[hbm4b:s14+s31] =	stream.linear.scatter [tilespmem:s15], [sflag:$0x3], $0x400, $0x38;
	[tilespmem:$0x1000] =	vst v63  }
.LBB2_5:
0x1c: {  	s15 =	sadd.s32 $0x8000, s11  }
0x1d: {  	p2 =	sgt.s32 s15, $0xBFFF  }
0x1e: {  	s15 =	smov.u32 @p2 s2;
	p2 =	sne.s32 s12, s9  }
.Ltmp1:
0x1f: {  	p1 =	slt.u32 s12, $0x2;
	(pc) =	sbr.rel @!p2 .LBB2_6-.Ltmp1, $4  }
0x20: {  	s14 =	simm.s32 @!p1 $0x3  }
0x21: {  	s16 =	sadd.s32 $0x1, s12;
	_ =	swait.ge @!p1 [sflag:s14], $0x400  }
0x22: {  	s13 =	smov.u32 s11;
	p0 =	por !p0, !p0;
	[sflag:s14] =	ssyncset.done @!p1 $0x0  }
0x23: {  	s12 =	smov.u32 s16;
	s11 =	smov.u32 s15;
	[sflag:s14] =	ssyncadd.s32 @!p1 $0xFFFFFC00  }
.LBB2_1:
0x24: {  	p1 =	sge.u32 s12, s8  }
0x25: {  	s14 =	sxor.u32 @!p1 $0xFFFFFFFF, s12  }
0x26: {  	s31 =	sadd.s32 $0xFFFFFFFF, s12;
	s15 =	sshrl.u32 @!p1 s11, $0x3;
	s14 =	sshll.u32 @!p1 s14, $0xA  }
0x27: {  	s16 =	sand.u32 @!p1 $0x7, s11;
	s15 =	sadd.s32 @!p1 s4, s15;
	s14 =	sand.u32 @!p1 $0x400, s14  }
0x28: {  	[tilespmem:s14], [sflag:$0x2] =	stream.linear.gather @!p1 [hbm4b:s15+s16], $0x400, $0x38;
	[tilespmem:$0x1000] =	vst v63  }
0x29: {  	p1 =	sge.u32 s31, s8  }
.Ltmp2:
0x2a: {  	_ = 	snop;
	(pc) =	sbr.rel @p1 .LBB2_5-.Ltmp2, $1  }
0x2b: {  	_ =	sdelay $0x3  }
0x2c: {  	s14 =	simm.s32 $0x1  }
0x2d: {  	_ =	swait.ge [sflag:s7], $0x400;
	s14 =	simm.s32 @!p0 $0x0  }
0x2e: {  	[sflag:s7] =	ssyncset.done $0x0;
	s14 =	sshll.u32 s14, $0xA  }
0x2f: {  	[sflag:s7] =	ssyncadd.s32 $0xFFFFFC00;
	(ifvalue) =	ssetifvalue $0x7FFFFFFF;
	v0 =	vld.msk [tilespmem:s14+$0x0 ss:$0x1], $0xffff;
	_ =	sdelay $0x4  }
0x30: {  	s15 =	sadd.s32 $0x10, s14;
	vm1 =	veq.s32 v0, $0x80000000;
	v1 =	vshrl.u32 v0, $0x2;
	v2 =	vshrl.u32 v0, $0xE  }
0x31: {  	v3 =	vld.msk [tilespmem:s15+$0x0 ss:$0x1], $0xffff;
	v0 =	vshll.u32 v0, $0x16;
	v1 =	vand.u32 $0xFFF, v1;
	v2 =	vand.u32 $0x3FF, v2  }
0x32: {  	v0 =	vand.u32 $0xC00000, v0;
	v1 =	vsel vm1, $0xFFFFFFFF, v1;
	v2 =	vsel vm1, $0xFFFFFFFF, v2  }
0x33: {  	v0 =	vsel vm1, $0xFFC00000, v0;
	v4 =	vand.u32 $0x7F, v1;
	v5 =	vshll.u32 v2, $0xC  }
0x34: {  	v1 =	vshll.u32 v1, $0x3;
	v5 =	vand.u32 $0xFFFF8000, v5;
	v0 =	vor.u32 v0, v4  }
0x35: {  	v2 =	vshll.u32 v2, $0x7;
	v1 =	vand.u32 $0xFFFFFC00, v1;
	v0 =	vadd.s32 v5, v0  }
0x36: {  	v62 =	vshrl.u32 v3, $0xE;
	v2 =	vand.u32 $0x380, v2;
	v0 =	vadd.s32 v1, v0  }
0x37: {  	s17 =	sadd.s32 $0x10, s15;
	vm1 =	veq.s32 v3, $0x80000000;
	v1 =	vor.u32 v2, v0;
	v2 =	vshrl.u32 v3, $0x2  }
0x38: {  	v4 =	vand.u32 $0x3FF, v62;
	v0 =	vld.msk [tilespmem:s17+$0x0 ss:$0x1], $0xffff;
	v3 =	vshll.u32 v3, $0x16;
	v2 =	vand.u32 $0xFFF, v2  }
0x39: {  	v4 =	vsel vm1, $0xFFFFFFFF, v4;
	v3 =	vand.u32 $0xC00000, v3;
	v2 =	vsel vm1, $0xFFFFFFFF, v2  }
0x3a: {  	s31 =	sshll.u32 s12, $0xA;
	v6 =	vshll.u32 v4, $0xC;
	v3 =	vsel vm1, $0xFFC00000, v3;
	v63 =	vand.u32 $0x7F, v2  }
0x3b: {  	s14 =	sor.u32 $0x800, s14;
	s15 =	sand.u32 $0x400, s31;
	(ifvalue) =	ssetifvalue $0x7FFFFFFF;
	v6 =	vand.u32 $0xFFFF8000, v6;
	v2 =	vshll.u32 v2, $0x3;
	v3 =	vor.u32 v3, v63  }
0x3c: {  	v2 =	vand.u32 $0xFFFFFC00, v2;
	[tilespmem:s14], [sflag:$0x1] =	stream.indirect_vreg.gather [hbm4b:s3+s10], $0x1, v1, vm0, $0x4038;
	v1 =	vshll.u32 v4, $0x7;
	v3 =	vadd.s32 v6, v3;
	[tilespmem:$0x1000] =	vst v63  }
0x3d: {  	s16 =	simm.s32 $0x20;
	s15 =	sor.u32 $0x800, s15;
	s17 =	sadd.s32 $0x10, s17;
	vm1 =	veq.s32 v0, $0x80000000;
	v1 =	vand.u32 $0x380, v1;
	v2 =	vadd.s32 v2, v3  }
.LBB2_3:
0x3e: {  	v3 =	vld.msk [tilespmem:s17+$0x0 ss:$0x1], $0xffff;
	v4 =	vshrl.u32 v0, $0x2;
	v5 =	vshrl.u32 v0, $0xE;
	v1 =	vor.u32 v1, v2;
	s16 =	sadd.s32 $0x10, s16  }
0x3f: {  	v0 =	vshll.u32 v0, $0x16;
	v2 =	vand.u32 $0xFFF, v4;
	v4 =	vand.u32 $0x3FF, v5;
	p1 =	slt.u32 s16, $0x3F0  }
.Ltmp3:
0x40: {  	v0 =	vand.u32 $0xC00000, v0;
	v2 =	vsel vm1, $0xFFFFFFFF, v2;
	v4 =	vsel vm1, $0xFFFFFFFF, v4;
	(pc) =	sbr.rel @p1 .LBB2_3-.Ltmp3, $4  }
0x41: {  	v0 =	vsel vm1, $0xFFC00000, v0;
	v5 =	vand.u32 $0x7F, v2;
	v6 =	vshll.u32 v4, $0xC  }
0x42: {  	s14 =	sadd.s32 $0x10, s14;
	v2 =	vshll.u32 v2, $0x3;
	v6 =	vand.u32 $0xFFFF8000, v6;
	v7 =	vor.u32 v0, v5;
	(ifvalue) =	ssetifvalue $0x7FFFFFFF  }
0x43: {  	v4 =	vshll.u32 v4, $0x7;
	v2 =	vand.u32 $0xFFFFFC00, v2;
	v5 =	vadd.s32 v6, v7;
	[tilespmem:s14], [sflag:$0x1] =	stream.indirect_vreg.gather [hbm4b:s3+s10], $0x1, v1, vm0, $0x4038;
	[tilespmem:$0x1000] =	vst v63  }
0x44: {  	s17 =	sadd.s32 $0x10, s17;
	vm1 =	veq.s32 v3, $0x80000000;
	v1 =	vand.u32 $0x380, v4;
	v0 =	vmovc v3;
	v2 =	vadd.s32 v2, v5  }
.Ltmp4:
0x45: {  	_ = 	snop;
	(pc) =	sbr.rel .LBB2_4-.Ltmp4, $1  }
0x46: {  	_ =	sdelay $0x3  }
.LBB2_6:
0x47: {  	_ =	sfence.sel $0x180000  }
0x48: {  	s2 =	simm.s32 $0x2;
	[bflag:$0x0] =	sbarrier.arrive $0xFFFF  }
0x49: {  	s30 =	simm.s32 $0x3;
	[sflag:s2] =	ssyncpa.u1 $0x1  }
0x4a: {  	s31 =	simm.s32 $0x1;
	[sflag:s30] =	ssyncpa.u1 $0x1  }
0x4b: {  	[sflag:s31] =	ssyncpa.u1 $0x1  }
0x4c: {  	p0 =	sne.s32 s1, $0x0;
	_ =	strace $0x90000056  }
0x4d: {  	s0 =	sadd.s32 @!p0 $0x100000, s0;
	[bflag:$0x2] =	sbarrier.arrive $0xFFFF  }
0x4e: {  	[sflag:s0] =	ssyncadd.tile.s32 @!p0 $0x1;
	_ =	shalt  }
.Lfunc_end2:
_tile_overlayer_lowered:
.L_overlay_start_2:
0x4f: {  	(tag) =	ssettag $0x2  }
0x50: {  	s0 =	rddreg [dreg:$0x0];
	s2 =	stileid.u32  }
0x51: {  	s1 =	rddreg [dreg:$0x1];
	p0 =	sne.s32 s2, $0x0  }
0x52: {  	s3 =	rddreg [dreg:$0x2];
	[bflag:$0x3] =	sbarrier.arrive $0xFFFF;
	s2 =	simm.s32 @!p0 $0x1C01  }
0x53: {  	[timem:s3], [sflag:s2] =	dma.local @!p0 [hbm:s0], s1  }
0x54: {  	s0 =	simm.s32 @!p0 $0x1  }
0x55: {  	_ =	swait.ge @!p0 [sflag:s0], s1  }
0x56: {  	s1 =	ssub.s32 @!p0 $0x0, s1;
	[sflag:s0] =	ssyncset.done @!p0 $0x0  }
0x57: {  	[sflag:s0] =	ssyncadd.s32 @!p0 s1  }
0x58: {  	[bflag:$0x3] =	sbarrier.arrive $0xFFFF  }
0x59: {  	_ =	shalt  }

// kernel: gather_offload_async_start.2
scs
__scs_entry_jumppad:
0x0: {  	(pc) =	sbr.rel $0x88, $3  }
0x1: {  	(tag) =	ssettag $0x0;
	lr =	simm.s32 $0x1  }
0x2: {  	[smem:$0x3F37] =	sst lr;
	_ =	strace $0xD0000000  }
0x3: {  	_ = 	snop  }
0x4: {  	_ = 	snop  }
0x5: {  	_ = 	snop  }
0x6: {  	_ = 	snop  }
0x7: {  	_ = 	snop  }
__scs_overlays_trampoline_lowered:
0x8: {  	[smem:$0x3F46] =	sst s0  }
0x9: {  	[smem:$0x3F47] =	sst s1  }
0xa: {  	[smem:$0x3F48] =	sst s2  }
0xb: {  	[smem:$0x3F49] =	sst s3  }
0xc: {  	[smem:$0x3F4A] =	sst s4  }
0xd: {  	[smem:$0x3F4B] =	sst s5  }
0xe: {  	[smem:$0x3F4C] =	sst s6  }
0xf: {  	[smem:$0x3F4D] =	sst s7  }
0x10: {  	[smem:$0x3F4E] =	sst s8  }
0x11: {  	[smem:$0x3F4F] =	sst s9;
	s0 =	simm.s32 @!p0 $0x0  }
0x12: {  	s1 =	sld [smem:$0x3F35];
	s0 =	simm.s32 @p0 $0x1  }
0x13: {  	[smem:$0x3F50] =	sst s0;
	s0 =	simm.s32 @!p1 $0x0  }
0x14: {  	s2 =	sld [smem:$0x3F34];
	s0 =	simm.s32 @p1 $0x1  }
0x15: {  	[smem:$0x3F51] =	sst s0;
	s0 =	simm.s32 @!p2 $0x0  }
0x16: {  	s3 =	sld [smem:$0x3FDB];
	s0 =	simm.s32 @p2 $0x1  }
0x17: {  	s4 =	simm.s32 $0x1BF5;
	[smem:$0x3F53] =	sst s0  }
0x18: {  	s0 =	sld [smem:$0x3F36];
	_ =	swait.ge [sflag:s4], $0x0  }
0x19: {  	s7 =	sld [smem:$0x3F37]  }
0x1a: {  	s8 =	sadd.s32 $0xFFFFE003, lr  }
0x1b: {  	s9 =	sadd.s32 $0xFFFFFEF7, lr;
	s5 =	simm.s32 $0xFFFFFFFF;
	p2 =	slt.u32 s8, $0xFFFFF086  }
0x1c: {  	p1 =	slt.u32 s9, $0xF7A;
	s5 =	simm.s32 @!p2 $0x0  }
0x1d: {  	s5 =	simm.s32 @p1 $0x1;
	p0 =	seq.s32 s7, s2  }
0x1e: {  	s7 =	smul.u32 @!p0 $0xF7A, s2;
	p2 =	seq.s32 @!p0 s5, $0x0  }
0x1f: {  	s9 =	smul.u32 $0xF7A, s1;
	s8 =	simm.s32 @!p0 $0x1BF5;
	p2 =	por !p2, p0  }
0x20: {  	[sflag:s8] =	ssyncset.s32 @!p0 $0xFFFFF086;
	s6 =	sadd.s32 @!p0 s3, s7;
	s7 =	simm.s32 @!p0 $0x108  }
0x21: {  	s3 =	sadd.s32 s3, s9;
	s6 =	sadd.s32 @!p0 $0x88, s6;
	s7 =	simm.s32 @p2 $0x1082  }
0x22: {  	[simem:s7], [sflag:s8] =	dma.local @!p0 [hbm:s6], $0xF7A  }
0x23: {  	s9 =	sor.u32 $0xD0000000, s2;
	s6 =	simm.s32 $0x108;
	_ =	swait.ge @!p0 [sflag:s8], $0x0  }
0x24: {  	s3 =	sadd.s32 $0x88, s3;
	s6 =	simm.s32 @!p1 $0x1082;
	[sflag:s4] =	ssyncset.s32 $0xFFFFF086  }
0x25: {  	[simem:s6], [sflag:s4] =	dma.local [hbm:s3], $0xF7A  }
0x26: {  	[smem:$0x3F37] =	sst s1;
	(tag) =	ssettag s2;
	_ =	strace s9  }
0x27: {  	s1 =	sld [smem:$0x3F47]  }
0x28: {  	s2 =	sld [smem:$0x3F48]  }
0x29: {  	s4 =	sld [smem:$0x3F4A]  }
0x2a: {  	p0 =	seq.s32 s5, $0x0;
	s5 =	sld [smem:$0x3F4B]  }
0x2b: {  	s6 =	sld [smem:$0x3F4C]  }
0x2c: {  	s7 =	sld [smem:$0x3F4D]  }
0x2d: {  	s3 =	simm.s32 $0x108;
	s8 =	sld [smem:$0x3F4E]  }
0x2e: {  	s3 =	simm.s32 @!p0 $0x1082;
	s9 =	sld [smem:$0x3F4F]  }
0x2f: {  	lr =	sadd.s32 s0, s3;
	s0 =	sld [smem:$0x3F46]  }
0x30: {  	s3 =	sld [smem:$0x3F49]  }
0x31: {  	[smem:$0x3F52] =	sst s10  }
0x32: {  	s10 =	sld [smem:$0x3F50];
	_ =	sdelay $0x3  }
0x33: {  	p0 =	seq.s32 s10, $0x1;
	s10 =	sld [smem:$0x3F52];
	_ =	sdelay $0x3  }
0x34: {  	[smem:$0x3F52] =	sst s10  }
0x35: {  	s10 =	sld [smem:$0x3F51];
	_ =	sdelay $0x3  }
0x36: {  	p1 =	seq.s32 s10, $0x1;
	s10 =	sld [smem:$0x3F52];
	_ =	sdelay $0x3  }
0x37: {  	[smem:$0x3F52] =	sst s10  }
0x38: {  	s10 =	sld [smem:$0x3F53]  }
0x39: {  	_ = 	snop;
	(pc) =	sbr.ind lr, $3  }
0x3a: {  	_ = 	snop  }
0x3b: {  	_ = 	snop  }
0x3c: {  	p2 =	seq.s32 s10, $0x1;
	s10 =	sld [smem:$0x3F52]  }
0x3d: {  	_ =	shalt  }
0x3e: {  	_ =	shalt  }
0x3f: {  	_ =	shalt  }
0x40: {  	_ =	shalt  }
0x41: {  	_ =	shalt  }
0x42: {  	_ =	shalt  }
0x43: {  	_ =	shalt  }
0x44: {  	_ =	shalt  }
0x45: {  	_ =	shalt  }
0x46: {  	_ =	shalt  }
0x47: {  	_ =	shalt  }
0x48: {  	_ =	shalt  }
0x49: {  	_ =	shalt  }
0x4a: {  	_ =	shalt  }
0x4b: {  	_ =	shalt  }
0x4c: {  	_ =	shalt  }
0x4d: {  	_ =	shalt  }
0x4e: {  	_ =	shalt  }
0x4f: {  	_ =	shalt  }
0x50: {  	_ =	shalt  }
0x51: {  	_ =	shalt  }
0x52: {  	_ =	shalt  }
0x53: {  	_ =	shalt  }
0x54: {  	_ =	shalt  }
0x55: {  	_ =	shalt  }
0x56: {  	_ =	shalt  }
0x57: {  	_ =	shalt  }
0x58: {  	_ =	shalt  }
0x59: {  	_ =	shalt  }
0x5a: {  	_ =	shalt  }
0x5b: {  	_ =	shalt  }
0x5c: {  	_ =	shalt  }
0x5d: {  	_ =	shalt  }
0x5e: {  	_ =	shalt  }
0x5f: {  	_ =	shalt  }
0x60: {  	_ =	shalt  }
0x61: {  	_ =	shalt  }
0x62: {  	_ =	shalt  }
0x63: {  	_ =	shalt  }
0x64: {  	_ =	shalt  }
0x65: {  	_ =	shalt  }
0x66: {  	_ =	shalt  }
0x67: {  	_ =	shalt  }
0x68: {  	_ =	shalt  }
0x69: {  	_ =	shalt  }
0x6a: {  	_ =	shalt  }
0x6b: {  	_ =	shalt  }
0x6c: {  	_ =	shalt  }
0x6d: {  	_ =	shalt  }
0x6e: {  	_ =	shalt  }
0x6f: {  	_ =	shalt  }
0x70: {  	_ =	shalt  }
0x71: {  	_ =	shalt  }
0x72: {  	_ =	shalt  }
0x73: {  	_ =	shalt  }
0x74: {  	_ =	shalt  }
0x75: {  	_ =	shalt  }
0x76: {  	_ =	shalt  }
0x77: {  	_ =	shalt  }
0x78: {  	_ =	shalt  }
0x79: {  	_ =	shalt  }
0x7a: {  	_ =	shalt  }
0x7b: {  	_ =	shalt  }
0x7c: {  	_ =	shalt  }
0x7d: {  	_ =	shalt  }
0x7e: {  	_ =	shalt  }
0x7f: {  	_ =	shalt  }
0x80: {  	_ =	shalt  }
0x81: {  	_ =	shalt  }
0x82: {  	_ =	shalt  }
0x83: {  	_ =	shalt  }
0x84: {  	_ =	shalt  }
0x85: {  	_ =	shalt  }
0x86: {  	_ =	shalt  }
0x87: {  	_ =	shalt  }
.Lfunc_end0:
.L_simem_size_0:
called_computation.2_lowered:
.L_overlay_start_0:
0x88: {  	s2 =	sld [smem:$0x3FD9]  }
0x89: {  	s3 =	sld [smem:$0x3FFE];
	_ =	sdelay $0x1  }
0x8a: {  	s1 =	srdreg.scid  }
0x8b: {  	s0 =	sand.u32 $0x1, s1  }
0x8c: {  	s17 =	sshll.u32 s0, $0xA;
	s2 =	sadd.s32 s3, s2  }
0x8d: {  	s2 =	sadd.s32 s2, s17  }
0x8e: {  	[smem:$0x3F5E] =	sst s2  }
0x8f: {  	_ = 	snop  }
0x90: {  	(tm) =	ssettm $0x1  }
0x91: {  	s18 =	sld [smem:$0x3FFB];
	_ =	sdelay $0x3  }
0x92: {  	_ =	strace s18  }
0x93: {  	s2 =	sld [smem:$0x3FFC];
	_ =	sdelay $0x3  }
0x94: {  	_ =	strace s2  }
0x95: {  	s2 =	sld [smem:$0x3FFD];
	_ =	sdelay $0x3  }
0x96: {  	_ =	strace s2  }
0x97: {  	_ =	strace $0x8FFFFFFF  }
0x98: {  	s19 =	sld [smem:$0x3FDB];
	_ =	sdelay $0x1  }
0x99: {  	s20 =	simm.s32 $_scs_section_size  }
0x9a: {  	s4 =	simm.s32 $_size__tile_overlayer_lowered;
	s5 =	simm.s32 $_tile_overlayer_lowered  }
0x9b: {  	s6 =	simm.s32 $0x1BFF;
	s21 =	sshll.u32 s5, $0x1;
	s3 =	sadd.s32 s20, s19  }
0x9c: {  	s22 =	simm.s32 $0x0;
	s4 =	sshll.u32 s4, $0x1;
	s5 =	sadd.s32 s21, s3  }
0x9d: {  	[timem:s22], [sflag:s6] =	dma.local [hbm:s5], s4  }
0x9e: {  	_ =	swait.ge [sflag:s6], s4  }
0x9f: {  	s4 =	ssub.s32 $0x0, s4;
	[sflag:s6] =	ssyncset.done $0x0  }
0xa0: {  	[sflag:s6] =	ssyncadd.s32 s4;
	_ =	sdelay $0x1  }
0xa1: {  	s23 =	simm.s32 $0x1B8B  }
0xa2: {  	_ =	swait.ge [sflag:s23], $0x1  }
0xa3: {  	[sflag:s23] =	ssyncset.done $0x0  }
0xa4: {  	[sflag:s23] =	ssyncadd.s32 $0xFFFFFFFF  }
0xa5: {  	s4 =	sld [smem:$0x0]  }
0xa6: {  	s5 =	sand.u32 $0xFFFFFFFE, s1  }
0xa7: {  	p0 =	sne.s32 s1, s5  }
0xa8: {  	s5 =	sshll.u32 @p0 s5, $0xE  }
0xa9: {  	s5 =	sadd.s32 @p0 $0x11B8D, s5;
	s6 =	sshll.u32 @p0 s4, $0x11  }
0xaa: {  	s5 =	sor.u32 @p0 s6, s5  }
0xab: {  	[sflag:s5] =	ssyncadd.remote.s32 @p0 $0x1;
	_ =	sdelay $0x1  }
0xac: {  	s5 =	simm.s32 @p0 $0x1B8D  }
0xad: {  	_ =	swait.eq @p0 [sflag:s5], $0x1  }
0xae: {  	[sflag:s5] =	ssyncadd.s32 @p0 $0xFFFFFFFF  }
0xaf: {  	s6 =	sshll.u32 @!p0 s1, $0xE  }
0xb0: {  	s6 =	sor.u32 @!p0 $0x4000, s6;
	s5 =	simm.s32 @!p0 $0x1B8D  }
0xb1: {  	s4 =	sshll.u32 @!p0 s4, $0x11;
	s6 =	sadd.s32 @!p0 $0x11B8D, s6;
	_ =	swait.eq @!p0 [sflag:s5], $0x1  }
0xb2: {  	s4 =	sor.u32 @!p0 s4, s6;
	[sflag:s5] =	ssyncadd.s32 @!p0 $0xFFFFFFFF  }
0xb3: {  	s25 =	simm.s32 $0x1B8E;
	s24 =	sld [smem:$0x3FFE];
	[sflag:s4] =	ssyncadd.remote.s32 @!p0 $0x1  }
0xb4: {  	s26 =	simm.s32 $execute0_lowered;
	[smem:$0x3FD2] =	sst s25  }
0xb5: {  	s5 =	sshll.u32 s26, $0x1;
	_ =	strace $0x80000052;
	[dreg:$0x1] =	wrdreg $0xFFFFFFFF  }
0xb6: {  	s28 =	simm.s32 $_size_execute0_lowered;
	s3 =	sadd.s32 s3, s5;
	[dreg:$0x0] =	wrdreg $0x0  }
0xb7: {  	s5 =	sshll.u32 s28, $0x1;
	[dreg:$0x2] =	wrdreg s3  }
0xb8: {  	[dreg:$0x3] =	wrdreg s5  }
0xb9: {  	[dreg:$0x4] =	wrdreg $0xC0  }
0xba: {  	_ =	task [dreg:s22], $0x5FFFF  }
0xbb: {  	[dreg:$0x1] =	wrdreg $0xFFFFFFFF  }
0xbc: {  	[dreg:$0x0] =	wrdreg $0x60  }
0xbd: {  	[dreg:$0x2] =	wrdreg s24  }
0xbe: {  	[dreg:$0x3] =	wrdreg $0xA  }
0xbf: {  	_ =	task.clear_ibuf [dreg:s22], $0x4FFFF;
	_ =	strace $0x90000052  }
0xc0: {  	s29 =	simm.s32 $0xA;
	_ =	strace $0x80000054  }
0xc1: {  	_ =	swait.ge [sflag:s29], $0x1  }
0xc2: {  	[sflag:s29] =	ssyncadd.s32 $0xFFFFFFFF  }
0xc3: {  	_ =	strace $0x90000054  }
0xc4: {  	_ =	sfence  }
0xc5: {  	s30 =	sld [smem:$0x0];
	_ =	sdelay $0x2  }
0xc6: {  	s31 =	sshll.u32 s1, $0xD;
	s1 =	sshrl.u32 s1, $0x2  }
0xc7: {  	s4 =	sand.u32 $0x4000, s31;
	s1 =	sadd.s32 s1, s30  }
0xc8: {  	s0 =	sor.u32 s4, s0;
	s1 =	sshll.u32 s1, $0x11  }
0xc9: {  	s0 =	sor.u32 s1, s0  }
0xca: {  	s0 =	sadd.s32 $0x8F2B, s0  }
0xcb: {  	[sflag:s0] =	ssyncadd.remote.s32 $0x1  }
0xcc: {  	_ =	sfence.sel $0xFFFF  }
0xcd: {  	[dreg:$0x0] =	wrdreg $0xFFFFFFFF;
	(pc) =	sbr.abs _section_cstart, $3  }
0xce: {  	[dreg:$0x1] =	wrdreg $0xFFFFFFFF  }
0xcf: {  	_ =	task.clear_ibuf [dreg:s22], $0x2FFFF;
	_ =	strace $0x9FFFFFFF  }
0xd0: {  	(tm) =	ssettm $0x7FFFFFFF  }
0xd1: {  	_ =	shalt  }
tec
execute0_lowered:
.L_overlay_start_1:
0x0: {  	(tag) =	ssettag $0x1  }
0x1: {  	s0 =	srdreg.scid;
	s5 =	rddreg [dreg:$0x0]  }
0x2: {  	s1 =	stileid.u32;
	s6 =	simm.s32 $0x1;
	s9 =	simm.s32 $0x1  }
0x3: {  	s10 =	simm.s32 $0x3;
	s13 =	simm.s32 $0x0;
	s2 =	sshll.u32 s0, $0x8  }
0x4: {  	s12 =	simm.s32 $0x0;
	s3 =	sshll.u32 s1, $0x9;
	s2 =	sand.u32 $0x100, s2  }
0x5: {  	s0 =	rddreg [dreg:$0x1];
	_ =	strace $0x80000053;
	s2 =	sor.u32 s3, s2  }
0x6: {  	s4 =	sadd.s32 $0x34000, s5;
	[sflag:s6] =	ssyncpa.u1 $0x0;
	s8 =	ssub.s32 $0x3000, s2  }
.Ltmp0:
0x7: {  	s3 =	sadd.s32 $0xDCC00, s5;
	s7 =	sand.u32 $0x1F00, s8;
	(pc) =	sbr.rel .LBB2_1-.Ltmp0, $4  }
0x8: {  	s5 =	sadd.s32 $0x20600, s5;
	s11 =	smov.u32 s2;
	p0 =	sne.s32 s7, $0x0  }
0x9: {  	s8 =	sshrl.u32 s8, $0xD;
	s7 =	simm.s32 $0x2;
	s9 =	simm.s32 @!p0 $0x0  }
0xa: {  	[sflag:s7] =	ssyncpa.u1 $0x0;
	p0 =	por $0x0, $0x0;
	s8 =	sadd.s32 s9, s8  }
0xb: {  	vm0 =	vmmov $0xffff;
	[sflag:s10] =	ssyncpa.u1 $0x0;
	s10 =	simm.s32 $0x0;
	s9 =	sadd.s32 $0x1, s8  }
.LBB2_4:
0xc: {  	v3 =	vshrl.u32 v0, $0x2;
	v4 =	vshrl.u32 v0, $0xC;
	v1 =	vor.u32 v1, v2  }
0xd: {  	v62 =	vshll.u32 v0, $0x12;
	v60 =	vand.u32 $0x3FF, v3;
	v61 =	vand.u32 $0xFF, v4  }
0xe: {  	v0 =	vand.u32 $0xC0000, v62;
	v2 =	vsel vm1, $0xFFFFFFFF, v60;
	v3 =	vsel vm1, $0xFFFFFFFF, v61  }
0xf: {  	v0 =	vsel vm1, $0xFFFC0000, v0;
	v63 =	vand.u32 $0x7F, v3;
	v5 =	vshll.u32 v2, $0x8  }
0x10: {  	v3 =	vshll.u32 v3, $0x3;
	v5 =	vand.u32 $0xFFFFF800, v5;
	v0 =	vor.u32 v0, v63  }
0x11: {  	v2 =	vshll.u32 v2, $0x7;
	v3 =	vand.u32 $0xFFFFFC00, v3;
	v0 =	vadd.s32 v5, v0  }
0x12: {  	v2 =	vand.u32 $0x380, v2;
	v0 =	vadd.s32 v3, v0  }
0x13: {  	v0 =	vor.u32 v2, v0;
	_ =	sdelay $0x1  }
0x14: {  	(ifvalue) =	ssetifvalue $0x7FFFFFFF;
	s14 =	sadd.s32 $0x10, s14  }
0x15: {  	[tilespmem:s14], [sflag:$0x1] =	stream.indirect_vreg.gather [hbm4b:s3+s10], $0x1, v1, vm0, $0x4038;
	[tilespmem:$0x400] =	vst v63  }
0x16: {  	(ifvalue) =	ssetifvalue $0x7FFFFFFF;
	s14 =	sadd.s32 $0x10, s14  }
0x17: {  	[tilespmem:s14], [sflag:$0x1] =	stream.indirect_vreg.gather [hbm4b:s3+s10], $0x1, v0, vm0, $0x4038;
	[tilespmem:$0x400] =	vst v63  }
0x18: {  	_ =	swait.ge [sflag:s6], $0x100  }
0x19: {  	s30 =	sshrl.u32 s13, $0x3;
	[sflag:s6] =	ssyncset.done $0x0  }
0x1a: {  	s31 =	sand.u32 $0x7, s13;
	s14 =	sadd.s32 s5, s30;
	[sflag:s6] =	ssyncadd.s32 $0xFFFFFF00  }
0x1b: {  	[hbm4b:s14+s31] =	stream.linear.scatter [tilespmem:s15], [sflag:$0x3], $0x100, $0x38;
	[tilespmem:$0x400] =	vst v63  }
.LBB2_5:
0x1c: {  	s15 =	sadd.s32 $0x2000, s11  }
0x1d: {  	p2 =	sgt.s32 s15, $0x2FFF  }
0x1e: {  	s15 =	smov.u32 @p2 s2;
	p2 =	sne.s32 s12, s9  }
.Ltmp1:
0x1f: {  	p1 =	slt.u32 s12, $0x2;
	(pc) =	sbr.rel @!p2 .LBB2_6-.Ltmp1, $4  }
0x20: {  	s14 =	simm.s32 @!p1 $0x3  }
0x21: {  	s16 =	sadd.s32 $0x1, s12;
	_ =	swait.ge @!p1 [sflag:s14], $0x100  }
0x22: {  	s13 =	smov.u32 s11;
	p0 =	por !p0, !p0;
	[sflag:s14] =	ssyncset.done @!p1 $0x0  }
0x23: {  	s12 =	smov.u32 s16;
	s11 =	smov.u32 s15;
	[sflag:s14] =	ssyncadd.s32 @!p1 $0xFFFFFF00  }
.LBB2_1:
0x24: {  	p1 =	sge.u32 s12, s8  }
0x25: {  	s14 =	sxor.u32 @!p1 $0xFFFFFFFF, s12  }
0x26: {  	s31 =	sadd.s32 $0xFFFFFFFF, s12;
	s15 =	sshrl.u32 @!p1 s11, $0x3;
	s14 =	sshll.u32 @!p1 s14, $0x8  }
0x27: {  	s16 =	sand.u32 @!p1 $0x7, s11;
	s15 =	sadd.s32 @!p1 s4, s15;
	s14 =	sand.u32 @!p1 $0x100, s14  }
0x28: {  	[tilespmem:s14], [sflag:$0x2] =	stream.linear.gather @!p1 [hbm4b:s15+s16], $0x100, $0x38;
	[tilespmem:$0x400] =	vst v63  }
0x29: {  	p1 =	sge.u32 s31, s8  }
.Ltmp2:
0x2a: {  	_ = 	snop;
	(pc) =	sbr.rel @p1 .LBB2_5-.Ltmp2, $1  }
0x2b: {  	_ =	sdelay $0x3  }
0x2c: {  	s14 =	simm.s32 $0x1  }
0x2d: {  	_ =	swait.ge [sflag:s7], $0x100;
	s14 =	simm.s32 @!p0 $0x0  }
0x2e: {  	[sflag:s7] =	ssyncset.done $0x0;
	s14 =	sshll.u32 s14, $0x8  }
0x2f: {  	[sflag:s7] =	ssyncadd.s32 $0xFFFFFF00;
	(ifvalue) =	ssetifvalue $0x7FFFFFFF;
	v0 =	vld.msk [tilespmem:s14+$0x0 ss:$0x1], $0xffff;
	_ =	sdelay $0x4  }
0x30: {  	s15 =	sadd.s32 $0x10, s14;
	vm1 =	veq.s32 v0, $0x80000000;
	v1 =	vshrl.u32 v0, $0x2;
	v2 =	vshrl.u32 v0, $0xC  }
0x31: {  	v3 =	vld.msk [tilespmem:s15+$0x0 ss:$0x1], $0xffff;
	v0 =	vshll.u32 v0, $0x12;
	v1 =	vand.u32 $0x3FF, v1;
	v2 =	vand.u32 $0xFF, v2  }
0x32: {  	v0 =	vand.u32 $0xC0000, v0;
	v1 =	vsel vm1, $0xFFFFFFFF, v1;
	v2 =	vsel vm1, $0xFFFFFFFF, v2  }
0x33: {  	v0 =	vsel vm1, $0xFFFC0000, v0;
	v4 =	vand.u32 $0x7F, v2;
	v5 =	vshll.u32 v1, $0x8  }
0x34: {  	v2 =	vshll.u32 v2, $0x3;
	v5 =	vand.u32 $0xFFFFF800, v5;
	v0 =	vor.u32 v0, v4  }
0x35: {  	v1 =	vshll.u32 v1, $0x7;
	v2 =	vand.u32 $0xFFFFFC00, v2;
	v0 =	vadd.s32 v5, v0  }
0x36: {  	v62 =	vshrl.u32 v3, $0xC;
	v1 =	vand.u32 $0x380, v1;
	v0 =	vadd.s32 v2, v0  }
0x37: {  	s17 =	sadd.s32 $0x10, s15;
	vm1 =	veq.s32 v3, $0x80000000;
	v2 =	vshrl.u32 v3, $0x2;
	v1 =	vor.u32 v1, v0  }
0x38: {  	v4 =	vand.u32 $0xFF, v62;
	v3 =	vshll.u32 v3, $0x12;
	v0 =	vld.msk [tilespmem:s17+$0x0 ss:$0x1], $0xffff;
	v2 =	vand.u32 $0x3FF, v2  }
0x39: {  	v4 =	vsel vm1, $0xFFFFFFFF, v4;
	v3 =	vand.u32 $0xC0000, v3;
	v2 =	vsel vm1, $0xFFFFFFFF, v2  }
0x3a: {  	s31 =	sshll.u32 s12, $0x8;
	v63 =	vand.u32 $0x7F, v4;
	v3 =	vsel vm1, $0xFFFC0000, v3;
	v6 =	vshll.u32 v2, $0x8  }
0x3b: {  	s14 =	sor.u32 $0x200, s14;
	s15 =	sand.u32 $0x100, s31;
	v4 =	vshll.u32 v4, $0x3;
	(ifvalue) =	ssetifvalue $0x7FFFFFFF;
	v3 =	vor.u32 v3, v63;
	v6 =	vand.u32 $0xFFFFF800, v6  }
0x3c: {  	v4 =	vand.u32 $0xFFFFFC00, v4;
	[tilespmem:s14], [sflag:$0x1] =	stream.indirect_vreg.gather [hbm4b:s3+s10], $0x1, v1, vm0, $0x4038;
	v1 =	vshll.u32 v2, $0x7;
	v2 =	vadd.s32 v6, v3;
	[tilespmem:$0x400] =	vst v63  }
0x3d: {  	s16 =	simm.s32 $0x20;
	s15 =	sor.u32 $0x200, s15;
	s17 =	sadd.s32 $0x10, s17;
	vm1 =	veq.s32 v0, $0x80000000;
	v1 =	vand.u32 $0x380, v1;
	v2 =	vadd.s32 v4, v2  }
.LBB2_3:
0x3e: {  	v3 =	vld.msk [tilespmem:s17+$0x0 ss:$0x1], $0xffff;
	v4 =	vshrl.u32 v0, $0x2;
	v5 =	vshrl.u32 v0, $0xC;
	v1 =	vor.u32 v1, v2;
	s16 =	sadd.s32 $0x10, s16  }
0x3f: {  	v0 =	vshll.u32 v0, $0x12;
	v2 =	vand.u32 $0x3FF, v4;
	v4 =	vand.u32 $0xFF, v5;
	p1 =	slt.u32 s16, $0xF0  }
.Ltmp3:
0x40: {  	v0 =	vand.u32 $0xC0000, v0;
	v2 =	vsel vm1, $0xFFFFFFFF, v2;
	v4 =	vsel vm1, $0xFFFFFFFF, v4;
	(pc) =	sbr.rel @p1 .LBB2_3-.Ltmp3, $4  }
0x41: {  	v0 =	vsel vm1, $0xFFFC0000, v0;
	v5 =	vand.u32 $0x7F, v4;
	v6 =	vshll.u32 v2, $0x8  }
0x42: {  	s14 =	sadd.s32 $0x10, s14;
	v4 =	vshll.u32 v4, $0x3;
	v6 =	vand.u32 $0xFFFFF800, v6;
	v7 =	vor.u32 v0, v5;
	(ifvalue) =	ssetifvalue $0x7FFFFFFF  }
0x43: {  	v2 =	vshll.u32 v2, $0x7;
	v4 =	vand.u32 $0xFFFFFC00, v4;
	v5 =	vadd.s32 v6, v7;
	[tilespmem:s14], [sflag:$0x1] =	stream.indirect_vreg.gather [hbm4b:s3+s10], $0x1, v1, vm0, $0x4038;
	[tilespmem:$0x400] =	vst v63  }
0x44: {  	s17 =	sadd.s32 $0x10, s17;
	vm1 =	veq.s32 v3, $0x80000000;
	v1 =	vand.u32 $0x380, v2;
	v0 =	vmovc v3;
	v2 =	vadd.s32 v4, v5  }
.Ltmp4:
0x45: {  	_ = 	snop;
	(pc) =	sbr.rel .LBB2_4-.Ltmp4, $1  }
0x46: {  	_ =	sdelay $0x3  }
.LBB2_6:
0x47: {  	_ =	sfence.sel $0x180000  }
0x48: {  	s2 =	simm.s32 $0x2;
	[bflag:$0x0] =	sbarrier.arrive $0xFFFF  }
0x49: {  	s30 =	simm.s32 $0x3;
	[sflag:s2] =	ssyncpa.u1 $0x1  }
0x4a: {  	s31 =	simm.s32 $0x1;
	[sflag:s30] =	ssyncpa.u1 $0x1  }
0x4b: {  	[sflag:s31] =	ssyncpa.u1 $0x1  }
0x4c: {  	p0 =	sne.s32 s1, $0x0;
	_ =	strace $0x90000053  }
0x4d: {  	s0 =	sadd.s32 @!p0 $0x100000, s0;
	[bflag:$0x2] =	sbarrier.arrive $0xFFFF  }
0x4e: {  	[sflag:s0] =	ssyncadd.tile.s32 @!p0 $0x1;
	_ =	shalt  }
.Lfunc_end2:
_tile_overlayer_lowered:
.L_overlay_start_2:
0x4f: {  	(tag) =	ssettag $0x2  }
0x50: {  	s0 =	rddreg [dreg:$0x0];
	s2 =	stileid.u32  }
0x51: {  	s1 =	rddreg [dreg:$0x1];
	p0 =	sne.s32 s2, $0x0  }
0x52: {  	s3 =	rddreg [dreg:$0x2];
	[bflag:$0x3] =	sbarrier.arrive $0xFFFF;
	s2 =	simm.s32 @!p0 $0x1C01  }
0x53: {  	[timem:s3], [sflag:s2] =	dma.local @!p0 [hbm:s0], s1  }
0x54: {  	s0 =	simm.s32 @!p0 $0x1  }
0x55: {  	_ =	swait.ge @!p0 [sflag:s0], s1  }
0x56: {  	s1 =	ssub.s32 @!p0 $0x0, s1;
	[sflag:s0] =	ssyncset.done @!p0 $0x0  }
0x57: {  	[sflag:s0] =	ssyncadd.s32 @!p0 s1  }
0x58: {  	[bflag:$0x3] =	sbarrier.arrive $0xFFFF  }
0x59: {  	_ =	shalt  }

// kernel: gather_offload_async_start.3
scs
__scs_entry_jumppad:
0x0: {  	(pc) =	sbr.rel $0x88, $3  }
0x1: {  	(tag) =	ssettag $0x0;
	lr =	simm.s32 $0x1  }
0x2: {  	[smem:$0x3F37] =	sst lr;
	_ =	strace $0xD0000000  }
0x3: {  	_ = 	snop  }
0x4: {  	_ = 	snop  }
0x5: {  	_ = 	snop  }
0x6: {  	_ = 	snop  }
0x7: {  	_ = 	snop  }
__scs_overlays_trampoline_lowered:
0x8: {  	[smem:$0x3F46] =	sst s0  }
0x9: {  	[smem:$0x3F47] =	sst s1  }
0xa: {  	[smem:$0x3F48] =	sst s2  }
0xb: {  	[smem:$0x3F49] =	sst s3  }
0xc: {  	[smem:$0x3F4A] =	sst s4  }
0xd: {  	[smem:$0x3F4B] =	sst s5  }
0xe: {  	[smem:$0x3F4C] =	sst s6  }
0xf: {  	[smem:$0x3F4D] =	sst s7  }
0x10: {  	[smem:$0x3F4E] =	sst s8  }
0x11: {  	[smem:$0x3F4F] =	sst s9;
	s0 =	simm.s32 @!p0 $0x0  }
0x12: {  	s1 =	sld [smem:$0x3F35];
	s0 =	simm.s32 @p0 $0x1  }
0x13: {  	[smem:$0x3F50] =	sst s0;
	s0 =	simm.s32 @!p1 $0x0  }
0x14: {  	s2 =	sld [smem:$0x3F34];
	s0 =	simm.s32 @p1 $0x1  }
0x15: {  	[smem:$0x3F51] =	sst s0;
	s0 =	simm.s32 @!p2 $0x0  }
0x16: {  	s3 =	sld [smem:$0x3FDB];
	s0 =	simm.s32 @p2 $0x1  }
0x17: {  	s4 =	simm.s32 $0x1BF5;
	[smem:$0x3F53] =	sst s0  }
0x18: {  	s0 =	sld [smem:$0x3F36];
	_ =	swait.ge [sflag:s4], $0x0  }
0x19: {  	s7 =	sld [smem:$0x3F37]  }
0x1a: {  	s8 =	sadd.s32 $0xFFFFE003, lr  }
0x1b: {  	s9 =	sadd.s32 $0xFFFFFEF7, lr;
	s5 =	simm.s32 $0xFFFFFFFF;
	p2 =	slt.u32 s8, $0xFFFFF086  }
0x1c: {  	p1 =	slt.u32 s9, $0xF7A;
	s5 =	simm.s32 @!p2 $0x0  }
0x1d: {  	s5 =	simm.s32 @p1 $0x1;
	p0 =	seq.s32 s7, s2  }
0x1e: {  	s7 =	smul.u32 @!p0 $0xF7A, s2;
	p2 =	seq.s32 @!p0 s5, $0x0  }
0x1f: {  	s9 =	smul.u32 $0xF7A, s1;
	s8 =	simm.s32 @!p0 $0x1BF5;
	p2 =	por !p2, p0  }
0x20: {  	[sflag:s8] =	ssyncset.s32 @!p0 $0xFFFFF086;
	s6 =	sadd.s32 @!p0 s3, s7;
	s7 =	simm.s32 @!p0 $0x108  }
0x21: {  	s3 =	sadd.s32 s3, s9;
	s6 =	sadd.s32 @!p0 $0x88, s6;
	s7 =	simm.s32 @p2 $0x1082  }
0x22: {  	[simem:s7], [sflag:s8] =	dma.local @!p0 [hbm:s6], $0xF7A  }
0x23: {  	s9 =	sor.u32 $0xD0000000, s2;
	s6 =	simm.s32 $0x108;
	_ =	swait.ge @!p0 [sflag:s8], $0x0  }
0x24: {  	s3 =	sadd.s32 $0x88, s3;
	s6 =	simm.s32 @!p1 $0x1082;
	[sflag:s4] =	ssyncset.s32 $0xFFFFF086  }
0x25: {  	[simem:s6], [sflag:s4] =	dma.local [hbm:s3], $0xF7A  }
0x26: {  	[smem:$0x3F37] =	sst s1;
	(tag) =	ssettag s2;
	_ =	strace s9  }
0x27: {  	s1 =	sld [smem:$0x3F47]  }
0x28: {  	s2 =	sld [smem:$0x3F48]  }
0x29: {  	s4 =	sld [smem:$0x3F4A]  }
0x2a: {  	p0 =	seq.s32 s5, $0x0;
	s5 =	sld [smem:$0x3F4B]  }
0x2b: {  	s6 =	sld [smem:$0x3F4C]  }
0x2c: {  	s7 =	sld [smem:$0x3F4D]  }
0x2d: {  	s3 =	simm.s32 $0x108;
	s8 =	sld [smem:$0x3F4E]  }
0x2e: {  	s3 =	simm.s32 @!p0 $0x1082;
	s9 =	sld [smem:$0x3F4F]  }
0x2f: {  	lr =	sadd.s32 s0, s3;
	s0 =	sld [smem:$0x3F46]  }
0x30: {  	s3 =	sld [smem:$0x3F49]  }
0x31: {  	[smem:$0x3F52] =	sst s10  }
0x32: {  	s10 =	sld [smem:$0x3F50];
	_ =	sdelay $0x3  }
0x33: {  	p0 =	seq.s32 s10, $0x1;
	s10 =	sld [smem:$0x3F52];
	_ =	sdelay $0x3  }
0x34: {  	[smem:$0x3F52] =	sst s10  }
0x35: {  	s10 =	sld [smem:$0x3F51];
	_ =	sdelay $0x3  }
0x36: {  	p1 =	seq.s32 s10, $0x1;
	s10 =	sld [smem:$0x3F52];
	_ =	sdelay $0x3  }
0x37: {  	[smem:$0x3F52] =	sst s10  }
0x38: {  	s10 =	sld [smem:$0x3F53]  }
0x39: {  	_ = 	snop;
	(pc) =	sbr.ind lr, $3  }
0x3a: {  	_ = 	snop  }
0x3b: {  	_ = 	snop  }
0x3c: {  	p2 =	seq.s32 s10, $0x1;
	s10 =	sld [smem:$0x3F52]  }
0x3d: {  	_ =	shalt  }
0x3e: {  	_ =	shalt  }
0x3f: {  	_ =	shalt  }
0x40: {  	_ =	shalt  }
0x41: {  	_ =	shalt  }
0x42: {  	_ =	shalt  }
0x43: {  	_ =	shalt  }
0x44: {  	_ =	shalt  }
0x45: {  	_ =	shalt  }
0x46: {  	_ =	shalt  }
0x47: {  	_ =	shalt  }
0x48: {  	_ =	shalt  }
0x49: {  	_ =	shalt  }
0x4a: {  	_ =	shalt  }
0x4b: {  	_ =	shalt  }
0x4c: {  	_ =	shalt  }
0x4d: {  	_ =	shalt  }
0x4e: {  	_ =	shalt  }
0x4f: {  	_ =	shalt  }
0x50: {  	_ =	shalt  }
0x51: {  	_ =	shalt  }
0x52: {  	_ =	shalt  }
0x53: {  	_ =	shalt  }
0x54: {  	_ =	shalt  }
0x55: {  	_ =	shalt  }
0x56: {  	_ =	shalt  }
0x57: {  	_ =	shalt  }
0x58: {  	_ =	shalt  }
0x59: {  	_ =	shalt  }
0x5a: {  	_ =	shalt  }
0x5b: {  	_ =	shalt  }
0x5c: {  	_ =	shalt  }
0x5d: {  	_ =	shalt  }
0x5e: {  	_ =	shalt  }
0x5f: {  	_ =	shalt  }
0x60: {  	_ =	shalt  }
0x61: {  	_ =	shalt  }
0x62: {  	_ =	shalt  }
0x63: {  	_ =	shalt  }
0x64: {  	_ =	shalt  }
0x65: {  	_ =	shalt  }
0x66: {  	_ =	shalt  }
0x67: {  	_ =	shalt  }
0x68: {  	_ =	shalt  }
0x69: {  	_ =	shalt  }
0x6a: {  	_ =	shalt  }
0x6b: {  	_ =	shalt  }
0x6c: {  	_ =	shalt  }
0x6d: {  	_ =	shalt  }
0x6e: {  	_ =	shalt  }
0x6f: {  	_ =	shalt  }
0x70: {  	_ =	shalt  }
0x71: {  	_ =	shalt  }
0x72: {  	_ =	shalt  }
0x73: {  	_ =	shalt  }
0x74: {  	_ =	shalt  }
0x75: {  	_ =	shalt  }
0x76: {  	_ =	shalt  }
0x77: {  	_ =	shalt  }
0x78: {  	_ =	shalt  }
0x79: {  	_ =	shalt  }
0x7a: {  	_ =	shalt  }
0x7b: {  	_ =	shalt  }
0x7c: {  	_ =	shalt  }
0x7d: {  	_ =	shalt  }
0x7e: {  	_ =	shalt  }
0x7f: {  	_ =	shalt  }
0x80: {  	_ =	shalt  }
0x81: {  	_ =	shalt  }
0x82: {  	_ =	shalt  }
0x83: {  	_ =	shalt  }
0x84: {  	_ =	shalt  }
0x85: {  	_ =	shalt  }
0x86: {  	_ =	shalt  }
0x87: {  	_ =	shalt  }
.Lfunc_end0:
.L_simem_size_0:
called_computation.3_lowered:
.L_overlay_start_0:
0x88: {  	s2 =	sld [smem:$0x3FD9]  }
0x89: {  	s3 =	sld [smem:$0x3FFE];
	_ =	sdelay $0x1  }
0x8a: {  	s1 =	srdreg.scid  }
0x8b: {  	s0 =	sand.u32 $0x1, s1  }
0x8c: {  	s16 =	sshll.u32 s0, $0xA;
	s2 =	sadd.s32 s3, s2  }
0x8d: {  	s2 =	sadd.s32 s2, s16  }
0x8e: {  	[smem:$0x3F5E] =	sst s2  }
0x8f: {  	_ = 	snop  }
0x90: {  	(tm) =	ssettm $0x1  }
0x91: {  	s17 =	sld [smem:$0x3FFB];
	_ =	sdelay $0x3  }
0x92: {  	_ =	strace s17  }
0x93: {  	s2 =	sld [smem:$0x3FFC];
	_ =	sdelay $0x3  }
0x94: {  	_ =	strace s2  }
0x95: {  	s2 =	sld [smem:$0x3FFD];
	_ =	sdelay $0x3  }
0x96: {  	_ =	strace s2  }
0x97: {  	_ =	strace $0x8FFFFFFF  }
0x98: {  	s18 =	sld [smem:$0x3FDB];
	_ =	sdelay $0x1  }
0x99: {  	s19 =	simm.s32 $_scs_section_size  }
0x9a: {  	s4 =	simm.s32 $_size__tile_overlayer_lowered;
	s5 =	simm.s32 $_tile_overlayer_lowered  }
0x9b: {  	s22 =	simm.s32 $0x1BFF;
	s21 =	sshll.u32 s5, $0x1;
	s2 =	sadd.s32 s19, s18  }
0x9c: {  	s6 =	simm.s32 $0x0;
	s20 =	sshll.u32 s4, $0x1;
	s4 =	sadd.s32 s21, s2  }
0x9d: {  	[timem:s6], [sflag:s22] =	dma.local [hbm:s4], s20  }
0x9e: {  	_ =	swait.ge [sflag:s22], s20  }
0x9f: {  	s3 =	ssub.s32 $0x0, s20;
	[sflag:s22] =	ssyncset.done $0x0  }
0xa0: {  	[sflag:s22] =	ssyncadd.s32 s3;
	_ =	sdelay $0x1  }
0xa1: {  	s23 =	simm.s32 $0x1B8B  }
0xa2: {  	_ =	swait.ge [sflag:s23], $0x1  }
0xa3: {  	[sflag:s23] =	ssyncset.done $0x0  }
0xa4: {  	s25 =	simm.s32 $0x1B8E;
	s24 =	sld [smem:$0x3FFE];
	[sflag:s23] =	ssyncadd.s32 $0xFFFFFFFF  }
0xa5: {  	s26 =	simm.s32 $execute0_lowered;
	[smem:$0x3FD2] =	sst s25  }
0xa6: {  	s4 =	sshll.u32 s26, $0x1;
	_ =	strace $0x8000004F;
	[dreg:$0x1] =	wrdreg $0xFFFFFFFF  }
0xa7: {  	s28 =	simm.s32 $_size_execute0_lowered;
	s2 =	sadd.s32 s2, s4;
	[dreg:$0x0] =	wrdreg $0x0  }
0xa8: {  	s4 =	sshll.u32 s28, $0x1;
	[dreg:$0x2] =	wrdreg s2  }
0xa9: {  	[dreg:$0x3] =	wrdreg s4  }
0xaa: {  	[dreg:$0x4] =	wrdreg $0xC0  }
0xab: {  	_ =	task [dreg:s6], $0x5FFFF  }
0xac: {  	[dreg:$0x1] =	wrdreg $0xFFFFFFFF  }
0xad: {  	[dreg:$0x0] =	wrdreg $0x60  }
0xae: {  	[dreg:$0x2] =	wrdreg s24  }
0xaf: {  	[dreg:$0x3] =	wrdreg $0xB  }
0xb0: {  	_ =	task.clear_ibuf [dreg:s6], $0x4FFFF;
	_ =	strace $0x9000004F  }
0xb1: {  	s29 =	simm.s32 $0xB;
	_ =	strace $0x80000051  }
0xb2: {  	_ =	swait.ge [sflag:s29], $0x1  }
0xb3: {  	[sflag:s29] =	ssyncadd.s32 $0xFFFFFFFF  }
0xb4: {  	_ =	strace $0x90000051  }
0xb5: {  	_ =	sfence  }
0xb6: {  	s30 =	sld [smem:$0x0];
	_ =	sdelay $0x2  }
0xb7: {  	s31 =	sshll.u32 s1, $0xD;
	s1 =	sshrl.u32 s1, $0x2  }
0xb8: {  	s3 =	sand.u32 $0x4000, s31;
	s1 =	sadd.s32 s1, s30  }
0xb9: {  	s0 =	sor.u32 s3, s0;
	s1 =	sshll.u32 s1, $0x11  }
0xba: {  	s0 =	sor.u32 s1, s0  }
0xbb: {  	s0 =	sadd.s32 $0x8F2B, s0  }
0xbc: {  	[sflag:s0] =	ssyncadd.remote.s32 $0x1  }
0xbd: {  	_ =	sfence.sel $0xFFFF  }
0xbe: {  	[dreg:$0x0] =	wrdreg $0xFFFFFFFF;
	(pc) =	sbr.abs _section_cstart, $3  }
0xbf: {  	[dreg:$0x1] =	wrdreg $0xFFFFFFFF  }
0xc0: {  	_ =	task.clear_ibuf [dreg:s6], $0x2FFFF;
	_ =	strace $0x9FFFFFFF  }
0xc1: {  	(tm) =	ssettm $0x7FFFFFFF  }
tec
execute0_lowered:
.L_overlay_start_1:
0x0: {  	(tag) =	ssettag $0x1  }
0x1: {  	s0 =	srdreg.scid;
	s5 =	rddreg [dreg:$0x0]  }
0x2: {  	s1 =	stileid.u32;
	s6 =	simm.s32 $0x1;
	s9 =	simm.s32 $0x1  }
0x3: {  	s10 =	simm.s32 $0x3;
	s13 =	simm.s32 $0x0;
	s2 =	sshll.u32 s0, $0x6  }
0x4: {  	s12 =	simm.s32 $0x0;
	s3 =	sshll.u32 s1, $0x7;
	s2 =	sand.u32 $0x40, s2  }
0x5: {  	s0 =	rddreg [dreg:$0x1];
	_ =	strace $0x80000050;
	s2 =	sor.u32 s3, s2  }
0x6: {  	s4 =	sadd.s32 $0x33E00, s5;
	[sflag:s6] =	ssyncpa.u1 $0x0;
	s8 =	ssub.s32 $0xC00, s2  }
.Ltmp0:
0x7: {  	s3 =	sadd.s32 $0x31E00, s5;
	s7 =	sand.u32 $0x7C0, s8;
	(pc) =	sbr.rel .LBB2_1-.Ltmp0, $4  }
0x8: {  	s5 =	sadd.s32 $0x20400, s5;
	s11 =	smov.u32 s2;
	p0 =	sne.s32 s7, $0x0  }
0x9: {  	s8 =	sshrl.u32 s8, $0xB;
	s7 =	simm.s32 $0x2;
	s9 =	simm.s32 @!p0 $0x0  }
0xa: {  	[sflag:s7] =	ssyncpa.u1 $0x0;
	p0 =	por $0x0, $0x0;
	s8 =	sadd.s32 s9, s8  }
0xb: {  	vm0 =	vmmov $0xffff;
	[sflag:s10] =	ssyncpa.u1 $0x0;
	s10 =	simm.s32 $0x0;
	s9 =	sadd.s32 $0x1, s8  }
.LBB2_4:
0xc: {  	v3 =	vshrl.u32 v0, $0x2;
	v4 =	vshrl.u32 v0, $0xA;
	v1 =	vor.u32 v1, v2  }
0xd: {  	v62 =	vshll.u32 v0, $0xE;
	v60 =	vand.u32 $0xFF, v3;
	v61 =	vand.u32 $0x3F, v4  }
0xe: {  	v0 =	vand.u32 $0xC000, v62;
	v2 =	vsel vm1, $0xFFFFFFFF, v60;
	v3 =	vsel vm1, $0xFFFFFFFF, v61  }
0xf: {  	v0 =	vsel vm1, $0xFFFFC000, v0;
	v63 =	vand.u32 $0x7F, v2;
	v5 =	vshll.u32 v3, $0x8  }
0x10: {  	v2 =	vshll.u32 v2, $0x3;
	v5 =	vand.u32 $0xFFFFF800, v5;
	v0 =	vor.u32 v0, v63  }
0x11: {  	v3 =	vshll.u32 v3, $0x7;
	v2 =	vand.u32 $0xFFFFFC00, v2;
	v0 =	vadd.s32 v5, v0  }
0x12: {  	v3 =	vand.u32 $0x380, v3;
	v0 =	vadd.s32 v2, v0  }
0x13: {  	v0 =	vor.u32 v3, v0;
	_ =	sdelay $0x1  }
0x14: {  	(ifvalue) =	ssetifvalue $0x7FFFFFFF;
	s14 =	sadd.s32 $0x10, s14  }
0x15: {  	[tilespmem:s14], [sflag:$0x1] =	stream.indirect_vreg.gather [hbm4b:s3+s10], $0x1, v1, vm0, $0x4038;
	[tilespmem:$0x100] =	vst v63  }
0x16: {  	(ifvalue) =	ssetifvalue $0x7FFFFFFF;
	s14 =	sadd.s32 $0x10, s14  }
0x17: {  	[tilespmem:s14], [sflag:$0x1] =	stream.indirect_vreg.gather [hbm4b:s3+s10], $0x1, v0, vm0, $0x4038;
	[tilespmem:$0x100] =	vst v63  }
0x18: {  	_ =	swait.ge [sflag:s6], $0x40  }
0x19: {  	s30 =	sshrl.u32 s13, $0x3;
	[sflag:s6] =	ssyncset.done $0x0  }
0x1a: {  	s31 =	sand.u32 $0x7, s13;
	s14 =	sadd.s32 s5, s30;
	[sflag:s6] =	ssyncadd.s32 $0xFFFFFFC0  }
0x1b: {  	[hbm4b:s14+s31] =	stream.linear.scatter [tilespmem:s15], [sflag:$0x3], $0x40, $0x38;
	[tilespmem:$0x100] =	vst v63  }
.LBB2_5:
0x1c: {  	s15 =	sadd.s32 $0x800, s11  }
0x1d: {  	p2 =	sgt.s32 s15, $0xBFF  }
0x1e: {  	s15 =	smov.u32 @p2 s2;
	p2 =	sne.s32 s12, s9  }
.Ltmp1:
0x1f: {  	p1 =	slt.u32 s12, $0x2;
	(pc) =	sbr.rel @!p2 .LBB2_6-.Ltmp1, $4  }
0x20: {  	s14 =	simm.s32 @!p1 $0x3  }
0x21: {  	s16 =	sadd.s32 $0x1, s12;
	_ =	swait.ge @!p1 [sflag:s14], $0x40  }
0x22: {  	s13 =	smov.u32 s11;
	p0 =	por !p0, !p0;
	[sflag:s14] =	ssyncset.done @!p1 $0x0  }
0x23: {  	s12 =	smov.u32 s16;
	s11 =	smov.u32 s15;
	[sflag:s14] =	ssyncadd.s32 @!p1 $0xFFFFFFC0  }
.LBB2_1:
0x24: {  	p1 =	sge.u32 s12, s8  }
0x25: {  	s14 =	sxor.u32 @!p1 $0xFFFFFFFF, s12  }
0x26: {  	s31 =	sadd.s32 $0xFFFFFFFF, s12;
	s15 =	sshrl.u32 @!p1 s11, $0x3;
	s14 =	sshll.u32 @!p1 s14, $0x6  }
0x27: {  	s16 =	sand.u32 @!p1 $0x7, s11;
	s15 =	sadd.s32 @!p1 s4, s15;
	s14 =	sand.u32 @!p1 $0x40, s14  }
0x28: {  	[tilespmem:s14], [sflag:$0x2] =	stream.linear.gather @!p1 [hbm4b:s15+s16], $0x40, $0x38;
	[tilespmem:$0x100] =	vst v63  }
0x29: {  	p1 =	sge.u32 s31, s8  }
.Ltmp2:
0x2a: {  	_ = 	snop;
	(pc) =	sbr.rel @p1 .LBB2_5-.Ltmp2, $1  }
0x2b: {  	_ =	sdelay $0x3  }
0x2c: {  	s14 =	simm.s32 $0x1  }
0x2d: {  	_ =	swait.ge [sflag:s7], $0x40;
	s14 =	simm.s32 @!p0 $0x0  }
0x2e: {  	[sflag:s7] =	ssyncset.done $0x0;
	s14 =	sshll.u32 s14, $0x6  }
0x2f: {  	[sflag:s7] =	ssyncadd.s32 $0xFFFFFFC0;
	(ifvalue) =	ssetifvalue $0x7FFFFFFF;
	v0 =	vld.msk [tilespmem:s14+$0x0 ss:$0x1], $0xffff;
	_ =	sdelay $0x4  }
0x30: {  	s15 =	sadd.s32 $0x10, s14;
	vm1 =	veq.s32 v0, $0x80000000;
	v1 =	vshrl.u32 v0, $0x2;
	v2 =	vshrl.u32 v0, $0xA  }
0x31: {  	v3 =	vld.msk [tilespmem:s15+$0x0 ss:$0x1], $0xffff;
	v0 =	vshll.u32 v0, $0xE;
	v1 =	vand.u32 $0xFF, v1;
	v2 =	vand.u32 $0x3F, v2  }
0x32: {  	v0 =	vand.u32 $0xC000, v0;
	v1 =	vsel vm1, $0xFFFFFFFF, v1;
	v2 =	vsel vm1, $0xFFFFFFFF, v2  }
0x33: {  	v0 =	vsel vm1, $0xFFFFC000, v0;
	v4 =	vand.u32 $0x7F, v1;
	v5 =	vshll.u32 v2, $0x8  }
0x34: {  	v1 =	vshll.u32 v1, $0x3;
	v5 =	vand.u32 $0xFFFFF800, v5;
	v0 =	vor.u32 v0, v4  }
0x35: {  	v2 =	vshll.u32 v2, $0x7;
	v1 =	vand.u32 $0xFFFFFC00, v1;
	v0 =	vadd.s32 v5, v0  }
0x36: {  	v62 =	vshrl.u32 v3, $0xA;
	v2 =	vand.u32 $0x380, v2;
	v0 =	vadd.s32 v1, v0  }
0x37: {  	s17 =	sadd.s32 $0x10, s15;
	vm1 =	veq.s32 v3, $0x80000000;
	v1 =	vor.u32 v2, v0;
	v2 =	vshrl.u32 v3, $0x2  }
0x38: {  	v4 =	vand.u32 $0x3F, v62;
	v0 =	vld.msk [tilespmem:s17+$0x0 ss:$0x1], $0xffff;
	v3 =	vshll.u32 v3, $0xE;
	v2 =	vand.u32 $0xFF, v2  }
0x39: {  	v4 =	vsel vm1, $0xFFFFFFFF, v4;
	v3 =	vand.u32 $0xC000, v3;
	v2 =	vsel vm1, $0xFFFFFFFF, v2  }
0x3a: {  	s31 =	sshll.u32 s12, $0x6;
	v6 =	vshll.u32 v4, $0x8;
	v3 =	vsel vm1, $0xFFFFC000, v3;
	v63 =	vand.u32 $0x7F, v2  }
0x3b: {  	s14 =	sor.u32 $0x80, s14;
	s15 =	sand.u32 $0x40, s31;
	(ifvalue) =	ssetifvalue $0x7FFFFFFF;
	v6 =	vand.u32 $0xFFFFF800, v6;
	v2 =	vshll.u32 v2, $0x3;
	v3 =	vor.u32 v3, v63  }
0x3c: {  	v2 =	vand.u32 $0xFFFFFC00, v2;
	[tilespmem:s14], [sflag:$0x1] =	stream.indirect_vreg.gather [hbm4b:s3+s10], $0x1, v1, vm0, $0x4038;
	v1 =	vshll.u32 v4, $0x7;
	v3 =	vadd.s32 v6, v3;
	[tilespmem:$0x100] =	vst v63  }
0x3d: {  	s16 =	simm.s32 $0x20;
	s15 =	sor.u32 $0x80, s15;
	s17 =	sadd.s32 $0x10, s17;
	vm1 =	veq.s32 v0, $0x80000000;
	v1 =	vand.u32 $0x380, v1;
	v2 =	vadd.s32 v2, v3  }
.LBB2_3:
0x3e: {  	v3 =	vld.msk [tilespmem:s17+$0x0 ss:$0x1], $0xffff;
	v4 =	vshrl.u32 v0, $0x2;
	v5 =	vshrl.u32 v0, $0xA;
	v1 =	vor.u32 v1, v2;
	s16 =	sadd.s32 $0x10, s16  }
0x3f: {  	v0 =	vshll.u32 v0, $0xE;
	v2 =	vand.u32 $0xFF, v4;
	v4 =	vand.u32 $0x3F, v5;
	p1 =	slt.u32 s16, $0x30  }
.Ltmp3:
0x40: {  	v0 =	vand.u32 $0xC000, v0;
	v2 =	vsel vm1, $0xFFFFFFFF, v2;
	v4 =	vsel vm1, $0xFFFFFFFF, v4;
	(pc) =	sbr.rel @p1 .LBB2_3-.Ltmp3, $4  }
0x41: {  	v0 =	vsel vm1, $0xFFFFC000, v0;
	v5 =	vand.u32 $0x7F, v2;
	v6 =	vshll.u32 v4, $0x8  }
0x42: {  	s14 =	sadd.s32 $0x10, s14;
	v2 =	vshll.u32 v2, $0x3;
	v6 =	vand.u32 $0xFFFFF800, v6;
	v7 =	vor.u32 v0, v5;
	(ifvalue) =	ssetifvalue $0x7FFFFFFF  }
0x43: {  	v4 =	vshll.u32 v4, $0x7;
	v2 =	vand.u32 $0xFFFFFC00, v2;
	v5 =	vadd.s32 v6, v7;
	[tilespmem:s14], [sflag:$0x1] =	stream.indirect_vreg.gather [hbm4b:s3+s10], $0x1, v1, vm0, $0x4038;
	[tilespmem:$0x100] =	vst v63  }
0x44: {  	s17 =	sadd.s32 $0x10, s17;
	vm1 =	veq.s32 v3, $0x80000000;
	v1 =	vand.u32 $0x380, v4;
	v0 =	vmovc v3;
	v2 =	vadd.s32 v2, v5  }
.Ltmp4:
0x45: {  	_ = 	snop;
	(pc) =	sbr.rel .LBB2_4-.Ltmp4, $1  }
0x46: {  	_ =	sdelay $0x3  }
.LBB2_6:
0x47: {  	_ =	sfence.sel $0x180000  }
0x48: {  	s2 =	simm.s32 $0x2;
	[bflag:$0x0] =	sbarrier.arrive $0xFFFF  }
0x49: {  	s30 =	simm.s32 $0x3;
	[sflag:s2] =	ssyncpa.u1 $0x1  }
0x4a: {  	s31 =	simm.s32 $0x1;
	[sflag:s30] =	ssyncpa.u1 $0x1  }
0x4b: {  	[sflag:s31] =	ssyncpa.u1 $0x1  }
0x4c: {  	p0 =	sne.s32 s1, $0x0;
	_ =	strace $0x90000050  }
0x4d: {  	s0 =	sadd.s32 @!p0 $0x100000, s0;
	[bflag:$0x2] =	sbarrier.arrive $0xFFFF  }
0x4e: {  	[sflag:s0] =	ssyncadd.tile.s32 @!p0 $0x1;
	_ =	shalt  }
.Lfunc_end2:
_tile_overlayer_lowered:
.L_overlay_start_2:
0x4f: {  	(tag) =	ssettag $0x2  }
0x50: {  	s0 =	rddreg [dreg:$0x0];
	s2 =	stileid.u32  }
0x51: {  	s1 =	rddreg [dreg:$0x1];
	p0 =	sne.s32 s2, $0x0  }
0x52: {  	s3 =	rddreg [dreg:$0x2];
	[bflag:$0x3] =	sbarrier.arrive $0xFFFF;
	s2 =	simm.s32 @!p0 $0x1C01  }
0x53: {  	[timem:s3], [sflag:s2] =	dma.local @!p0 [hbm:s0], s1  }
0x54: {  	s0 =	simm.s32 @!p0 $0x1  }
0x55: {  	_ =	swait.ge @!p0 [sflag:s0], s1  }
0x56: {  	s1 =	ssub.s32 @!p0 $0x0, s1;
	[sflag:s0] =	ssyncset.done @!p0 $0x0  }
0x57: {  	[sflag:s0] =	ssyncadd.s32 @!p0 s1  }
0x58: {  	[bflag:$0x3] =	sbarrier.arrive $0xFFFF  }
0x59: {  	_ =	shalt  }

// kernel: gather_offload_async_start
scs
__scs_entry_jumppad:
0x0: {  	(pc) =	sbr.rel $0x88, $3  }
0x1: {  	(tag) =	ssettag $0x0;
	lr =	simm.s32 $0x1  }
0x2: {  	[smem:$0x3F37] =	sst lr;
	_ =	strace $0xD0000000  }
0x3: {  	_ = 	snop  }
0x4: {  	_ = 	snop  }
0x5: {  	_ = 	snop  }
0x6: {  	_ = 	snop  }
0x7: {  	_ = 	snop  }
__scs_overlays_trampoline_lowered:
0x8: {  	[smem:$0x3F46] =	sst s0  }
0x9: {  	[smem:$0x3F47] =	sst s1  }
0xa: {  	[smem:$0x3F48] =	sst s2  }
0xb: {  	[smem:$0x3F49] =	sst s3  }
0xc: {  	[smem:$0x3F4A] =	sst s4  }
0xd: {  	[smem:$0x3F4B] =	sst s5  }
0xe: {  	[smem:$0x3F4C] =	sst s6  }
0xf: {  	[smem:$0x3F4D] =	sst s7  }
0x10: {  	[smem:$0x3F4E] =	sst s8  }
0x11: {  	[smem:$0x3F4F] =	sst s9;
	s0 =	simm.s32 @!p0 $0x0  }
0x12: {  	s1 =	sld [smem:$0x3F35];
	s0 =	simm.s32 @p0 $0x1  }
0x13: {  	[smem:$0x3F50] =	sst s0;
	s0 =	simm.s32 @!p1 $0x0  }
0x14: {  	s2 =	sld [smem:$0x3F34];
	s0 =	simm.s32 @p1 $0x1  }
0x15: {  	[smem:$0x3F51] =	sst s0;
	s0 =	simm.s32 @!p2 $0x0  }
0x16: {  	s3 =	sld [smem:$0x3FDB];
	s0 =	simm.s32 @p2 $0x1  }
0x17: {  	s4 =	simm.s32 $0x1BF5;
	[smem:$0x3F53] =	sst s0  }
0x18: {  	s0 =	sld [smem:$0x3F36];
	_ =	swait.ge [sflag:s4], $0x0  }
0x19: {  	s7 =	sld [smem:$0x3F37]  }
0x1a: {  	s8 =	sadd.s32 $0xFFFFE003, lr  }
0x1b: {  	s9 =	sadd.s32 $0xFFFFFEF7, lr;
	s5 =	simm.s32 $0xFFFFFFFF;
	p2 =	slt.u32 s8, $0xFFFFF086  }
0x1c: {  	p1 =	slt.u32 s9, $0xF7A;
	s5 =	simm.s32 @!p2 $0x0  }
0x1d: {  	s5 =	simm.s32 @p1 $0x1;
	p0 =	seq.s32 s7, s2  }
0x1e: {  	s7 =	smul.u32 @!p0 $0xF7A, s2;
	p2 =	seq.s32 @!p0 s5, $0x0  }
0x1f: {  	s9 =	smul.u32 $0xF7A, s1;
	s8 =	simm.s32 @!p0 $0x1BF5;
	p2 =	por !p2, p0  }
0x20: {  	[sflag:s8] =	ssyncset.s32 @!p0 $0xFFFFF086;
	s6 =	sadd.s32 @!p0 s3, s7;
	s7 =	simm.s32 @!p0 $0x108  }
0x21: {  	s3 =	sadd.s32 s3, s9;
	s6 =	sadd.s32 @!p0 $0x88, s6;
	s7 =	simm.s32 @p2 $0x1082  }
0x22: {  	[simem:s7], [sflag:s8] =	dma.local @!p0 [hbm:s6], $0xF7A  }
0x23: {  	s9 =	sor.u32 $0xD0000000, s2;
	s6 =	simm.s32 $0x108;
	_ =	swait.ge @!p0 [sflag:s8], $0x0  }
0x24: {  	s3 =	sadd.s32 $0x88, s3;
	s6 =	simm.s32 @!p1 $0x1082;
	[sflag:s4] =	ssyncset.s32 $0xFFFFF086  }
0x25: {  	[simem:s6], [sflag:s4] =	dma.local [hbm:s3], $0xF7A  }
0x26: {  	[smem:$0x3F37] =	sst s1;
	(tag) =	ssettag s2;
	_ =	strace s9  }
0x27: {  	s1 =	sld [smem:$0x3F47]  }
0x28: {  	s2 =	sld [smem:$0x3F48]  }
0x29: {  	s4 =	sld [smem:$0x3F4A]  }
0x2a: {  	p0 =	seq.s32 s5, $0x0;
	s5 =	sld [smem:$0x3F4B]  }
0x2b: {  	s6 =	sld [smem:$0x3F4C]  }
0x2c: {  	s7 =	sld [smem:$0x3F4D]  }
0x2d: {  	s3 =	simm.s32 $0x108;
	s8 =	sld [smem:$0x3F4E]  }
0x2e: {  	s3 =	simm.s32 @!p0 $0x1082;
	s9 =	sld [smem:$0x3F4F]  }
0x2f: {  	lr =	sadd.s32 s0, s3;
	s0 =	sld [smem:$0x3F46]  }
0x30: {  	s3 =	sld [smem:$0x3F49]  }
0x31: {  	[smem:$0x3F52] =	sst s10  }
0x32: {  	s10 =	sld [smem:$0x3F50];
	_ =	sdelay $0x3  }
0x33: {  	p0 =	seq.s32 s10, $0x1;
	s10 =	sld [smem:$0x3F52];
	_ =	sdelay $0x3  }
0x34: {  	[smem:$0x3F52] =	sst s10  }
0x35: {  	s10 =	sld [smem:$0x3F51];
	_ =	sdelay $0x3  }
0x36: {  	p1 =	seq.s32 s10, $0x1;
	s10 =	sld [smem:$0x3F52];
	_ =	sdelay $0x3  }
0x37: {  	[smem:$0x3F52] =	sst s10  }
0x38: {  	s10 =	sld [smem:$0x3F53]  }
0x39: {  	_ = 	snop;
	(pc) =	sbr.ind lr, $3  }
0x3a: {  	_ = 	snop  }
0x3b: {  	_ = 	snop  }
0x3c: {  	p2 =	seq.s32 s10, $0x1;
	s10 =	sld [smem:$0x3F52]  }
0x3d: {  	_ =	shalt  }
0x3e: {  	_ =	shalt  }
0x3f: {  	_ =	shalt  }
0x40: {  	_ =	shalt  }
0x41: {  	_ =	shalt  }
0x42: {  	_ =	shalt  }
0x43: {  	_ =	shalt  }
0x44: {  	_ =	shalt  }
0x45: {  	_ =	shalt  }
0x46: {  	_ =	shalt  }
0x47: {  	_ =	shalt  }
0x48: {  	_ =	shalt  }
0x49: {  	_ =	shalt  }
0x4a: {  	_ =	shalt  }
0x4b: {  	_ =	shalt  }
0x4c: {  	_ =	shalt  }
0x4d: {  	_ =	shalt  }
0x4e: {  	_ =	shalt  }
0x4f: {  	_ =	shalt  }
0x50: {  	_ =	shalt  }
0x51: {  	_ =	shalt  }
0x52: {  	_ =	shalt  }
0x53: {  	_ =	shalt  }
0x54: {  	_ =	shalt  }
0x55: {  	_ =	shalt  }
0x56: {  	_ =	shalt  }
0x57: {  	_ =	shalt  }
0x58: {  	_ =	shalt  }
0x59: {  	_ =	shalt  }
0x5a: {  	_ =	shalt  }
0x5b: {  	_ =	shalt  }
0x5c: {  	_ =	shalt  }
0x5d: {  	_ =	shalt  }
0x5e: {  	_ =	shalt  }
0x5f: {  	_ =	shalt  }
0x60: {  	_ =	shalt  }
0x61: {  	_ =	shalt  }
0x62: {  	_ =	shalt  }
0x63: {  	_ =	shalt  }
0x64: {  	_ =	shalt  }
0x65: {  	_ =	shalt  }
0x66: {  	_ =	shalt  }
0x67: {  	_ =	shalt  }
0x68: {  	_ =	shalt  }
0x69: {  	_ =	shalt  }
0x6a: {  	_ =	shalt  }
0x6b: {  	_ =	shalt  }
0x6c: {  	_ =	shalt  }
0x6d: {  	_ =	shalt  }
0x6e: {  	_ =	shalt  }
0x6f: {  	_ =	shalt  }
0x70: {  	_ =	shalt  }
0x71: {  	_ =	shalt  }
0x72: {  	_ =	shalt  }
0x73: {  	_ =	shalt  }
0x74: {  	_ =	shalt  }
0x75: {  	_ =	shalt  }
0x76: {  	_ =	shalt  }
0x77: {  	_ =	shalt  }
0x78: {  	_ =	shalt  }
0x79: {  	_ =	shalt  }
0x7a: {  	_ =	shalt  }
0x7b: {  	_ =	shalt  }
0x7c: {  	_ =	shalt  }
0x7d: {  	_ =	shalt  }
0x7e: {  	_ =	shalt  }
0x7f: {  	_ =	shalt  }
0x80: {  	_ =	shalt  }
0x81: {  	_ =	shalt  }
0x82: {  	_ =	shalt  }
0x83: {  	_ =	shalt  }
0x84: {  	_ =	shalt  }
0x85: {  	_ =	shalt  }
0x86: {  	_ =	shalt  }
0x87: {  	_ =	shalt  }
.Lfunc_end0:
.L_simem_size_0:
called_computation_lowered:
.L_overlay_start_0:
0x88: {  	s2 =	sld [smem:$0x3FD9]  }
0x89: {  	s3 =	sld [smem:$0x3FFE];
	_ =	sdelay $0x1  }
0x8a: {  	s1 =	srdreg.scid  }
0x8b: {  	s0 =	sand.u32 $0x1, s1  }
0x8c: {  	s17 =	sshll.u32 s0, $0xA;
	s2 =	sadd.s32 s3, s2  }
0x8d: {  	s2 =	sadd.s32 s2, s17  }
0x8e: {  	[smem:$0x3F5E] =	sst s2  }
0x8f: {  	_ = 	snop  }
0x90: {  	s2 =	sld [smem:$0x3FD0];
	(tm) =	ssettm $0x1  }
0x91: {  	s18 =	sld [smem:$0x3FFB];
	_ =	sdelay $0x3  }
0x92: {  	_ =	strace s18  }
0x93: {  	s3 =	sld [smem:$0x3FFC];
	_ =	sdelay $0x3  }
0x94: {  	_ =	strace s3  }
0x95: {  	s3 =	sld [smem:$0x3FFD];
	_ =	sdelay $0x3  }
0x96: {  	_ =	strace s3  }
0x97: {  	_ =	strace $0x8FFFFFFF  }
0x98: {  	s19 =	sld [smem:$0x3FDB];
	_ =	sdelay $0x1  }
0x99: {  	s4 =	simm.s32 $_scs_section_size  }
0x9a: {  	s5 =	simm.s32 $_size__tile_overlayer_lowered;
	s6 =	simm.s32 $_tile_overlayer_lowered  }
0x9b: {  	s22 =	simm.s32 $0x1BFF;
	s21 =	sshll.u32 s6, $0x1;
	s3 =	sadd.s32 s4, s19  }
0x9c: {  	s7 =	simm.s32 $0x0;
	s20 =	sshll.u32 s5, $0x1;
	s5 =	sadd.s32 s21, s3  }
0x9d: {  	[timem:s7], [sflag:s22] =	dma.local [hbm:s5], s20  }
0x9e: {  	_ =	swait.ge [sflag:s22], s20  }
0x9f: {  	s4 =	ssub.s32 $0x0, s20;
	[sflag:s22] =	ssyncset.done $0x0  }
0xa0: {  	[sflag:s22] =	ssyncadd.s32 s4;
	_ =	sdelay $0x1  }
0xa1: {  	s23 =	simm.s32 $0x1B8B  }
0xa2: {  	_ =	swait.ge [sflag:s23], $0x1  }
0xa3: {  	[sflag:s23] =	ssyncset.done $0x0  }
0xa4: {  	s25 =	simm.s32 $0x1B8E;
	s24 =	sld [smem:$0x3FFE];
	[sflag:s23] =	ssyncadd.s32 $0xFFFFFFFF  }
0xa5: {  	s26 =	simm.s32 $execute0_lowered;
	[smem:$0x3FD2] =	sst s25  }
0xa6: {  	s5 =	sshll.u32 s26, $0x1;
	_ =	strace $0x80000046;
	[dreg:$0x1] =	wrdreg $0xFFFFFFFF  }
0xa7: {  	s28 =	simm.s32 $_size_execute0_lowered;
	s3 =	sadd.s32 s3, s5;
	[dreg:$0x0] =	wrdreg $0x0  }
0xa8: {  	s5 =	sshll.u32 s28, $0x1;
	[dreg:$0x2] =	wrdreg s3  }
0xa9: {  	[dreg:$0x3] =	wrdreg s5  }
0xaa: {  	[dreg:$0x4] =	wrdreg $0xC0  }
0xab: {  	_ =	task [dreg:s7], $0x5FFFF  }
0xac: {  	[dreg:$0x1] =	wrdreg $0xFFFFFFFF  }
0xad: {  	[dreg:$0x0] =	wrdreg $0x60  }
0xae: {  	[dreg:$0x2] =	wrdreg s24  }
0xaf: {  	[dreg:$0x3] =	wrdreg s2  }
0xb0: {  	[dreg:$0x4] =	wrdreg $0x9  }
0xb1: {  	_ =	task.clear_ibuf [dreg:s7], $0x5FFFF;
	_ =	strace $0x90000046  }
0xb2: {  	s29 =	simm.s32 $0x9;
	_ =	strace $0x80000048  }
0xb3: {  	_ =	swait.ge [sflag:s29], $0x1  }
0xb4: {  	[sflag:s29] =	ssyncadd.s32 $0xFFFFFFFF  }
0xb5: {  	_ =	strace $0x90000048  }
0xb6: {  	_ =	sfence  }
0xb7: {  	s30 =	sld [smem:$0x0];
	_ =	sdelay $0x2  }
0xb8: {  	s31 =	sshll.u32 s1, $0xD;
	s1 =	sshrl.u32 s1, $0x2  }
0xb9: {  	s3 =	sand.u32 $0x4000, s31;
	s1 =	sadd.s32 s1, s30  }
0xba: {  	s0 =	sor.u32 s3, s0;
	s1 =	sshll.u32 s1, $0x11  }
0xbb: {  	s0 =	sor.u32 s1, s0  }
0xbc: {  	s0 =	sadd.s32 $0x8F2B, s0  }
0xbd: {  	[sflag:s0] =	ssyncadd.remote.s32 $0x1  }
0xbe: {  	_ =	sfence.sel $0xFFFF  }
0xbf: {  	[dreg:$0x0] =	wrdreg $0xFFFFFFFF;
	(pc) =	sbr.abs _section_cstart, $3  }
0xc0: {  	[dreg:$0x1] =	wrdreg $0xFFFFFFFF  }
0xc1: {  	_ =	task.clear_ibuf [dreg:s7], $0x2FFFF;
	_ =	strace $0x9FFFFFFF  }
0xc2: {  	(tm) =	ssettm $0x7FFFFFFF  }
0xc3: {  	_ =	shalt  }
tec
execute0_lowered:
.L_overlay_start_1:
0x0: {  	(tag) =	ssettag $0x1  }
0x1: {  	s7 =	rddreg [dreg:$0x0]  }
0x2: {  	s2 =	rddreg [dreg:$0x1]  }
0x3: {  	s0 =	rddreg [dreg:$0x2]  }
0x4: {  	s1 =	srdreg.scid;
	_ =	strace $0x80000047;
	s4 =	simm.s32 $0x1  }
0x5: {  	s9 =	simm.s32 $0x3;
	s12 =	simm.s32 $0x0;
	s5 =	sshll.u32 s1, $0x4  }
.Ltmp0:
0x6: {  	s1 =	stileid.u32;
	s5 =	sand.u32 $0x10, s5;
	(pc) =	sbr.rel .LBB2_1-.Ltmp0, $4  }
0x7: {  	s10 =	simm.s32 $0x0;
	s3 =	sadd.s32 $0x7C00, s7;
	s6 =	sor.u32 s1, s5  }
0x8: {  	[sflag:s4] =	ssyncpa.u1 $0x0;
	s5 =	simm.s32 $0x2;
	s6 =	sshll.u32 s6, $0x7  }
0x9: {  	s7 =	sadd.s32 $0x47C00, s7;
	[sflag:s5] =	ssyncpa.u1 $0x0;
	s8 =	sadd.s32 $0x80, s6  }
0xa: {  	vm0 =	vmmov $0xff;
	vm1 =	vcmask $0x3F20;
	[sflag:s9] =	ssyncpa.u1 $0x0;
	s9 =	simm.s32 $0x80;
	s11 =	smov.u32 s6  }
.LBB2_9:
0xb: {  	p0 =	seq.s32 s10, $0x2  }
.Ltmp1:
0xc: {  	_ = 	snop;
	(pc) =	sbr.rel @p0 .LBB2_11-.Ltmp1, $1  }
0xd: {  	_ =	sdelay $0x3  }
.LBB2_10:
0xe: {  	s12 =	sadd.s32 $0x80, s11  }
0xf: {  	s13 =	smov.u32 s6;
	p0 =	slt.s32 s12, s8  }
0x10: {  	s13 =	smov.u32 @p0 s12  }
0x11: {  	s10 =	sadd.s32 $0x1, s10;
	s12 =	smov.u32 s11;
	s11 =	smov.u32 s13  }
.LBB2_1:
0x12: {  	p0 =	sne.s32 s10, $0x0  }
.Ltmp2:
0x13: {  	_ = 	snop;
	(pc) =	sbr.rel @!p0 .LBB2_2-.Ltmp2, $1  }
0x14: {  	_ =	sdelay $0x3  }
0x15: {  	s13 =	sand.u32 $0x1, s10  }
0x16: {  	p0 =	seq.s32 s13, $0x0  }
.Ltmp3:
0x17: {  	_ = 	snop;
	(pc) =	sbr.rel @p0 .LBB2_9-.Ltmp3, $1  }
0x18: {  	_ =	sdelay $0x3  }
0x19: {  	_ =	swait.ge [sflag:s5], $0x80  }
0x1a: {  	[sflag:s5] =	ssyncset.done $0x0  }
0x1b: {  	s13 =	simm.s32 $0x0;
	[sflag:s5] =	ssyncadd.s32 $0xFFFFFF80  }
0x1c: {  	v0 =	vld.msk [tilespmem:s13+$0x80 ss:$0x1], $0xffff;
	_ =	sdelay $0x4  }
0x1d: {  	v1 =	vshll.u32 v0, $0x5  }
0x1e: {  	vm2 =	veq.s32 v0, $0x80000000;
	v0 =	vshll.u32 v0, $0x13;
	v1 =	vand.u32 $0x7FF80, v1  }
0x1f: {  	v0 =	vand.u32 $0x180000, v0;
	v1 =	vsel vm2, $0xFFFFFF80, v1  }
0x20: {  	v0 =	vsel vm2, $0xFFF80000, v0;
	v2 =	vand.u32 $0xFFFFFC00, v1  }
0x21: {  	v1 =	vand.u32 $0x380, v1;
	v0 =	vadd.s32 v0, v2  }
0x22: {  	v0 =	vor.u32 v1, v0  }
0x23: {  	v0 =	vshrl.u32 v0, $0x3;
	_ =	sdelay $0x3  }
0x24: {  	s13 =	simm.s32 $0x4100  }
0x25: {  	[tilespmem:s13], [sflag:$0x1] =	stream.indirect_vreg.gather [hbm:s3], $0x80, v0, vm0, $0x38;
	[tilespmem:$0x8100] =	vst v63  }
0x26: {  	s14 =	simm.s32 $0x4500;
	s31 =	simm.s32 $0x10  }
0x27: {  	[tilespmem:s14], [sflag:$0x1] =	stream.indirect_vreg.gather [hbm:s3], $0x80, v0, vm1, $0x38;
	[tilespmem:$0x8100] =	vst v63  }
0x28: {  	s14 =	simm.s32 $0x80;
	v0 =	vld.msk [tilespmem:s31+$0x80 ss:$0x1], $0xffff  }
.LBB2_5:
0x29: {  	p0 =	sne.s32 s14, $0x1C0;
	_ =	sdelay $0x4  }
0x2a: {  	v1 =	vshll.u32 v0, $0x5  }
0x2b: {  	vm2 =	veq.s32 v0, $0x80000000;
	v0 =	vshll.u32 v0, $0x13;
	v1 =	vand.u32 $0x7FF80, v1  }
0x2c: {  	v0 =	vand.u32 $0x180000, v0;
	v1 =	vsel vm2, $0xFFFFFF80, v1  }
0x2d: {  	v0 =	vsel vm2, $0xFFF80000, v0;
	v2 =	vand.u32 $0xFFFFFC00, v1  }
0x2e: {  	v1 =	vand.u32 $0x380, v1;
	v0 =	vadd.s32 v0, v2  }
0x2f: {  	v0 =	vor.u32 v1, v0  }
0x30: {  	v0 =	vshrl.u32 v0, $0x3;
	_ =	sdelay $0x3  }
.Ltmp4:
0x31: {  	s13 =	sadd.s32 $0x800, s13;
	(pc) =	sbr.rel @p0 .LBB2_5-.Ltmp4, $4  }
0x32: {  	[tilespmem:s13], [sflag:$0x1] =	stream.indirect_vreg.gather [hbm:s3], $0x80, v0, vm0, $0x38;
	[tilespmem:$0x8100] =	vst v63  }
0x33: {  	s15 =	sshra.s32 s14, $0x2;
	s16 =	sadd.s32 $0x400, s13  }
0x34: {  	[tilespmem:s16], [sflag:$0x1] =	stream.indirect_vreg.gather [hbm:s3], $0x80, v0, vm1, $0x38;
	[tilespmem:$0x8100] =	vst v63  }
0x35: {  	s14 =	sadd.s32 $0x40, s14;
	v0 =	vld.msk [tilespmem:s15+$0x80 ss:$0x1], $0xffff  }
0x36: {  	_ =	sdelay $0x3  }
0x37: {  	v1 =	vshll.u32 v0, $0x5  }
0x38: {  	vm2 =	veq.s32 v0, $0x80000000;
	v63 =	vshll.u32 v0, $0x13;
	v1 =	vand.u32 $0x7FF80, v1  }
0x39: {  	v0 =	vand.u32 $0x180000, v63;
	v1 =	vsel vm2, $0xFFFFFF80, v1  }
0x3a: {  	v0 =	vsel vm2, $0xFFF80000, v0;
	v2 =	vand.u32 $0xFFFFFC00, v1  }
0x3b: {  	v1 =	vand.u32 $0x380, v1;
	v0 =	vadd.s32 v0, v2  }
0x3c: {  	v0 =	vor.u32 v1, v0  }
0x3d: {  	v0 =	vshrl.u32 v0, $0x3;
	_ =	sdelay $0x3  }
0x3e: {  	s13 =	sadd.s32 $0x800, s13  }
0x3f: {  	[tilespmem:s13], [sflag:$0x1] =	stream.indirect_vreg.gather [hbm:s3], $0x80, v0, vm0, $0x38;
	[tilespmem:$0x8100] =	vst v63  }
0x40: {  	s13 =	sadd.s32 $0x400, s13  }
0x41: {  	[tilespmem:s13], [sflag:$0x1] =	stream.indirect_vreg.gather [hbm:s3], $0x80, v0, vm1, $0x38;
	[tilespmem:$0x8100] =	vst v63  }
0x42: {  	s12 =	sshll.u32 s12, $0x4;
	s14 =	simm.s32 $0x80;
	_ =	swait.ge [sflag:s4], $0x4000  }
0x43: {  	s15 =	simm.s32 $0x4500;
	s12 =	sadd.s32 s12, s7;
	[sflag:s4] =	ssyncset.done $0x0  }
0x44: {  	s16 =	sadd.s32 $0x0, s12;
	s13 =	simm.s32 $0x4100;
	[sflag:s4] =	ssyncadd.s32 $0xFFFFC000  }
.LBB2_7:
0x45: {  	[hbm:s16] =	stream.linear.scatter [tilespmem:s13], [sflag:$0x3], $0x400, $0x38;
	[tilespmem:$0x8100] =	vst v63  }
0x46: {  	s16 =	smov.u32 s14;
	s13 =	smov.u32 s15;
	p0 =	sne.s32 s14, $0x780  }
.Ltmp5:
0x47: {  	s14 =	sadd.s32 $0x80, s14;
	(pc) =	sbr.rel @p0 .LBB2_7-.Ltmp5, $2  }
0x48: {  	_ =	sdelay $0x2  }
0x49: {  	s15 =	sadd.s32 $0x400, s15;
	s16 =	sadd.s32 s16, s12  }
.Ltmp6:
0x4a: {  	(pc) =	sbr.rel .LBB2_9-.Ltmp6, $2  }
0x4b: {  	_ =	sdelay $0x2  }
0x4c: {  	[hbm:s16] =	stream.linear.scatter [tilespmem:s13], [sflag:$0x3], $0x400, $0x38;
	[tilespmem:$0x8100] =	vst v63  }
.LBB2_2:
.Ltmp7:
0x4d: {  	(pc) =	sbr.rel .LBB2_10-.Ltmp7, $4  }
0x4e: {  	_ = 	snop  }
0x4f: {  	s12 =	sshrl.u32 s11, $0x3  }
0x50: {  	s13 =	sand.u32 $0x7, s11;
	s12 =	sadd.s32 s2, s12  }
0x51: {  	[tilespmem:s9], [sflag:$0x2] =	stream.linear.gather [hbm4b:s12+s13], $0x80, $0x38;
	[tilespmem:$0x8100] =	vst v63  }
.LBB2_11:
0x52: {  	s2 =	simm.s32 $0x3  }
0x53: {  	_ =	swait.ge [sflag:s2], $0x4000  }
0x54: {  	[sflag:s2] =	ssyncset.done $0x0  }
0x55: {  	[sflag:s2] =	ssyncadd.s32 $0xFFFFC000  }
0x56: {  	_ =	sfence.sel $0x180000  }
0x57: {  	s3 =	simm.s32 $0x2;
	[bflag:$0x0] =	sbarrier.arrive $0xFFFF  }
0x58: {  	[sflag:s3] =	ssyncpa.u1 $0x1  }
0x59: {  	s31 =	simm.s32 $0x1;
	[sflag:s2] =	ssyncpa.u1 $0x1  }
0x5a: {  	[sflag:s31] =	ssyncpa.u1 $0x1  }
0x5b: {  	p0 =	sne.s32 s1, $0x0;
	_ =	strace $0x90000047  }
0x5c: {  	s0 =	sadd.s32 @!p0 $0x100000, s0;
	[bflag:$0x2] =	sbarrier.arrive $0xFFFF  }
0x5d: {  	[sflag:s0] =	ssyncadd.tile.s32 @!p0 $0x1;
	_ =	shalt  }
.Lfunc_end2:
_tile_overlayer_lowered:
.L_overlay_start_2:
0x5e: {  	(tag) =	ssettag $0x2  }
0x5f: {  	s0 =	rddreg [dreg:$0x0];
	s2 =	stileid.u32  }
0x60: {  	s1 =	rddreg [dreg:$0x1];
	p0 =	sne.s32 s2, $0x0  }
0x61: {  	s3 =	rddreg [dreg:$0x2];
	[bflag:$0x3] =	sbarrier.arrive $0xFFFF;
	s2 =	simm.s32 @!p0 $0x1C01  }
0x62: {  	[timem:s3], [sflag:s2] =	dma.local @!p0 [hbm:s0], s1  }
0x63: {  	s0 =	simm.s32 @!p0 $0x1  }
0x64: {  	_ =	swait.ge @!p0 [sflag:s0], s1  }
0x65: {  	s1 =	ssub.s32 @!p0 $0x0, s1;
	[sflag:s0] =	ssyncset.done @!p0 $0x0  }
0x66: {  	[sflag:s0] =	ssyncadd.s32 @!p0 s1  }
0x67: {  	[bflag:$0x3] =	sbarrier.arrive $0xFFFF  }
0x68: {  	_ =	shalt  }

// kernel: kernel.17.cloned.1.call-start
scs
__scs_entry_jumppad:
0x0: {  	(pc) =	sbr.rel $0x88, $3  }
0x1: {  	(tag) =	ssettag $0x0;
	lr =	simm.s32 $0x1  }
0x2: {  	[smem:$0x3F37] =	sst lr;
	_ =	strace $0xD0000000  }
0x3: {  	_ = 	snop  }
0x4: {  	_ = 	snop  }
0x5: {  	_ = 	snop  }
0x6: {  	_ = 	snop  }
0x7: {  	_ = 	snop  }
__scs_overlays_trampoline_lowered:
0x8: {  	[smem:$0x3F46] =	sst s0  }
0x9: {  	[smem:$0x3F47] =	sst s1  }
0xa: {  	[smem:$0x3F48] =	sst s2  }
0xb: {  	[smem:$0x3F49] =	sst s3  }
0xc: {  	[smem:$0x3F4A] =	sst s4  }
0xd: {  	[smem:$0x3F4B] =	sst s5  }
0xe: {  	[smem:$0x3F4C] =	sst s6  }
0xf: {  	[smem:$0x3F4D] =	sst s7  }
0x10: {  	[smem:$0x3F4E] =	sst s8  }
0x11: {  	[smem:$0x3F4F] =	sst s9;
	s0 =	simm.s32 @!p0 $0x0  }
0x12: {  	s1 =	sld [smem:$0x3F35];
	s0 =	simm.s32 @p0 $0x1  }
0x13: {  	[smem:$0x3F50] =	sst s0;
	s0 =	simm.s32 @!p1 $0x0  }
0x14: {  	s2 =	sld [smem:$0x3F34];
	s0 =	simm.s32 @p1 $0x1  }
0x15: {  	[smem:$0x3F51] =	sst s0;
	s0 =	simm.s32 @!p2 $0x0  }
0x16: {  	s3 =	sld [smem:$0x3FDB];
	s0 =	simm.s32 @p2 $0x1  }
0x17: {  	s4 =	simm.s32 $0x1BF5;
	[smem:$0x3F53] =	sst s0  }
0x18: {  	s0 =	sld [smem:$0x3F36];
	_ =	swait.ge [sflag:s4], $0x0  }
0x19: {  	s7 =	sld [smem:$0x3F37]  }
0x1a: {  	s8 =	sadd.s32 $0xFFFFE003, lr  }
0x1b: {  	s9 =	sadd.s32 $0xFFFFFEF7, lr;
	s5 =	simm.s32 $0xFFFFFFFF;
	p2 =	slt.u32 s8, $0xFFFFF086  }
0x1c: {  	p1 =	slt.u32 s9, $0xF7A;
	s5 =	simm.s32 @!p2 $0x0  }
0x1d: {  	s5 =	simm.s32 @p1 $0x1;
	p0 =	seq.s32 s7, s2  }
0x1e: {  	s7 =	smul.u32 @!p0 $0xF7A, s2;
	p2 =	seq.s32 @!p0 s5, $0x0  }
0x1f: {  	s9 =	smul.u32 $0xF7A, s1;
	s8 =	simm.s32 @!p0 $0x1BF5;
	p2 =	por !p2, p0  }
0x20: {  	[sflag:s8] =	ssyncset.s32 @!p0 $0xFFFFF086;
	s6 =	sadd.s32 @!p0 s3, s7;
	s7 =	simm.s32 @!p0 $0x108  }
0x21: {  	s3 =	sadd.s32 s3, s9;
	s6 =	sadd.s32 @!p0 $0x88, s6;
	s7 =	simm.s32 @p2 $0x1082  }
0x22: {  	[simem:s7], [sflag:s8] =	dma.local @!p0 [hbm:s6], $0xF7A  }
0x23: {  	s9 =	sor.u32 $0xD0000000, s2;
	s6 =	simm.s32 $0x108;
	_ =	swait.ge @!p0 [sflag:s8], $0x0  }
0x24: {  	s3 =	sadd.s32 $0x88, s3;
	s6 =	simm.s32 @!p1 $0x1082;
	[sflag:s4] =	ssyncset.s32 $0xFFFFF086  }
0x25: {  	[simem:s6], [sflag:s4] =	dma.local [hbm:s3], $0xF7A  }
0x26: {  	[smem:$0x3F37] =	sst s1;
	(tag) =	ssettag s2;
	_ =	strace s9  }
0x27: {  	s1 =	sld [smem:$0x3F47]  }
0x28: {  	s2 =	sld [smem:$0x3F48]  }
0x29: {  	s4 =	sld [smem:$0x3F4A]  }
0x2a: {  	p0 =	seq.s32 s5, $0x0;
	s5 =	sld [smem:$0x3F4B]  }
0x2b: {  	s6 =	sld [smem:$0x3F4C]  }
0x2c: {  	s7 =	sld [smem:$0x3F4D]  }
0x2d: {  	s3 =	simm.s32 $0x108;
	s8 =	sld [smem:$0x3F4E]  }
0x2e: {  	s3 =	simm.s32 @!p0 $0x1082;
	s9 =	sld [smem:$0x3F4F]  }
0x2f: {  	lr =	sadd.s32 s0, s3;
	s0 =	sld [smem:$0x3F46]  }
0x30: {  	s3 =	sld [smem:$0x3F49]  }
0x31: {  	[smem:$0x3F52] =	sst s10  }
0x32: {  	s10 =	sld [smem:$0x3F50];
	_ =	sdelay $0x3  }
0x33: {  	p0 =	seq.s32 s10, $0x1;
	s10 =	sld [smem:$0x3F52];
	_ =	sdelay $0x3  }
0x34: {  	[smem:$0x3F52] =	sst s10  }
0x35: {  	s10 =	sld [smem:$0x3F51];
	_ =	sdelay $0x3  }
0x36: {  	p1 =	seq.s32 s10, $0x1;
	s10 =	sld [smem:$0x3F52];
	_ =	sdelay $0x3  }
0x37: {  	[smem:$0x3F52] =	sst s10  }
0x38: {  	s10 =	sld [smem:$0x3F53]  }
0x39: {  	_ = 	snop;
	(pc) =	sbr.ind lr, $3  }
0x3a: {  	_ = 	snop  }
0x3b: {  	_ = 	snop  }
0x3c: {  	p2 =	seq.s32 s10, $0x1;
	s10 =	sld [smem:$0x3F52]  }
0x3d: {  	_ =	shalt  }
0x3e: {  	_ =	shalt  }
0x3f: {  	_ =	shalt  }
0x40: {  	_ =	shalt  }
0x41: {  	_ =	shalt  }
0x42: {  	_ =	shalt  }
0x43: {  	_ =	shalt  }
0x44: {  	_ =	shalt  }
0x45: {  	_ =	shalt  }
0x46: {  	_ =	shalt  }
0x47: {  	_ =	shalt  }
0x48: {  	_ =	shalt  }
0x49: {  	_ =	shalt  }
0x4a: {  	_ =	shalt  }
0x4b: {  	_ =	shalt  }
0x4c: {  	_ =	shalt  }
0x4d: {  	_ =	shalt  }
0x4e: {  	_ =	shalt  }
0x4f: {  	_ =	shalt  }
0x50: {  	_ =	shalt  }
0x51: {  	_ =	shalt  }
0x52: {  	_ =	shalt  }
0x53: {  	_ =	shalt  }
0x54: {  	_ =	shalt  }
0x55: {  	_ =	shalt  }
0x56: {  	_ =	shalt  }
0x57: {  	_ =	shalt  }
0x58: {  	_ =	shalt  }
0x59: {  	_ =	shalt  }
0x5a: {  	_ =	shalt  }
0x5b: {  	_ =	shalt  }
0x5c: {  	_ =	shalt  }
0x5d: {  	_ =	shalt  }
0x5e: {  	_ =	shalt  }
0x5f: {  	_ =	shalt  }
0x60: {  	_ =	shalt  }
0x61: {  	_ =	shalt  }
0x62: {  	_ =	shalt  }
0x63: {  	_ =	shalt  }
0x64: {  	_ =	shalt  }
0x65: {  	_ =	shalt  }
0x66: {  	_ =	shalt  }
0x67: {  	_ =	shalt  }
0x68: {  	_ =	shalt  }
0x69: {  	_ =	shalt  }
0x6a: {  	_ =	shalt  }
0x6b: {  	_ =	shalt  }
0x6c: {  	_ =	shalt  }
0x6d: {  	_ =	shalt  }
0x6e: {  	_ =	shalt  }
0x6f: {  	_ =	shalt  }
0x70: {  	_ =	shalt  }
0x71: {  	_ =	shalt  }
0x72: {  	_ =	shalt  }
0x73: {  	_ =	shalt  }
0x74: {  	_ =	shalt  }
0x75: {  	_ =	shalt  }
0x76: {  	_ =	shalt  }
0x77: {  	_ =	shalt  }
0x78: {  	_ =	shalt  }
0x79: {  	_ =	shalt  }
0x7a: {  	_ =	shalt  }
0x7b: {  	_ =	shalt  }
0x7c: {  	_ =	shalt  }
0x7d: {  	_ =	shalt  }
0x7e: {  	_ =	shalt  }
0x7f: {  	_ =	shalt  }
0x80: {  	_ =	shalt  }
0x81: {  	_ =	shalt  }
0x82: {  	_ =	shalt  }
0x83: {  	_ =	shalt  }
0x84: {  	_ =	shalt  }
0x85: {  	_ =	shalt  }
0x86: {  	_ =	shalt  }
0x87: {  	_ =	shalt  }
.Lfunc_end0:
.L_simem_size_0:
called_computation.4_lowered:
.L_overlay_start_0:
0x88: {  	s2 =	sld [smem:$0x3FD9]  }
0x89: {  	s3 =	sld [smem:$0x3FFE];
	_ =	sdelay $0x1  }
0x8a: {  	s1 =	srdreg.scid  }
0x8b: {  	s0 =	sand.u32 $0x1, s1  }
0x8c: {  	s17 =	sshll.u32 s0, $0xA;
	s2 =	sadd.s32 s3, s2  }
0x8d: {  	s2 =	sadd.s32 s2, s17  }
0x8e: {  	[smem:$0x3F5E] =	sst s2  }
0x8f: {  	_ = 	snop  }
0x90: {  	s2 =	sld [smem:$0x3FD0];
	(tm) =	ssettm $0x1  }
0x91: {  	s18 =	sld [smem:$0x3FFB];
	_ =	sdelay $0x3  }
0x92: {  	_ =	strace s18  }
0x93: {  	s3 =	sld [smem:$0x3FFC];
	_ =	sdelay $0x3  }
0x94: {  	_ =	strace s3  }
0x95: {  	s3 =	sld [smem:$0x3FFD];
	_ =	sdelay $0x3  }
0x96: {  	_ =	strace s3  }
0x97: {  	_ =	strace $0x8FFFFFFF  }
0x98: {  	s19 =	sld [smem:$0x3FDB];
	_ =	sdelay $0x1  }
0x99: {  	s4 =	simm.s32 $_scs_section_size  }
0x9a: {  	s5 =	simm.s32 $_size__tile_overlayer_lowered;
	s6 =	simm.s32 $_tile_overlayer_lowered  }
0x9b: {  	s22 =	simm.s32 $0x1BFF;
	s21 =	sshll.u32 s6, $0x1;
	s3 =	sadd.s32 s4, s19  }
0x9c: {  	s7 =	simm.s32 $0x0;
	s20 =	sshll.u32 s5, $0x1;
	s5 =	sadd.s32 s21, s3  }
0x9d: {  	[timem:s7], [sflag:s22] =	dma.local [hbm:s5], s20  }
0x9e: {  	_ =	swait.ge [sflag:s22], s20  }
0x9f: {  	s4 =	ssub.s32 $0x0, s20;
	[sflag:s22] =	ssyncset.done $0x0  }
0xa0: {  	[sflag:s22] =	ssyncadd.s32 s4;
	_ =	sdelay $0x1  }
0xa1: {  	s23 =	simm.s32 $0x1B8B  }
0xa2: {  	_ =	swait.ge [sflag:s23], $0x1  }
0xa3: {  	[sflag:s23] =	ssyncset.done $0x0  }
0xa4: {  	s25 =	simm.s32 $0x1B8E;
	s24 =	sld [smem:$0x3FFE];
	[sflag:s23] =	ssyncadd.s32 $0xFFFFFFFF  }
0xa5: {  	s26 =	simm.s32 $execute0_lowered;
	[smem:$0x3FD2] =	sst s25  }
0xa6: {  	s5 =	sshll.u32 s26, $0x1;
	_ =	strace $0x80000049;
	[dreg:$0x1] =	wrdreg $0xFFFFFFFF  }
0xa7: {  	s28 =	simm.s32 $_size_execute0_lowered;
	s3 =	sadd.s32 s3, s5;
	[dreg:$0x0] =	wrdreg $0x0  }
0xa8: {  	s5 =	sshll.u32 s28, $0x1;
	[dreg:$0x2] =	wrdreg s3  }
0xa9: {  	[dreg:$0x3] =	wrdreg s5  }
0xaa: {  	[dreg:$0x4] =	wrdreg $0xC0  }
0xab: {  	_ =	task [dreg:s7], $0x5FFFF  }
0xac: {  	[dreg:$0x1] =	wrdreg $0xFFFFFFFF  }
0xad: {  	[dreg:$0x0] =	wrdreg $0x60  }
0xae: {  	[dreg:$0x2] =	wrdreg s24  }
0xaf: {  	[dreg:$0x3] =	wrdreg s2  }
0xb0: {  	[dreg:$0x4] =	wrdreg $0x9  }
0xb1: {  	_ =	task.clear_ibuf [dreg:s7], $0x5FFFF;
	_ =	strace $0x90000049  }
0xb2: {  	s29 =	simm.s32 $0x9;
	_ =	strace $0x8000004B  }
0xb3: {  	_ =	swait.ge [sflag:s29], $0x1  }
0xb4: {  	[sflag:s29] =	ssyncadd.s32 $0xFFFFFFFF  }
0xb5: {  	_ =	strace $0x9000004B  }
0xb6: {  	_ =	sfence  }
0xb7: {  	s30 =	sld [smem:$0x0];
	_ =	sdelay $0x2  }
0xb8: {  	s31 =	sshll.u32 s1, $0xD;
	s1 =	sshrl.u32 s1, $0x2  }
0xb9: {  	s3 =	sand.u32 $0x4000, s31;
	s1 =	sadd.s32 s1, s30  }
0xba: {  	s0 =	sor.u32 s3, s0;
	s1 =	sshll.u32 s1, $0x11  }
0xbb: {  	s0 =	sor.u32 s1, s0  }
0xbc: {  	s0 =	sadd.s32 $0x8F2B, s0  }
0xbd: {  	[sflag:s0] =	ssyncadd.remote.s32 $0x1  }
0xbe: {  	_ =	sfence.sel $0xFFFF  }
0xbf: {  	[dreg:$0x0] =	wrdreg $0xFFFFFFFF;
	(pc) =	sbr.abs _section_cstart, $3  }
0xc0: {  	[dreg:$0x1] =	wrdreg $0xFFFFFFFF  }
0xc1: {  	_ =	task.clear_ibuf [dreg:s7], $0x2FFFF;
	_ =	strace $0x9FFFFFFF  }
0xc2: {  	(tm) =	ssettm $0x7FFFFFFF  }
0xc3: {  	_ =	shalt  }
tec
execute0_lowered:
.L_overlay_start_1:
0x0: {  	(tag) =	ssettag $0x1  }
0x1: {  	s4 =	rddreg [dreg:$0x0]  }
0x2: {  	s6 =	rddreg [dreg:$0x1]  }
0x3: {  	s0 =	rddreg [dreg:$0x2];
	s2 =	simm.s32 $0x0;
	s1 =	stileid.u32  }
0x4: {  	s3 =	srdreg.scid;
	[smem:$0x7FF] =	sst s2  }
0x5: {  	s5 =	sshll.u32 s1, $0xE;
	s7 =	sand.u32 $0x1, s3;
	s3 =	sadd.s32 $0x57C00, s4  }
0x6: {  	s9 =	sshll.u32 s1, $0xD;
	_ =	strace $0x8000004A;
	s5 =	sadd.s32 s5, s4  }
0x7: {  	s29 =	ssub.s32 $0x2, s7;
	s10 =	sshll.u32 s7, $0xC;
	s7 =	sshll.u32 s7, $0xD  }
0x8: {  	s8 =	sshrl.u32 s29, $0x1;
	s30 =	sor.u32 s10, s9;
	s5 =	sadd.s32 s7, s5  }
0x9: {  	s7 =	simm.s32 $0x2;
	s9 =	simm.s32 $0x1;
	s10 =	simm.s32 $0x0  }
0xa: {  	s4 =	ssub.s32 s29, s8;
	s31 =	sshrl.u32 s30, $0x3;
	s5 =	sadd.s32 $0x7C00, s5  }
0xb: {  	s8 =	simm.s32 $0x80;
	s4 =	smax.u32 s4, $0x1;
	s6 =	sadd.s32 s31, s6  }
.LBB2_1:
0xc: {  	s11 =	sadd.s32 $0x0, s6  }
0xd: {  	[tilespmem:s2], [sflag:$0x2] =	stream.linear.gather [hbm4b:s11+s2], $0x80, $0x38;
	[tilespmem:$0x880] =	vst v63  }
0xe: {  	_ =	swait.ge [sflag:s7], $0x80  }
0xf: {  	[sflag:s7] =	ssyncset.done $0x0  }
0x10: {  	[sflag:s7] =	ssyncadd.s32 $0xFFFFFF80  }
0x11: {  	[tilespmem:s8], [sflag:$0x1] =	stream.indirect.gather [hbm4b:s3+s8], $0x10, s2, s8, $0xb8;
	[tilespmem:$0x880] =	vst v63  }
0x12: {  	_ =	swait.ge [sflag:s9], $0x800  }
0x13: {  	[sflag:s9] =	ssyncset.done $0x0  }
0x14: {  	[sflag:s9] =	ssyncadd.s32 $0xFFFFF800  }
0x15: {  	[hbm4b:s5+s2] =	stream.linear.scatter [tilespmem:s8], [sflag:$0x2], $0x800, $0x38;
	[tilespmem:$0x880] =	vst v63  }
0x16: {  	s12 =	simm.s32 $0x10;
	_ =	swait.ge [sflag:s7], $0x800  }
0x17: {  	s13 =	simm.s32 $0x20;
	s11 =	sadd.s32 $0x100, s5;
	[sflag:s7] =	ssyncset.done $0x0  }
.LBB2_2:
0x18: {  	s14 =	sadd.s32 s12, s6  }
0x19: {  	[sflag:s7] =	ssyncadd.s32 $0xFFFFF800;
	s12 =	smov.u32 s13;
	s15 =	sadd.s32 $0x10, s13  }
0x1a: {  	[tilespmem:s2], [sflag:$0x2] =	stream.linear.gather [hbm4b:s14+s2], $0x80, $0x38;
	[tilespmem:$0x880] =	vst v63  }
0x1b: {  	p0 =	sne.s32 s13, $0x1F0;
	_ =	swait.ge [sflag:s7], $0x80  }
0x1c: {  	[sflag:s7] =	ssyncset.done $0x0  }
0x1d: {  	[sflag:s7] =	ssyncadd.s32 $0xFFFFFF80  }
0x1e: {  	[tilespmem:s8], [sflag:$0x1] =	stream.indirect.gather [hbm4b:s3+s8], $0x10, s2, s8, $0xb8;
	[tilespmem:$0x880] =	vst v63  }
0x1f: {  	_ =	swait.ge [sflag:s9], $0x800  }
.Ltmp0:
0x20: {  	[sflag:s9] =	ssyncset.done $0x0;
	(pc) =	sbr.rel @p0 .LBB2_2-.Ltmp0, $4  }
0x21: {  	[sflag:s9] =	ssyncadd.s32 $0xFFFFF800  }
0x22: {  	[hbm4b:s11+s2] =	stream.linear.scatter [tilespmem:s8], [sflag:$0x2], $0x800, $0x38;
	[tilespmem:$0x880] =	vst v63  }
0x23: {  	_ =	swait.ge [sflag:s7], $0x800  }
0x24: {  	s13 =	smov.u32 s15;
	s11 =	sadd.s32 $0x100, s11;
	[sflag:s7] =	ssyncset.done $0x0  }
0x25: {  	s12 =	sadd.s32 s12, s6;
	[sflag:s7] =	ssyncadd.s32 $0xFFFFF800  }
0x26: {  	[tilespmem:s2], [sflag:$0x2] =	stream.linear.gather [hbm4b:s12+s2], $0x80, $0x38;
	[tilespmem:$0x880] =	vst v63  }
0x27: {  	_ =	swait.ge [sflag:s7], $0x80  }
0x28: {  	[sflag:s7] =	ssyncset.done $0x0  }
0x29: {  	[sflag:s7] =	ssyncadd.s32 $0xFFFFFF80  }
0x2a: {  	[tilespmem:s8], [sflag:$0x1] =	stream.indirect.gather [hbm4b:s3+s8], $0x10, s2, s8, $0xb8;
	[tilespmem:$0x880] =	vst v63  }
0x2b: {  	s10 =	sadd.s32 $0x1, s10;
	_ =	swait.ge [sflag:s9], $0x800  }
0x2c: {  	p0 =	sne.s32 s10, s4;
	[sflag:s9] =	ssyncset.done $0x0  }
.Ltmp1:
0x2d: {  	[sflag:s9] =	ssyncadd.s32 $0xFFFFF800;
	(pc) =	sbr.rel @p0 .LBB2_1-.Ltmp1, $4  }
0x2e: {  	[hbm4b:s11+s2] =	stream.linear.scatter [tilespmem:s8], [sflag:$0x2], $0x800, $0x38;
	[tilespmem:$0x880] =	vst v63  }
0x2f: {  	_ =	swait.ge [sflag:s7], $0x800  }
0x30: {  	[sflag:s7] =	ssyncset.done $0x0  }
0x31: {  	[sflag:s7] =	ssyncadd.s32 $0xFFFFF800  }
0x32: {  	_ =	sfence.sel $0x180000  }
0x33: {  	[bflag:$0x0] =	sbarrier.arrive $0xFFFF  }
0x34: {  	p0 =	sne.s32 s1, $0x0;
	_ =	strace $0x9000004A  }
0x35: {  	s0 =	sadd.s32 @!p0 $0x100000, s0;
	[bflag:$0x2] =	sbarrier.arrive $0xFFFF  }
0x36: {  	[sflag:s0] =	ssyncadd.tile.s32 @!p0 $0x1;
	_ =	shalt  }
.Lfunc_end2:
_tile_overlayer_lowered:
.L_overlay_start_2:
0x37: {  	(tag) =	ssettag $0x2  }
0x38: {  	s0 =	rddreg [dreg:$0x0];
	s2 =	stileid.u32  }
0x39: {  	s1 =	rddreg [dreg:$0x1];
	p0 =	sne.s32 s2, $0x0  }
0x3a: {  	s3 =	rddreg [dreg:$0x2];
	[bflag:$0x3] =	sbarrier.arrive $0xFFFF;
	s2 =	simm.s32 @!p0 $0x1C02  }
0x3b: {  	[timem:s3], [sflag:s2] =	dma.local @!p0 [hbm:s0], s1  }
0x3c: {  	s0 =	simm.s32 @!p0 $0x2  }
0x3d: {  	_ =	swait.ge @!p0 [sflag:s0], s1  }
0x3e: {  	s1 =	ssub.s32 @!p0 $0x0, s1;
	[sflag:s0] =	ssyncset.done @!p0 $0x0  }
0x3f: {  	[sflag:s0] =	ssyncadd.s32 @!p0 s1  }
0x40: {  	[bflag:$0x3] =	sbarrier.arrive $0xFFFF  }
0x41: {  	_ =	shalt  }

// kernel: kernel.20.cloned.1.call-start
scs
__scs_entry_jumppad:
0x0: {  	(pc) =	sbr.rel $0x88, $3  }
0x1: {  	(tag) =	ssettag $0x0;
	lr =	simm.s32 $0x1  }
0x2: {  	[smem:$0x3F37] =	sst lr;
	_ =	strace $0xD0000000  }
0x3: {  	_ = 	snop  }
0x4: {  	_ = 	snop  }
0x5: {  	_ = 	snop  }
0x6: {  	_ = 	snop  }
0x7: {  	_ = 	snop  }
__scs_overlays_trampoline_lowered:
0x8: {  	[smem:$0x3F46] =	sst s0  }
0x9: {  	[smem:$0x3F47] =	sst s1  }
0xa: {  	[smem:$0x3F48] =	sst s2  }
0xb: {  	[smem:$0x3F49] =	sst s3  }
0xc: {  	[smem:$0x3F4A] =	sst s4  }
0xd: {  	[smem:$0x3F4B] =	sst s5  }
0xe: {  	[smem:$0x3F4C] =	sst s6  }
0xf: {  	[smem:$0x3F4D] =	sst s7  }
0x10: {  	[smem:$0x3F4E] =	sst s8  }
0x11: {  	[smem:$0x3F4F] =	sst s9;
	s0 =	simm.s32 @!p0 $0x0  }
0x12: {  	s1 =	sld [smem:$0x3F35];
	s0 =	simm.s32 @p0 $0x1  }
0x13: {  	[smem:$0x3F50] =	sst s0;
	s0 =	simm.s32 @!p1 $0x0  }
0x14: {  	s2 =	sld [smem:$0x3F34];
	s0 =	simm.s32 @p1 $0x1  }
0x15: {  	[smem:$0x3F51] =	sst s0;
	s0 =	simm.s32 @!p2 $0x0  }
0x16: {  	s3 =	sld [smem:$0x3FDB];
	s0 =	simm.s32 @p2 $0x1  }
0x17: {  	s4 =	simm.s32 $0x1BF5;
	[smem:$0x3F53] =	sst s0  }
0x18: {  	s0 =	sld [smem:$0x3F36];
	_ =	swait.ge [sflag:s4], $0x0  }
0x19: {  	s7 =	sld [smem:$0x3F37]  }
0x1a: {  	s8 =	sadd.s32 $0xFFFFE003, lr  }
0x1b: {  	s9 =	sadd.s32 $0xFFFFFEF7, lr;
	s5 =	simm.s32 $0xFFFFFFFF;
	p2 =	slt.u32 s8, $0xFFFFF086  }
0x1c: {  	p1 =	slt.u32 s9, $0xF7A;
	s5 =	simm.s32 @!p2 $0x0  }
0x1d: {  	s5 =	simm.s32 @p1 $0x1;
	p0 =	seq.s32 s7, s2  }
0x1e: {  	s7 =	smul.u32 @!p0 $0xF7A, s2;
	p2 =	seq.s32 @!p0 s5, $0x0  }
0x1f: {  	s9 =	smul.u32 $0xF7A, s1;
	s8 =	simm.s32 @!p0 $0x1BF5;
	p2 =	por !p2, p0  }
0x20: {  	[sflag:s8] =	ssyncset.s32 @!p0 $0xFFFFF086;
	s6 =	sadd.s32 @!p0 s3, s7;
	s7 =	simm.s32 @!p0 $0x108  }
0x21: {  	s3 =	sadd.s32 s3, s9;
	s6 =	sadd.s32 @!p0 $0x88, s6;
	s7 =	simm.s32 @p2 $0x1082  }
0x22: {  	[simem:s7], [sflag:s8] =	dma.local @!p0 [hbm:s6], $0xF7A  }
0x23: {  	s9 =	sor.u32 $0xD0000000, s2;
	s6 =	simm.s32 $0x108;
	_ =	swait.ge @!p0 [sflag:s8], $0x0  }
0x24: {  	s3 =	sadd.s32 $0x88, s3;
	s6 =	simm.s32 @!p1 $0x1082;
	[sflag:s4] =	ssyncset.s32 $0xFFFFF086  }
0x25: {  	[simem:s6], [sflag:s4] =	dma.local [hbm:s3], $0xF7A  }
0x26: {  	[smem:$0x3F37] =	sst s1;
	(tag) =	ssettag s2;
	_ =	strace s9  }
0x27: {  	s1 =	sld [smem:$0x3F47]  }
0x28: {  	s2 =	sld [smem:$0x3F48]  }
0x29: {  	s4 =	sld [smem:$0x3F4A]  }
0x2a: {  	p0 =	seq.s32 s5, $0x0;
	s5 =	sld [smem:$0x3F4B]  }
0x2b: {  	s6 =	sld [smem:$0x3F4C]  }
0x2c: {  	s7 =	sld [smem:$0x3F4D]  }
0x2d: {  	s3 =	simm.s32 $0x108;
	s8 =	sld [smem:$0x3F4E]  }
0x2e: {  	s3 =	simm.s32 @!p0 $0x1082;
	s9 =	sld [smem:$0x3F4F]  }
0x2f: {  	lr =	sadd.s32 s0, s3;
	s0 =	sld [smem:$0x3F46]  }
0x30: {  	s3 =	sld [smem:$0x3F49]  }
0x31: {  	[smem:$0x3F52] =	sst s10  }
0x32: {  	s10 =	sld [smem:$0x3F50];
	_ =	sdelay $0x3  }
0x33: {  	p0 =	seq.s32 s10, $0x1;
	s10 =	sld [smem:$0x3F52];
	_ =	sdelay $0x3  }
0x34: {  	[smem:$0x3F52] =	sst s10  }
0x35: {  	s10 =	sld [smem:$0x3F51];
	_ =	sdelay $0x3  }
0x36: {  	p1 =	seq.s32 s10, $0x1;
	s10 =	sld [smem:$0x3F52];
	_ =	sdelay $0x3  }
0x37: {  	[smem:$0x3F52] =	sst s10  }
0x38: {  	s10 =	sld [smem:$0x3F53]  }
0x39: {  	_ = 	snop;
	(pc) =	sbr.ind lr, $3  }
0x3a: {  	_ = 	snop  }
0x3b: {  	_ = 	snop  }
0x3c: {  	p2 =	seq.s32 s10, $0x1;
	s10 =	sld [smem:$0x3F52]  }
0x3d: {  	_ =	shalt  }
0x3e: {  	_ =	shalt  }
0x3f: {  	_ =	shalt  }
0x40: {  	_ =	shalt  }
0x41: {  	_ =	shalt  }
0x42: {  	_ =	shalt  }
0x43: {  	_ =	shalt  }
0x44: {  	_ =	shalt  }
0x45: {  	_ =	shalt  }
0x46: {  	_ =	shalt  }
0x47: {  	_ =	shalt  }
0x48: {  	_ =	shalt  }
0x49: {  	_ =	shalt  }
0x4a: {  	_ =	shalt  }
0x4b: {  	_ =	shalt  }
0x4c: {  	_ =	shalt  }
0x4d: {  	_ =	shalt  }
0x4e: {  	_ =	shalt  }
0x4f: {  	_ =	shalt  }
0x50: {  	_ =	shalt  }
0x51: {  	_ =	shalt  }
0x52: {  	_ =	shalt  }
0x53: {  	_ =	shalt  }
0x54: {  	_ =	shalt  }
0x55: {  	_ =	shalt  }
0x56: {  	_ =	shalt  }
0x57: {  	_ =	shalt  }
0x58: {  	_ =	shalt  }
0x59: {  	_ =	shalt  }
0x5a: {  	_ =	shalt  }
0x5b: {  	_ =	shalt  }
0x5c: {  	_ =	shalt  }
0x5d: {  	_ =	shalt  }
0x5e: {  	_ =	shalt  }
0x5f: {  	_ =	shalt  }
0x60: {  	_ =	shalt  }
0x61: {  	_ =	shalt  }
0x62: {  	_ =	shalt  }
0x63: {  	_ =	shalt  }
0x64: {  	_ =	shalt  }
0x65: {  	_ =	shalt  }
0x66: {  	_ =	shalt  }
0x67: {  	_ =	shalt  }
0x68: {  	_ =	shalt  }
0x69: {  	_ =	shalt  }
0x6a: {  	_ =	shalt  }
0x6b: {  	_ =	shalt  }
0x6c: {  	_ =	shalt  }
0x6d: {  	_ =	shalt  }
0x6e: {  	_ =	shalt  }
0x6f: {  	_ =	shalt  }
0x70: {  	_ =	shalt  }
0x71: {  	_ =	shalt  }
0x72: {  	_ =	shalt  }
0x73: {  	_ =	shalt  }
0x74: {  	_ =	shalt  }
0x75: {  	_ =	shalt  }
0x76: {  	_ =	shalt  }
0x77: {  	_ =	shalt  }
0x78: {  	_ =	shalt  }
0x79: {  	_ =	shalt  }
0x7a: {  	_ =	shalt  }
0x7b: {  	_ =	shalt  }
0x7c: {  	_ =	shalt  }
0x7d: {  	_ =	shalt  }
0x7e: {  	_ =	shalt  }
0x7f: {  	_ =	shalt  }
0x80: {  	_ =	shalt  }
0x81: {  	_ =	shalt  }
0x82: {  	_ =	shalt  }
0x83: {  	_ =	shalt  }
0x84: {  	_ =	shalt  }
0x85: {  	_ =	shalt  }
0x86: {  	_ =	shalt  }
0x87: {  	_ =	shalt  }
.Lfunc_end0:
.L_simem_size_0:
called_computation.5_lowered:
.L_overlay_start_0:
0x88: {  	s2 =	sld [smem:$0x3FD9]  }
0x89: {  	s3 =	sld [smem:$0x3FFE];
	_ =	sdelay $0x1  }
0x8a: {  	s1 =	srdreg.scid  }
0x8b: {  	s0 =	sand.u32 $0x1, s1  }
0x8c: {  	s16 =	sshll.u32 s0, $0xA;
	s2 =	sadd.s32 s3, s2  }
0x8d: {  	s2 =	sadd.s32 s2, s16  }
0x8e: {  	[smem:$0x3F5E] =	sst s2  }
0x8f: {  	_ = 	snop  }
0x90: {  	(tm) =	ssettm $0x1  }
0x91: {  	s17 =	sld [smem:$0x3FFB];
	_ =	sdelay $0x3  }
0x92: {  	_ =	strace s17  }
0x93: {  	s2 =	sld [smem:$0x3FFC];
	_ =	sdelay $0x3  }
0x94: {  	_ =	strace s2  }
0x95: {  	s2 =	sld [smem:$0x3FFD];
	_ =	sdelay $0x3  }
0x96: {  	_ =	strace s2  }
0x97: {  	_ =	strace $0x8FFFFFFF  }
0x98: {  	s18 =	sld [smem:$0x3FDB];
	_ =	sdelay $0x1  }
0x99: {  	s19 =	simm.s32 $_scs_section_size  }
0x9a: {  	s4 =	simm.s32 $_size__tile_overlayer_lowered;
	s5 =	simm.s32 $_tile_overlayer_lowered  }
0x9b: {  	s22 =	simm.s32 $0x1BFF;
	s21 =	sshll.u32 s5, $0x1;
	s2 =	sadd.s32 s19, s18  }
0x9c: {  	s6 =	simm.s32 $0x0;
	s20 =	sshll.u32 s4, $0x1;
	s4 =	sadd.s32 s21, s2  }
0x9d: {  	[timem:s6], [sflag:s22] =	dma.local [hbm:s4], s20  }
0x9e: {  	_ =	swait.ge [sflag:s22], s20  }
0x9f: {  	s3 =	ssub.s32 $0x0, s20;
	[sflag:s22] =	ssyncset.done $0x0  }
0xa0: {  	[sflag:s22] =	ssyncadd.s32 s3;
	_ =	sdelay $0x1  }
0xa1: {  	s23 =	simm.s32 $0x1B8B  }
0xa2: {  	_ =	swait.ge [sflag:s23], $0x1  }
0xa3: {  	[sflag:s23] =	ssyncset.done $0x0  }
0xa4: {  	s25 =	simm.s32 $0x1B8E;
	s24 =	sld [smem:$0x3FFE];
	[sflag:s23] =	ssyncadd.s32 $0xFFFFFFFF  }
0xa5: {  	s26 =	simm.s32 $execute0_lowered;
	[smem:$0x3FD2] =	sst s25  }
0xa6: {  	s4 =	sshll.u32 s26, $0x1;
	_ =	strace $0x8000004C;
	[dreg:$0x1] =	wrdreg $0xFFFFFFFF  }
0xa7: {  	s28 =	simm.s32 $_size_execute0_lowered;
	s2 =	sadd.s32 s2, s4;
	[dreg:$0x0] =	wrdreg $0x0  }
0xa8: {  	s4 =	sshll.u32 s28, $0x1;
	[dreg:$0x2] =	wrdreg s2  }
0xa9: {  	[dreg:$0x3] =	wrdreg s4  }
0xaa: {  	[dreg:$0x4] =	wrdreg $0xC0  }
0xab: {  	_ =	task [dreg:s6], $0x5FFFF  }
0xac: {  	[dreg:$0x1] =	wrdreg $0xFFFFFFFF  }
0xad: {  	[dreg:$0x0] =	wrdreg $0x60  }
0xae: {  	[dreg:$0x2] =	wrdreg s24  }
0xaf: {  	[dreg:$0x3] =	wrdreg $0x9  }
0xb0: {  	_ =	task.clear_ibuf [dreg:s6], $0x4FFFF;
	_ =	strace $0x9000004C  }
0xb1: {  	s29 =	simm.s32 $0x9;
	_ =	strace $0x8000004E  }
0xb2: {  	_ =	swait.ge [sflag:s29], $0x1  }
0xb3: {  	[sflag:s29] =	ssyncadd.s32 $0xFFFFFFFF  }
0xb4: {  	_ =	strace $0x9000004E  }
0xb5: {  	_ =	sfence  }
0xb6: {  	s30 =	sld [smem:$0x0];
	_ =	sdelay $0x2  }
0xb7: {  	s31 =	sshll.u32 s1, $0xD;
	s1 =	sshrl.u32 s1, $0x2  }
0xb8: {  	s3 =	sand.u32 $0x4000, s31;
	s1 =	sadd.s32 s1, s30  }
0xb9: {  	s0 =	sor.u32 s3, s0;
	s1 =	sshll.u32 s1, $0x11  }
0xba: {  	s0 =	sor.u32 s1, s0  }
0xbb: {  	s0 =	sadd.s32 $0x8F2B, s0  }
0xbc: {  	[sflag:s0] =	ssyncadd.remote.s32 $0x1  }
0xbd: {  	_ =	sfence.sel $0xFFFF  }
0xbe: {  	[dreg:$0x0] =	wrdreg $0xFFFFFFFF;
	(pc) =	sbr.abs _section_cstart, $3  }
0xbf: {  	[dreg:$0x1] =	wrdreg $0xFFFFFFFF  }
0xc0: {  	_ =	task.clear_ibuf [dreg:s6], $0x2FFFF;
	_ =	strace $0x9FFFFFFF  }
0xc1: {  	(tm) =	ssettm $0x7FFFFFFF  }
tec
execute0_lowered:
.L_overlay_start_1:
0x0: {  	(tag) =	ssettag $0x1  }
0x1: {  	s4 =	rddreg [dreg:$0x0]  }
0x2: {  	s0 =	rddreg [dreg:$0x1];
	s2 =	simm.s32 $0x0;
	s5 =	srdreg.scid  }
0x3: {  	s1 =	stileid.u32;
	s10 =	simm.s32 $0x0;
	[smem:$0x7FF] =	sst s2  }
0x4: {  	s3 =	sadd.s32 $0x17C00, s4;
	s5 =	sand.u32 $0x1, s5;
	s6 =	sshll.u32 s1, $0xB  }
0x5: {  	s8 =	smul.u32 $0x9000, s1;
	_ =	strace $0x8000004D;
	s7 =	sshll.u32 s5, $0xA  }
0x6: {  	s9 =	ssub.s32 $0x2, s5;
	s5 =	smul.u32 $0x4800, s5;
	s6 =	sor.u32 s7, s6  }
0x7: {  	s30 =	sshrl.u32 s9, $0x1;
	s8 =	sadd.s32 s8, s4;
	s6 =	sshrl.u32 s6, $0x3  }
0x8: {  	s7 =	ssub.s32 s9, s30;
	s31 =	sadd.s32 s5, s8;
	s8 =	simm.s32 $0x80  }
0x9: {  	s9 =	simm.s32 $0x1;
	s6 =	sadd.s32 s6, s4;
	s4 =	smax.u32 s7, $0x1  }
0xa: {  	s7 =	simm.s32 $0x2;
	s5 =	sadd.s32 $0x4BC00, s6;
	s6 =	sadd.s32 $0x4CC00, s31  }
.LBB2_1:
0xb: {  	s11 =	sadd.s32 $0x0, s5  }
0xc: {  	[tilespmem:s2], [sflag:$0x2] =	stream.linear.gather [hbm4b:s11+s2], $0x80, $0x38;
	[tilespmem:$0x4880] =	vst v63  }
0xd: {  	_ =	swait.ge [sflag:s7], $0x80  }
0xe: {  	[sflag:s7] =	ssyncset.done $0x0  }
0xf: {  	[sflag:s7] =	ssyncadd.s32 $0xFFFFFF80  }
0x10: {  	[tilespmem:s8], [sflag:$0x1] =	stream.indirect.gather [hbm4b:s3+s8], $0x90, s2, s8, $0xb8;
	[tilespmem:$0x4880] =	vst v63  }
0x11: {  	_ =	swait.ge [sflag:s9], $0x4800  }
0x12: {  	[sflag:s9] =	ssyncset.done $0x0  }
0x13: {  	[sflag:s9] =	ssyncadd.s32 $0xFFFFB800  }
0x14: {  	[hbm4b:s6+s2] =	stream.linear.scatter [tilespmem:s8], [sflag:$0x2], $0x4800, $0x38;
	[tilespmem:$0x4880] =	vst v63  }
0x15: {  	s12 =	simm.s32 $0x10;
	_ =	swait.ge [sflag:s7], $0x4800  }
0x16: {  	s13 =	simm.s32 $0x20;
	s11 =	sadd.s32 $0x900, s6;
	[sflag:s7] =	ssyncset.done $0x0  }
.LBB2_2:
0x17: {  	s14 =	sadd.s32 s12, s5  }
0x18: {  	[sflag:s7] =	ssyncadd.s32 $0xFFFFB800;
	s12 =	smov.u32 s13;
	s15 =	sadd.s32 $0x10, s13  }
0x19: {  	[tilespmem:s2], [sflag:$0x2] =	stream.linear.gather [hbm4b:s14+s2], $0x80, $0x38;
	[tilespmem:$0x4880] =	vst v63  }
0x1a: {  	p0 =	sne.s32 s13, $0x70;
	_ =	swait.ge [sflag:s7], $0x80  }
0x1b: {  	[sflag:s7] =	ssyncset.done $0x0  }
0x1c: {  	[sflag:s7] =	ssyncadd.s32 $0xFFFFFF80  }
0x1d: {  	[tilespmem:s8], [sflag:$0x1] =	stream.indirect.gather [hbm4b:s3+s8], $0x90, s2, s8, $0xb8;
	[tilespmem:$0x4880] =	vst v63  }
0x1e: {  	_ =	swait.ge [sflag:s9], $0x4800  }
.Ltmp0:
0x1f: {  	[sflag:s9] =	ssyncset.done $0x0;
	(pc) =	sbr.rel @p0 .LBB2_2-.Ltmp0, $4  }
0x20: {  	[sflag:s9] =	ssyncadd.s32 $0xFFFFB800  }
0x21: {  	[hbm4b:s11+s2] =	stream.linear.scatter [tilespmem:s8], [sflag:$0x2], $0x4800, $0x38;
	[tilespmem:$0x4880] =	vst v63  }
0x22: {  	_ =	swait.ge [sflag:s7], $0x4800  }
0x23: {  	s13 =	smov.u32 s15;
	s11 =	sadd.s32 $0x900, s11;
	[sflag:s7] =	ssyncset.done $0x0  }
0x24: {  	s12 =	sadd.s32 s12, s5;
	[sflag:s7] =	ssyncadd.s32 $0xFFFFB800  }
0x25: {  	[tilespmem:s2], [sflag:$0x2] =	stream.linear.gather [hbm4b:s12+s2], $0x80, $0x38;
	[tilespmem:$0x4880] =	vst v63  }
0x26: {  	_ =	swait.ge [sflag:s7], $0x80  }
0x27: {  	[sflag:s7] =	ssyncset.done $0x0  }
0x28: {  	[sflag:s7] =	ssyncadd.s32 $0xFFFFFF80  }
0x29: {  	[tilespmem:s8], [sflag:$0x1] =	stream.indirect.gather [hbm4b:s3+s8], $0x90, s2, s8, $0xb8;
	[tilespmem:$0x4880] =	vst v63  }
0x2a: {  	s10 =	sadd.s32 $0x1, s10;
	_ =	swait.ge [sflag:s9], $0x4800  }
0x2b: {  	p0 =	sne.s32 s10, s4;
	[sflag:s9] =	ssyncset.done $0x0  }
.Ltmp1:
0x2c: {  	[sflag:s9] =	ssyncadd.s32 $0xFFFFB800;
	(pc) =	sbr.rel @p0 .LBB2_1-.Ltmp1, $4  }
0x2d: {  	[hbm4b:s11+s2] =	stream.linear.scatter [tilespmem:s8], [sflag:$0x2], $0x4800, $0x38;
	[tilespmem:$0x4880] =	vst v63  }
0x2e: {  	_ =	swait.ge [sflag:s7], $0x4800  }
0x2f: {  	[sflag:s7] =	ssyncset.done $0x0  }
0x30: {  	[sflag:s7] =	ssyncadd.s32 $0xFFFFB800  }
0x31: {  	_ =	sfence.sel $0x180000  }
0x32: {  	[bflag:$0x0] =	sbarrier.arrive $0xFFFF  }
0x33: {  	p0 =	sne.s32 s1, $0x0;
	_ =	strace $0x9000004D  }
0x34: {  	s0 =	sadd.s32 @!p0 $0x100000, s0;
	[bflag:$0x2] =	sbarrier.arrive $0xFFFF  }
0x35: {  	[sflag:s0] =	ssyncadd.tile.s32 @!p0 $0x1;
	_ =	shalt  }
.Lfunc_end2:
_tile_overlayer_lowered:
.L_overlay_start_2:
0x36: {  	(tag) =	ssettag $0x2  }
0x37: {  	s0 =	rddreg [dreg:$0x0];
	s2 =	stileid.u32  }
0x38: {  	s1 =	rddreg [dreg:$0x1];
	p0 =	sne.s32 s2, $0x0  }
0x39: {  	s3 =	rddreg [dreg:$0x2];
	[bflag:$0x3] =	sbarrier.arrive $0xFFFF;
	s2 =	simm.s32 @!p0 $0x1C02  }
0x3a: {  	[timem:s3], [sflag:s2] =	dma.local @!p0 [hbm:s0], s1  }
0x3b: {  	s0 =	simm.s32 @!p0 $0x2  }
0x3c: {  	_ =	swait.ge @!p0 [sflag:s0], s1  }
0x3d: {  	s1 =	ssub.s32 @!p0 $0x0, s1;
	[sflag:s0] =	ssyncset.done @!p0 $0x0  }
0x3e: {  	[sflag:s0] =	ssyncadd.s32 @!p0 s1  }
0x3f: {  	[bflag:$0x3] =	sbarrier.arrive $0xFFFF  }
0x40: {  	_ =	shalt  }

// kernel: kernel.23.cloned.1.call-start
scs
__scs_entry_jumppad:
0x0: {  	(pc) =	sbr.rel $0x88, $3  }
0x1: {  	(tag) =	ssettag $0x0;
	lr =	simm.s32 $0x1  }
0x2: {  	[smem:$0x3F37] =	sst lr;
	_ =	strace $0xD0000000  }
0x3: {  	_ = 	snop  }
0x4: {  	_ = 	snop  }
0x5: {  	_ = 	snop  }
0x6: {  	_ = 	snop  }
0x7: {  	_ = 	snop  }
__scs_overlays_trampoline_lowered:
0x8: {  	[smem:$0x3F46] =	sst s0  }
0x9: {  	[smem:$0x3F47] =	sst s1  }
0xa: {  	[smem:$0x3F48] =	sst s2  }
0xb: {  	[smem:$0x3F49] =	sst s3  }
0xc: {  	[smem:$0x3F4A] =	sst s4  }
0xd: {  	[smem:$0x3F4B] =	sst s5  }
0xe: {  	[smem:$0x3F4C] =	sst s6  }
0xf: {  	[smem:$0x3F4D] =	sst s7  }
0x10: {  	[smem:$0x3F4E] =	sst s8  }
0x11: {  	[smem:$0x3F4F] =	sst s9;
	s0 =	simm.s32 @!p0 $0x0  }
0x12: {  	s1 =	sld [smem:$0x3F35];
	s0 =	simm.s32 @p0 $0x1  }
0x13: {  	[smem:$0x3F50] =	sst s0;
	s0 =	simm.s32 @!p1 $0x0  }
0x14: {  	s2 =	sld [smem:$0x3F34];
	s0 =	simm.s32 @p1 $0x1  }
0x15: {  	[smem:$0x3F51] =	sst s0;
	s0 =	simm.s32 @!p2 $0x0  }
0x16: {  	s3 =	sld [smem:$0x3FDB];
	s0 =	simm.s32 @p2 $0x1  }
0x17: {  	s4 =	simm.s32 $0x1BF5;
	[smem:$0x3F53] =	sst s0  }
0x18: {  	s0 =	sld [smem:$0x3F36];
	_ =	swait.ge [sflag:s4], $0x0  }
0x19: {  	s7 =	sld [smem:$0x3F37]  }
0x1a: {  	s8 =	sadd.s32 $0xFFFFE003, lr  }
0x1b: {  	s9 =	sadd.s32 $0xFFFFFEF7, lr;
	s5 =	simm.s32 $0xFFFFFFFF;
	p2 =	slt.u32 s8, $0xFFFFF086  }
0x1c: {  	p1 =	slt.u32 s9, $0xF7A;
	s5 =	simm.s32 @!p2 $0x0  }
0x1d: {  	s5 =	simm.s32 @p1 $0x1;
	p0 =	seq.s32 s7, s2  }
0x1e: {  	s7 =	smul.u32 @!p0 $0xF7A, s2;
	p2 =	seq.s32 @!p0 s5, $0x0  }
0x1f: {  	s9 =	smul.u32 $0xF7A, s1;
	s8 =	simm.s32 @!p0 $0x1BF5;
	p2 =	por !p2, p0  }
0x20: {  	[sflag:s8] =	ssyncset.s32 @!p0 $0xFFFFF086;
	s6 =	sadd.s32 @!p0 s3, s7;
	s7 =	simm.s32 @!p0 $0x108  }
0x21: {  	s3 =	sadd.s32 s3, s9;
	s6 =	sadd.s32 @!p0 $0x88, s6;
	s7 =	simm.s32 @p2 $0x1082  }
0x22: {  	[simem:s7], [sflag:s8] =	dma.local @!p0 [hbm:s6], $0xF7A  }
0x23: {  	s9 =	sor.u32 $0xD0000000, s2;
	s6 =	simm.s32 $0x108;
	_ =	swait.ge @!p0 [sflag:s8], $0x0  }
0x24: {  	s3 =	sadd.s32 $0x88, s3;
	s6 =	simm.s32 @!p1 $0x1082;
	[sflag:s4] =	ssyncset.s32 $0xFFFFF086  }
0x25: {  	[simem:s6], [sflag:s4] =	dma.local [hbm:s3], $0xF7A  }
0x26: {  	[smem:$0x3F37] =	sst s1;
	(tag) =	ssettag s2;
	_ =	strace s9  }
0x27: {  	s1 =	sld [smem:$0x3F47]  }
0x28: {  	s2 =	sld [smem:$0x3F48]  }
0x29: {  	s4 =	sld [smem:$0x3F4A]  }
0x2a: {  	p0 =	seq.s32 s5, $0x0;
	s5 =	sld [smem:$0x3F4B]  }
0x2b: {  	s6 =	sld [smem:$0x3F4C]  }
0x2c: {  	s7 =	sld [smem:$0x3F4D]  }
0x2d: {  	s3 =	simm.s32 $0x108;
	s8 =	sld [smem:$0x3F4E]  }
0x2e: {  	s3 =	simm.s32 @!p0 $0x1082;
	s9 =	sld [smem:$0x3F4F]  }
0x2f: {  	lr =	sadd.s32 s0, s3;
	s0 =	sld [smem:$0x3F46]  }
0x30: {  	s3 =	sld [smem:$0x3F49]  }
0x31: {  	[smem:$0x3F52] =	sst s10  }
0x32: {  	s10 =	sld [smem:$0x3F50];
	_ =	sdelay $0x3  }
0x33: {  	p0 =	seq.s32 s10, $0x1;
	s10 =	sld [smem:$0x3F52];
	_ =	sdelay $0x3  }
0x34: {  	[smem:$0x3F52] =	sst s10  }
0x35: {  	s10 =	sld [smem:$0x3F51];
	_ =	sdelay $0x3  }
0x36: {  	p1 =	seq.s32 s10, $0x1;
	s10 =	sld [smem:$0x3F52];
	_ =	sdelay $0x3  }
0x37: {  	[smem:$0x3F52] =	sst s10  }
0x38: {  	s10 =	sld [smem:$0x3F53]  }
0x39: {  	_ = 	snop;
	(pc) =	sbr.ind lr, $3  }
0x3a: {  	_ = 	snop  }
0x3b: {  	_ = 	snop  }
0x3c: {  	p2 =	seq.s32 s10, $0x1;
	s10 =	sld [smem:$0x3F52]  }
0x3d: {  	_ =	shalt  }
0x3e: {  	_ =	shalt  }
0x3f: {  	_ =	shalt  }
0x40: {  	_ =	shalt  }
0x41: {  	_ =	shalt  }
0x42: {  	_ =	shalt  }
0x43: {  	_ =	shalt  }
0x44: {  	_ =	shalt  }
0x45: {  	_ =	shalt  }
0x46: {  	_ =	shalt  }
0x47: {  	_ =	shalt  }
0x48: {  	_ =	shalt  }
0x49: {  	_ =	shalt  }
0x4a: {  	_ =	shalt  }
0x4b: {  	_ =	shalt  }
0x4c: {  	_ =	shalt  }
0x4d: {  	_ =	shalt  }
0x4e: {  	_ =	shalt  }
0x4f: {  	_ =	shalt  }
0x50: {  	_ =	shalt  }
0x51: {  	_ =	shalt  }
0x52: {  	_ =	shalt  }
0x53: {  	_ =	shalt  }
0x54: {  	_ =	shalt  }
0x55: {  	_ =	shalt  }
0x56: {  	_ =	shalt  }
0x57: {  	_ =	shalt  }
0x58: {  	_ =	shalt  }
0x59: {  	_ =	shalt  }
0x5a: {  	_ =	shalt  }
0x5b: {  	_ =	shalt  }
0x5c: {  	_ =	shalt  }
0x5d: {  	_ =	shalt  }
0x5e: {  	_ =	shalt  }
0x5f: {  	_ =	shalt  }
0x60: {  	_ =	shalt  }
0x61: {  	_ =	shalt  }
0x62: {  	_ =	shalt  }
0x63: {  	_ =	shalt  }
0x64: {  	_ =	shalt  }
0x65: {  	_ =	shalt  }
0x66: {  	_ =	shalt  }
0x67: {  	_ =	shalt  }
0x68: {  	_ =	shalt  }
0x69: {  	_ =	shalt  }
0x6a: {  	_ =	shalt  }
0x6b: {  	_ =	shalt  }
0x6c: {  	_ =	shalt  }
0x6d: {  	_ =	shalt  }
0x6e: {  	_ =	shalt  }
0x6f: {  	_ =	shalt  }
0x70: {  	_ =	shalt  }
0x71: {  	_ =	shalt  }
0x72: {  	_ =	shalt  }
0x73: {  	_ =	shalt  }
0x74: {  	_ =	shalt  }
0x75: {  	_ =	shalt  }
0x76: {  	_ =	shalt  }
0x77: {  	_ =	shalt  }
0x78: {  	_ =	shalt  }
0x79: {  	_ =	shalt  }
0x7a: {  	_ =	shalt  }
0x7b: {  	_ =	shalt  }
0x7c: {  	_ =	shalt  }
0x7d: {  	_ =	shalt  }
0x7e: {  	_ =	shalt  }
0x7f: {  	_ =	shalt  }
0x80: {  	_ =	shalt  }
0x81: {  	_ =	shalt  }
0x82: {  	_ =	shalt  }
0x83: {  	_ =	shalt  }
0x84: {  	_ =	shalt  }
0x85: {  	_ =	shalt  }
0x86: {  	_ =	shalt  }
0x87: {  	_ =	shalt  }
.Lfunc_end0:
.L_simem_size_0:
called_computation.6_lowered:
.L_overlay_start_0:
0x88: {  	s2 =	sld [smem:$0x3FD9]  }
0x89: {  	s3 =	sld [smem:$0x3FFE];
	_ =	sdelay $0x1  }
0x8a: {  	s1 =	srdreg.scid  }
0x8b: {  	s0 =	sand.u32 $0x1, s1  }
0x8c: {  	s17 =	sshll.u32 s0, $0xA;
	s2 =	sadd.s32 s3, s2  }
0x8d: {  	s2 =	sadd.s32 s2, s17  }
0x8e: {  	[smem:$0x3F5E] =	sst s2  }
0x8f: {  	_ = 	snop  }
0x90: {  	(tm) =	ssettm $0x1  }
0x91: {  	s18 =	sld [smem:$0x3FFB];
	_ =	sdelay $0x3  }
0x92: {  	_ =	strace s18  }
0x93: {  	s2 =	sld [smem:$0x3FFC];
	_ =	sdelay $0x3  }
0x94: {  	_ =	strace s2  }
0x95: {  	s2 =	sld [smem:$0x3FFD];
	_ =	sdelay $0x3  }
0x96: {  	_ =	strace s2  }
0x97: {  	_ =	strace $0x8FFFFFFF  }
0x98: {  	s19 =	sld [smem:$0x3FDB];
	_ =	sdelay $0x1  }
0x99: {  	s20 =	simm.s32 $_scs_section_size  }
0x9a: {  	s4 =	simm.s32 $_size__tile_overlayer_lowered;
	s5 =	simm.s32 $_tile_overlayer_lowered  }
0x9b: {  	s6 =	simm.s32 $0x1BFF;
	s21 =	sshll.u32 s5, $0x1;
	s3 =	sadd.s32 s20, s19  }
0x9c: {  	s22 =	simm.s32 $0x0;
	s4 =	sshll.u32 s4, $0x1;
	s5 =	sadd.s32 s21, s3  }
0x9d: {  	[timem:s22], [sflag:s6] =	dma.local [hbm:s5], s4  }
0x9e: {  	_ =	swait.ge [sflag:s6], s4  }
0x9f: {  	s4 =	ssub.s32 $0x0, s4;
	[sflag:s6] =	ssyncset.done $0x0  }
0xa0: {  	[sflag:s6] =	ssyncadd.s32 s4;
	_ =	sdelay $0x1  }
0xa1: {  	s23 =	simm.s32 $0x1B8B  }
0xa2: {  	_ =	swait.ge [sflag:s23], $0x1  }
0xa3: {  	[sflag:s23] =	ssyncset.done $0x0  }
0xa4: {  	[sflag:s23] =	ssyncadd.s32 $0xFFFFFFFF  }
0xa5: {  	s4 =	sld [smem:$0x0]  }
0xa6: {  	s5 =	sand.u32 $0xFFFFFFFE, s1  }
0xa7: {  	p0 =	sne.s32 s1, s5  }
0xa8: {  	s5 =	sshll.u32 @p0 s5, $0xE  }
0xa9: {  	s5 =	sadd.s32 @p0 $0x11B8D, s5;
	s6 =	sshll.u32 @p0 s4, $0x11  }
0xaa: {  	s5 =	sor.u32 @p0 s6, s5  }
0xab: {  	[sflag:s5] =	ssyncadd.remote.s32 @p0 $0x1;
	_ =	sdelay $0x1  }
0xac: {  	s5 =	simm.s32 @p0 $0x1B8D  }
0xad: {  	_ =	swait.eq @p0 [sflag:s5], $0x1  }
0xae: {  	[sflag:s5] =	ssyncadd.s32 @p0 $0xFFFFFFFF  }
0xaf: {  	s6 =	sshll.u32 @!p0 s1, $0xE  }
0xb0: {  	s6 =	sor.u32 @!p0 $0x4000, s6;
	s5 =	simm.s32 @!p0 $0x1B8D  }
0xb1: {  	s4 =	sshll.u32 @!p0 s4, $0x11;
	s6 =	sadd.s32 @!p0 $0x11B8D, s6;
	_ =	swait.eq @!p0 [sflag:s5], $0x1  }
0xb2: {  	s4 =	sor.u32 @!p0 s4, s6;
	[sflag:s5] =	ssyncadd.s32 @!p0 $0xFFFFFFFF  }
0xb3: {  	s25 =	simm.s32 $0x1B8E;
	s24 =	sld [smem:$0x3FFE];
	[sflag:s4] =	ssyncadd.remote.s32 @!p0 $0x1  }
0xb4: {  	s26 =	simm.s32 $execute0_lowered;
	[smem:$0x3FD2] =	sst s25  }
0xb5: {  	s5 =	sshll.u32 s26, $0x1;
	_ =	strace $0x80000058;
	[dreg:$0x1] =	wrdreg $0xFFFFFFFF  }
0xb6: {  	s28 =	simm.s32 $_size_execute0_lowered;
	s3 =	sadd.s32 s3, s5;
	[dreg:$0x0] =	wrdreg $0x0  }
0xb7: {  	s5 =	sshll.u32 s28, $0x1;
	[dreg:$0x2] =	wrdreg s3  }
0xb8: {  	[dreg:$0x3] =	wrdreg s5  }
0xb9: {  	[dreg:$0x4] =	wrdreg $0xC0  }
0xba: {  	_ =	task [dreg:s22], $0x5FFFF  }
0xbb: {  	[dreg:$0x1] =	wrdreg $0xFFFFFFFF  }
0xbc: {  	[dreg:$0x0] =	wrdreg $0x60  }
0xbd: {  	[dreg:$0x2] =	wrdreg s24  }
0xbe: {  	[dreg:$0x3] =	wrdreg $0xC  }
0xbf: {  	_ =	task.clear_ibuf [dreg:s22], $0x4FFFF;
	_ =	strace $0x90000058  }
0xc0: {  	s29 =	simm.s32 $0xC;
	_ =	strace $0x8000005A  }
0xc1: {  	_ =	swait.ge [sflag:s29], $0x1  }
0xc2: {  	[sflag:s29] =	ssyncadd.s32 $0xFFFFFFFF  }
0xc3: {  	_ =	strace $0x9000005A  }
0xc4: {  	_ =	sfence  }
0xc5: {  	s30 =	sld [smem:$0x0];
	_ =	sdelay $0x2  }
0xc6: {  	s31 =	sshll.u32 s1, $0xD;
	s1 =	sshrl.u32 s1, $0x2  }
0xc7: {  	s4 =	sand.u32 $0x4000, s31;
	s1 =	sadd.s32 s1, s30  }
0xc8: {  	s0 =	sor.u32 s4, s0;
	s1 =	sshll.u32 s1, $0x11  }
0xc9: {  	s0 =	sor.u32 s1, s0  }
0xca: {  	s0 =	sadd.s32 $0x8F2B, s0  }
0xcb: {  	[sflag:s0] =	ssyncadd.remote.s32 $0x1  }
0xcc: {  	_ =	sfence.sel $0xFFFF  }
0xcd: {  	[dreg:$0x0] =	wrdreg $0xFFFFFFFF;
	(pc) =	sbr.abs _section_cstart, $3  }
0xce: {  	[dreg:$0x1] =	wrdreg $0xFFFFFFFF  }
0xcf: {  	_ =	task.clear_ibuf [dreg:s22], $0x2FFFF;
	_ =	strace $0x9FFFFFFF  }
0xd0: {  	(tm) =	ssettm $0x7FFFFFFF  }
0xd1: {  	_ =	shalt  }
tec
execute0_lowered:
.L_overlay_start_1:
0x0: {  	(tag) =	ssettag $0x1  }
0x1: {  	s1 =	srdreg.scid  }
0x2: {  	s0 =	stileid.u32;
	s10 =	sand.u32 $0x1, s1  }
0x3: {  	s8 =	rddreg [dreg:$0x0];
	s3 =	sshll.u32 s0, $0x9;
	s4 =	sshll.u32 s10, $0x8  }
0x4: {  	s2 =	simm.s32 $0x0;
	s1 =	rddreg [dreg:$0x1];
	s9 =	sor.u32 s4, s3  }
0x5: {  	[smem:$0x7FF] =	sst s2;
	s11 =	sadd.s32 $0x31A00, s8;
	s3 =	sshrl.u32 s9, $0x3  }
0x6: {  	_ =	strace $0x80000059;
	s4 =	sadd.s32 s11, s3;
	s3 =	simm.s32 $0x2  }
0x7: {  	[tilespmem:s2], [sflag:$0x2] =	stream.linear.gather [hbm4b:s4+s2], $0x80, $0x38;
	[tilespmem:$0x8880] =	vst v63  }
0x8: {  	_ =	swait.ge [sflag:s3], $0x80  }
0x9: {  	s6 =	simm.s32 $0x80;
	[sflag:s3] =	ssyncset.done $0x0  }
0xa: {  	s7 =	simm.s32 $0x1;
	s5 =	sadd.s32 $0x17C00, s8;
	[sflag:s3] =	ssyncadd.s32 $0xFFFFFF80  }
0xb: {  	[tilespmem:s6], [sflag:$0x1] =	stream.indirect.gather [hbm4b:s5+s6], $0x110, s2, s6, $0xb8;
	[tilespmem:$0x8880] =	vst v63  }
0xc: {  	s12 =	smul.u32 $0x22, s9;
	_ =	swait.ge [sflag:s7], $0x8800  }
0xd: {  	s13 =	sadd.s32 $0x3DE00, s8;
	[sflag:s7] =	ssyncset.done $0x0  }
0xe: {  	s8 =	sadd.s32 s13, s12;
	[sflag:s7] =	ssyncadd.s32 $0xFFFF7800  }
0xf: {  	[hbm4b:s8+s2] =	stream.linear.scatter [tilespmem:s6], [sflag:$0x2], $0x8800, $0x38;
	[tilespmem:$0x8880] =	vst v63  }
0x10: {  	s30 =	sor.u32 $0x80, s9;
	_ =	swait.ge [sflag:s3], $0x8800  }
0x11: {  	s9 =	sshrl.u32 s30, $0x3;
	[sflag:s3] =	ssyncset.done $0x0  }
0x12: {  	s10 =	ssub.s32 $0x2, s10;
	s9 =	sadd.s32 s11, s9;
	[sflag:s3] =	ssyncadd.s32 $0xFFFF7800  }
0x13: {  	[tilespmem:s2], [sflag:$0x2] =	stream.linear.gather [hbm4b:s9+s2], $0x80, $0x38;
	[tilespmem:$0x8880] =	vst v63  }
0x14: {  	s31 =	sshrl.u32 s10, $0x1;
	_ =	swait.ge [sflag:s3], $0x80  }
0x15: {  	s11 =	ssub.s32 s10, s31;
	[sflag:s3] =	ssyncset.done $0x0  }
0x16: {  	s11 =	smax.u32 s11, $0x1;
	[sflag:s3] =	ssyncadd.s32 $0xFFFFFF80  }
0x17: {  	[tilespmem:s6], [sflag:$0x1] =	stream.indirect.gather [hbm4b:s5+s6], $0x110, s2, s6, $0xb8;
	[tilespmem:$0x8880] =	vst v63  }
0x18: {  	s12 =	smul.u32 $0x22, s30;
	p0 =	sne.s32 s11, $0x1;
	_ =	swait.ge [sflag:s7], $0x8800  }
.Ltmp0:
0x19: {  	[sflag:s7] =	ssyncset.done $0x0;
	(pc) =	sbr.rel @!p0 .LBB2_2-.Ltmp0, $4  }
0x1a: {  	s10 =	sadd.s32 s13, s12;
	[sflag:s7] =	ssyncadd.s32 $0xFFFF7800  }
0x1b: {  	[hbm4b:s10+s2] =	stream.linear.scatter [tilespmem:s6], [sflag:$0x2], $0x8800, $0x38;
	[tilespmem:$0x8880] =	vst v63  }
0x1c: {  	_ =	swait.ge [sflag:s3], $0x8800  }
0x1d: {  	s11 =	sadd.s32 $0xFFFFFFFF, s11;
	[sflag:s3] =	ssyncset.done $0x0  }
.LBB2_1:
0x1e: {  	p0 =	sne.s32 s11, $0x1;
	s11 =	sadd.s32 $0xFFFFFFFF, s11;
	[sflag:s3] =	ssyncadd.s32 $0xFFFF7800  }
0x1f: {  	[tilespmem:s2], [sflag:$0x2] =	stream.linear.gather [hbm4b:s4+s2], $0x80, $0x38;
	[tilespmem:$0x8880] =	vst v63  }
0x20: {  	_ =	swait.ge [sflag:s3], $0x80  }
0x21: {  	[sflag:s3] =	ssyncset.done $0x0  }
0x22: {  	[sflag:s3] =	ssyncadd.s32 $0xFFFFFF80  }
0x23: {  	[tilespmem:s6], [sflag:$0x1] =	stream.indirect.gather [hbm4b:s5+s6], $0x110, s2, s6, $0xb8;
	[tilespmem:$0x8880] =	vst v63  }
0x24: {  	_ =	swait.ge [sflag:s7], $0x8800  }
0x25: {  	[sflag:s7] =	ssyncset.done $0x0  }
0x26: {  	[sflag:s7] =	ssyncadd.s32 $0xFFFF7800  }
0x27: {  	[hbm4b:s8+s2] =	stream.linear.scatter [tilespmem:s6], [sflag:$0x2], $0x8800, $0x38;
	[tilespmem:$0x8880] =	vst v63  }
0x28: {  	_ =	swait.ge [sflag:s3], $0x8800  }
0x29: {  	[sflag:s3] =	ssyncset.done $0x0  }
0x2a: {  	[sflag:s3] =	ssyncadd.s32 $0xFFFF7800  }
0x2b: {  	[tilespmem:s2], [sflag:$0x2] =	stream.linear.gather [hbm4b:s9+s2], $0x80, $0x38;
	[tilespmem:$0x8880] =	vst v63  }
0x2c: {  	_ =	swait.ge [sflag:s3], $0x80  }
0x2d: {  	[sflag:s3] =	ssyncset.done $0x0  }
0x2e: {  	[sflag:s3] =	ssyncadd.s32 $0xFFFFFF80  }
0x2f: {  	[tilespmem:s6], [sflag:$0x1] =	stream.indirect.gather [hbm4b:s5+s6], $0x110, s2, s6, $0xb8;
	[tilespmem:$0x8880] =	vst v63  }
0x30: {  	_ =	swait.ge [sflag:s7], $0x8800  }
.Ltmp1:
0x31: {  	[sflag:s7] =	ssyncset.done $0x0;
	(pc) =	sbr.rel @p0 .LBB2_1-.Ltmp1, $4  }
0x32: {  	[sflag:s7] =	ssyncadd.s32 $0xFFFF7800  }
0x33: {  	[hbm4b:s10+s2] =	stream.linear.scatter [tilespmem:s6], [sflag:$0x2], $0x8800, $0x38;
	[tilespmem:$0x8880] =	vst v63  }
0x34: {  	_ =	swait.ge [sflag:s3], $0x8800  }
0x35: {  	[sflag:s3] =	ssyncset.done $0x0  }
.LBB2_2:
0x36: {  	[sflag:s3] =	ssyncadd.s32 $0xFFFF7800  }
0x37: {  	_ =	sfence.sel $0x180000  }
0x38: {  	[bflag:$0x0] =	sbarrier.arrive $0xFFFF  }
0x39: {  	p0 =	sne.s32 s0, $0x0;
	_ =	strace $0x90000059  }
0x3a: {  	s0 =	sadd.s32 @!p0 $0x100000, s1;
	[bflag:$0x2] =	sbarrier.arrive $0xFFFF  }
0x3b: {  	[sflag:s0] =	ssyncadd.tile.s32 @!p0 $0x1;
	_ =	shalt  }
.Lfunc_end2:
_tile_overlayer_lowered:
.L_overlay_start_2:
0x3c: {  	(tag) =	ssettag $0x2  }
0x3d: {  	s0 =	rddreg [dreg:$0x0];
	s2 =	stileid.u32  }
0x3e: {  	s1 =	rddreg [dreg:$0x1];
	p0 =	sne.s32 s2, $0x0  }
0x3f: {  	s3 =	rddreg [dreg:$0x2];
	[bflag:$0x3] =	sbarrier.arrive $0xFFFF;
	s2 =	simm.s32 @!p0 $0x1C02  }
0x40: {  	[timem:s3], [sflag:s2] =	dma.local @!p0 [hbm:s0], s1  }
0x41: {  	s0 =	simm.s32 @!p0 $0x2  }
0x42: {  	_ =	swait.ge @!p0 [sflag:s0], s1  }
0x43: {  	s1 =	ssub.s32 @!p0 $0x0, s1;
	[sflag:s0] =	ssyncset.done @!p0 $0x0  }
0x44: {  	[sflag:s0] =	ssyncadd.s32 @!p0 s1  }
0x45: {  	[bflag:$0x3] =	sbarrier.arrive $0xFFFF  }
0x46: {  	_ =	shalt  }

</sc_bundles>
